<compile_context>
chip_gen: v7x
topology: tpu7x:2x2x1
jax: 0.10.2.dev20260603
libtpu: 0.0.44.dev20260713+nightly
codegen_flags: <defaults>
</compile_context>

<pallas_src>
import functools

import jax
import jax.numpy as jnp
from jax import lax
from jax.experimental import pallas as pl
from jax.experimental.pallas import tpu as pltpu
from jax.experimental.pallas import tpu_sc as plsc

B = 128
NTILES = 32
DEGW = 16


def _pad_rows(n):
  per = -(-n // NTILES)
  per = -(-per // 8) * 8
  return per * NTILES




def _make_deg_kernel(Np, nchunks):
  mesh = plsc.VectorSubcoreMesh(core_axis_name="c", subcore_axis_name="s")
  per_core = nchunks // 2
  per_tile = per_core // 16
  rows_per_tile = Np // NTILES * 2
  zrep = rows_per_tile // B

  @functools.partial(
      pl.kernel,
      mesh=mesh,
      out_type=jax.ShapeDtypeStruct((2, Np, DEGW), jnp.float32),
      compiler_params=pltpu.CompilerParams(use_tc_tiling_on_sc=False),
      scratch_types=[
          pltpu.VMEM((nchunks // NTILES, B), jnp.int32),
          pltpu.VMEM((B, DEGW), jnp.float32),
          pltpu.VMEM((B, DEGW), jnp.float32),
          pltpu.VMEM_SHARED((Np, DEGW), jnp.float32),
          pltpu.SemaphoreType.DMA,
      ],
  )
  def k(dst2d_hbm, out_hbm, dst_all, ones_v, stage_v, acc_sh, sem):
    c = lax.axis_index("c")
    s = lax.axis_index("s")
    base_chunk = c * per_core + s * per_tile
    pltpu.sync_copy(dst2d_hbm.at[pl.ds(base_chunk, per_tile)], dst_all)

    def fill(i, _):
      ones_v[i, :] = jnp.full((DEGW,), 1.0, jnp.float32)
      stage_v[i, :] = jnp.zeros((DEGW,), jnp.float32)
      return 0

    lax.fori_loop(0, B, fill, 0)

    base_row = s * rows_per_tile
    for r in range(zrep):
      pltpu.sync_copy(stage_v, acc_sh.at[pl.ds(base_row + r * B, B)])
    plsc.subcore_barrier()

    def body(t, _):
      pltpu.sync_copy(ones_v, acc_sh.at[dst_all.at[t]], add=True)
      return 0

    lax.fori_loop(0, per_tile, body, 0)
    plsc.subcore_barrier()

    for r in range(zrep):
      row = base_row + r * B
      pltpu.sync_copy(acc_sh.at[pl.ds(row, B)], stage_v)
      pltpu.sync_copy(stage_v, out_hbm.at[c, pl.ds(row, B)])

  return k


def _make_prop_kernel(Np, nchunks, F):
  mesh = plsc.VectorSubcoreMesh(core_axis_name="c", subcore_axis_name="s")
  per_core = nchunks // 2
  per_tile = per_core // 16
  rows_per_tile = Np // NTILES * 2
  zrep = rows_per_tile // B

  @functools.partial(
      pl.kernel,
      mesh=mesh,
      out_type=jax.ShapeDtypeStruct((2, Np, F), jnp.float32),
      compiler_params=pltpu.CompilerParams(use_tc_tiling_on_sc=False),
      scratch_types=[
          pltpu.VMEM((per_tile, B), jnp.int32),
          pltpu.VMEM((per_tile, B), jnp.int32),
          pltpu.VMEM((B, F), jnp.float32),
          pltpu.VMEM((B, F), jnp.float32),
          pltpu.VMEM_SHARED((Np, F), jnp.float32),
          pltpu.VMEM_SHARED((Np, F), jnp.float32),
          pltpu.SemaphoreType.DMA,
      ],
  )
  def k(h_hbm, src2d_hbm, dst2d_hbm, out_hbm, src_all, dst_all, rows0,
        stage_v, acc_sh, table_sh, g0):
    c = lax.axis_index("c")
    s = lax.axis_index("s")
    base_chunk = c * per_core + s * per_tile
    pltpu.sync_copy(src2d_hbm.at[pl.ds(base_chunk, per_tile)], src_all)
    pltpu.sync_copy(dst2d_hbm.at[pl.ds(base_chunk, per_tile)], dst_all)
    base_row0 = s * rows_per_tile
    for r in range(zrep):
      row = base_row0 + r * B
      pltpu.sync_copy(h_hbm.at[pl.ds(row, B)], table_sh.at[pl.ds(row, B)])

    def fill(i, _):
      for j in range(F // 16):
        stage_v[i, pl.ds(j * 16, 16)] = jnp.zeros((16,), jnp.float32)
      return 0

    lax.fori_loop(0, B, fill, 0)

    base_row = s * rows_per_tile
    for r in range(zrep):
      pltpu.sync_copy(stage_v, acc_sh.at[pl.ds(base_row + r * B, B)])
    plsc.subcore_barrier()

    def body(t, _):
      pltpu.async_copy(table_sh.at[src_all.at[t]], rows0, g0).wait()
      pltpu.async_copy(
          rows0, acc_sh.at[dst_all.at[t]], g0, add=True).wait()
      return 0

    lax.fori_loop(0, per_tile, body, 0)
    plsc.subcore_barrier()

    for r in range(zrep):
      row = base_row + r * B
      pltpu.sync_copy(acc_sh.at[pl.ds(row, B)], stage_v)
      pltpu.sync_copy(stage_v, out_hbm.at[c, pl.ds(row, B)])

  return k



RB = 2048


def _tc1_body(x_ref, w_ref, deg_ref, h_ref, dis_ref):
  deg = 1.0 + deg_ref[0, :, 0] + deg_ref[1, :, 0]
  dis = lax.rsqrt(deg)
  h = jnp.dot(x_ref[...], w_ref[...], preferred_element_type=jnp.float32)
  h_ref[...] = h * dis[:, None]
  dis_ref[...] = dis[:, None]


def _tc1(x, W1, degp, Np):
  D = x.shape[1]
  F = W1.shape[1]
  grid = (Np // RB,)
  return pl.pallas_call(
      _tc1_body,
      grid=grid,
      in_specs=[
          pl.BlockSpec((RB, D), lambda i: (i, 0)),
          pl.BlockSpec((D, F), lambda i: (0, 0)),
          pl.BlockSpec((2, RB, DEGW), lambda i: (0, i, 0)),
      ],
      out_specs=[
          pl.BlockSpec((RB, F), lambda i: (i, 0)),
          pl.BlockSpec((RB, 1), lambda i: (i, 0)),
      ],
      out_shape=[
          jax.ShapeDtypeStruct((Np, F), jnp.float32),
          jax.ShapeDtypeStruct((Np, 1), jnp.float32),
      ],
  )(x, W1, degp)


def _tc_mid_body(p_ref, h_ref, dis_ref, b_ref, w_ref, o_ref):
  dis = dis_ref[...]
  z = (p_ref[0] + p_ref[1] + h_ref[...]) * dis + b_ref[...][None, :]
  g = jnp.where(z >= 0, z, 0.01 * z)
  o_ref[...] = jnp.dot(g, w_ref[...],
                       preferred_element_type=jnp.float32) * dis


def _tc_mid(p, h, dis, b, W, Np):
  F = h.shape[1]
  F2 = W.shape[1]
  grid = (Np // RB,)
  return pl.pallas_call(
      _tc_mid_body,
      grid=grid,
      in_specs=[
          pl.BlockSpec((2, RB, F), lambda i: (0, i, 0)),
          pl.BlockSpec((RB, F), lambda i: (i, 0)),
          pl.BlockSpec((RB, 1), lambda i: (i, 0)),
          pl.BlockSpec((F,), lambda i: (0,)),
          pl.BlockSpec((F, F2), lambda i: (0, 0)),
      ],
      out_specs=pl.BlockSpec((RB, F2), lambda i: (i, 0)),
      out_shape=jax.ShapeDtypeStruct((Np, F2), jnp.float32),
  )(p, h, dis, b, W)


def _tc_fin_body(p_ref, h_ref, dis_ref, b_ref, w_ref, bp_ref, o_ref):
  dis = dis_ref[...]
  z = (p_ref[0] + p_ref[1] + h_ref[...]) * dis + b_ref[...][None, :]
  g = jnp.where(z >= 0, z, 0.01 * z)
  o_ref[...] = jnp.dot(g, w_ref[...],
                       preferred_element_type=jnp.float32) + bp_ref[...][None, :]


def _tc_fin(p, h, dis, b, Wp, bp, N):
  F = h.shape[1]
  C = Wp.shape[1]
  rb = 2000
  grid = (N // rb,)
  return pl.pallas_call(
      _tc_fin_body,
      grid=grid,
      in_specs=[
          pl.BlockSpec((2, rb, F), lambda i: (0, i, 0)),
          pl.BlockSpec((rb, F), lambda i: (i, 0)),
          pl.BlockSpec((rb, 1), lambda i: (i, 0)),
          pl.BlockSpec((F,), lambda i: (0,)),
          pl.BlockSpec((F, C), lambda i: (0, 0)),
          pl.BlockSpec((C,), lambda i: (0,)),
      ],
      out_specs=pl.BlockSpec((rb, C), lambda i: (i, 0)),
      out_shape=jax.ShapeDtypeStruct((N, C), jnp.float32),
  )(p, h, dis, b, Wp, bp)




@jax.jit
def kernel(x, edge_index, W1, b1, W2, b2, W3, b3, Wp, bp):
  N, D = x.shape
  E = edge_index.shape[1]
  Np = _pad_rows(N)

  epb = NTILES * B
  Ep = -(-E // epb) * epb
  pad_e = Ep - E
  nchunks = Ep // B

  src = jnp.concatenate(
      [edge_index[0], jnp.full((pad_e,), N, jnp.int32)]).reshape(nchunks, B)
  dst = jnp.concatenate(
      [edge_index[1], jnp.full((pad_e,), N, jnp.int32)]).reshape(nchunks, B)

  degp = _make_deg_kernel(Np, nchunks)(dst)
  h1, dis = _tc1(x, W1, degp, Np)

  p1 = _make_prop_kernel(Np, nchunks, h1.shape[1])(h1, src, dst)
  h2 = _tc_mid(p1, h1, dis, b1, W2, Np)

  p2 = _make_prop_kernel(Np, nchunks, h2.shape[1])(h2, src, dst)
  h3 = _tc_mid(p2, h2, dis, b2, W3, Np)

  p3 = _make_prop_kernel(Np, nchunks, h3.shape[1])(h3, src, dst)
  out = _tc_fin(p3, h3, dis, b3, Wp, bp, N)
  return out

# --- scband reference (transcript-rebuilt; emitter-appended) ---
"""Pipeline reference for scband-simple-gcnet-10926396801128 (READ-ONLY COPY).

The authoritative reference and input builder live on the scoring server;
editing this copy changes nothing except your own understanding.
"""

import jax, jax.numpy as jnp
import numpy as np

N = 10000
E = 320000
D_IN = 128
NUM_CLASS = 40


def _glorot(key, shape):
    fan_in = shape[0]
    return jax.random.normal(key, shape, dtype=jnp.float32) / jnp.sqrt(jnp.float32(fan_in))


def setup_inputs(seed: int = 0) -> dict:
    key = jax.random.key(seed)
    ks = jax.random.split(key, 12)
    inp = {}
    inp["x"] = jax.random.normal(ks[0], (N, D_IN), dtype=jnp.float32)
    inp["edge_index"] = jax.random.randint(ks[1], (2, E), 0, N)
    inp["W1"] = _glorot(ks[2], (D_IN, 32))
    inp["b1"] = jnp.zeros((32,), dtype=jnp.float32)
    inp["W2"] = _glorot(ks[3], (32, 64))
    inp["b2"] = jnp.zeros((64,), dtype=jnp.float32)
    inp["W3"] = _glorot(ks[4], (64, 32))
    inp["b3"] = jnp.zeros((32,), dtype=jnp.float32)
    inp["Wp"] = _glorot(ks[5], (32, NUM_CLASS))
    inp["bp"] = jnp.zeros((NUM_CLASS,), dtype=jnp.float32)
    return inp


def _gcn_conv(x, src, dst, norm, W, b):
    # PyG GCNConv: linear transform, then propagate with symmetric normalization
    h = x @ W
    msgs = h[src] * norm[:, None]
    out = jax.ops.segment_sum(msgs, dst, num_segments=N)
    return out + b


def reference(x, edge_index, W1, b1, W2, b2, W3, b3, Wp, bp):
    # add self loops (as GCNConv does by default)
    loop = jnp.arange(N, dtype=edge_index.dtype)
    src = jnp.concatenate([edge_index[0], loop])
    dst = jnp.concatenate([edge_index[1], loop])
    # symmetric normalization deg^{-1/2}[src] * deg^{-1/2}[dst]
    deg = jax.ops.segment_sum(jnp.ones(dst.shape[0], dtype=jnp.float32), dst, num_segments=N)
    deg_inv_sqrt = jnp.where(deg > 0, 1.0 / jnp.sqrt(deg), 0.0)
    norm = deg_inv_sqrt[src] * deg_inv_sqrt[dst]

    h = _gcn_conv(x, src, dst, norm, W1, b1)
    h = jax.nn.leaky_relu(h, negative_slope=0.01)
    h = _gcn_conv(h, src, dst, norm, W2, b2)
    h = jax.nn.leaky_relu(h, negative_slope=0.01)
    h = _gcn_conv(h, src, dst, norm, W3, b3)
    h = jax.nn.leaky_relu(h, negative_slope=0.01)
    out = h @ Wp + bp
    return out

if __name__ == "__main__":
    import jax
    _d = setup_inputs()
    print(jax.jit(kernel)(*tuple(_d.values())))

</pallas_src>

<mosaic_0001>
#map = affine_map<(d0, d1) -> (0, 0)>
#map1 = affine_map<(d0, d1) -> (0, 0, 0)>
module attributes {stable_mosaic.version = 14 : i64} {
  func.func @k(%arg0: i32, %arg1: i32, %arg2: memref<10240x32xf32, #tpu.memory_space<hbm>>, %arg3: memref<2528x128xi32, #tpu.memory_space<hbm>>, %arg4: memref<2528x128xi32, #tpu.memory_space<hbm>>, %arg5: memref<2x10240x32xf32, #tpu.memory_space<hbm>>, %arg6: memref<79x128xi32, #tpu.memory_space<vmem>>, %arg7: memref<79x128xi32, #tpu.memory_space<vmem>>, %arg8: memref<128x32xf32, #tpu.memory_space<vmem>>, %arg9: memref<128x32xf32, #tpu.memory_space<vmem>>, %arg10: memref<10240x32xf32, #tpu.memory_space<vmem_shared>>, %arg11: memref<10240x32xf32, #tpu.memory_space<vmem_shared>>, %arg12: memref<!tpu.dma_semaphore, #tpu.memory_space<semaphore_mem>>) attributes {dimension_semantics = [#tpu.dimension_semantics<core_parallel>, #tpu.dimension_semantics<subcore_parallel>], iteration_bounds = array<i64: 2, 16>, scalar_prefetch = 0 : i64, scratch_operands = 7 : i64, tpu.core_type = #tpu.core_type<sc_vector_subcore>, window_params = [{transform_indices = #map}, {transform_indices = #map}, {transform_indices = #map}, {transform_indices = #map1}]} {
    %mul3A = arith.constant 1264 : i32
    %mul3A_0 = arith.muli %arg0, %mul3A : i32
    %mul3A_1 = arith.constant 79 : i32
    %mul3A_2 = arith.muli %arg1, %mul3A_1 : i32
    %add3A = arith.addi %mul3A_0, %mul3A_2 : i32
    "tpu.region"() ({
      %run_scoped3A = tpu.sem_alloc : memref<!tpu.dma_semaphore, #tpu.memory_space<semaphore_mem>>
      %dma_start3A = arith.constant 0 : i32
      %dma_start3A_51 = tpu.memref_slice %arg3[%add3A, %dma_start3A] : memref<2528x128xi32, #tpu.memory_space<hbm>> -> memref<79x128xi32, #tpu.memory_space<hbm>>
      %dma_start3A_52 = arith.constant 0 : i32
      %dma_start3A_53 = tpu.memref_slice %arg3[%add3A, %dma_start3A_52] : memref<2528x128xi32, #tpu.memory_space<hbm>> -> memref<79x128xi32, #tpu.memory_space<hbm>>
      tpu.enqueue_dma source(%dma_start3A_53 : memref<79x128xi32, #tpu.memory_space<hbm>>) target(%arg6 : memref<79x128xi32, #tpu.memory_space<vmem>>) target_semaphore(%run_scoped3A : memref<!tpu.dma_semaphore, #tpu.memory_space<semaphore_mem>>)
      %dma_wait3A = arith.constant 0 : i32
      %dma_wait3A_54 = tpu.memref_slice %arg3[%add3A, %dma_wait3A] : memref<2528x128xi32, #tpu.memory_space<hbm>> -> memref<79x128xi32, #tpu.memory_space<hbm>>
      %dma_wait3A_55 = arith.constant 0 : i32
      %dma_wait3A_56 = tpu.memref_slice %arg3[%add3A, %dma_wait3A_55] : memref<2528x128xi32, #tpu.memory_space<hbm>> -> memref<79x128xi32, #tpu.memory_space<hbm>>
      tpu.wait_dma2 semaphore(%run_scoped3A : memref<!tpu.dma_semaphore, #tpu.memory_space<semaphore_mem>>) src(%dma_wait3A_56 : memref<79x128xi32, #tpu.memory_space<hbm>>) dst(%arg6 : memref<79x128xi32, #tpu.memory_space<vmem>>)
      tpu.yield
    }) : () -> ()
    "tpu.region"() ({
      %run_scoped3A = tpu.sem_alloc : memref<!tpu.dma_semaphore, #tpu.memory_space<semaphore_mem>>
      %dma_start3A = arith.constant 0 : i32
      %dma_start3A_51 = tpu.memref_slice %arg4[%add3A, %dma_start3A] : memref<2528x128xi32, #tpu.memory_space<hbm>> -> memref<79x128xi32, #tpu.memory_space<hbm>>
      %dma_start3A_52 = arith.constant 0 : i32
      %dma_start3A_53 = tpu.memref_slice %arg4[%add3A, %dma_start3A_52] : memref<2528x128xi32, #tpu.memory_space<hbm>> -> memref<79x128xi32, #tpu.memory_space<hbm>>
      tpu.enqueue_dma source(%dma_start3A_53 : memref<79x128xi32, #tpu.memory_space<hbm>>) target(%arg7 : memref<79x128xi32, #tpu.memory_space<vmem>>) target_semaphore(%run_scoped3A : memref<!tpu.dma_semaphore, #tpu.memory_space<semaphore_mem>>)
      %dma_wait3A = arith.constant 0 : i32
      %dma_wait3A_54 = tpu.memref_slice %arg4[%add3A, %dma_wait3A] : memref<2528x128xi32, #tpu.memory_space<hbm>> -> memref<79x128xi32, #tpu.memory_space<hbm>>
      %dma_wait3A_55 = arith.constant 0 : i32
      %dma_wait3A_56 = tpu.memref_slice %arg4[%add3A, %dma_wait3A_55] : memref<2528x128xi32, #tpu.memory_space<hbm>> -> memref<79x128xi32, #tpu.memory_space<hbm>>
      tpu.wait_dma2 semaphore(%run_scoped3A : memref<!tpu.dma_semaphore, #tpu.memory_space<semaphore_mem>>) src(%dma_wait3A_56 : memref<79x128xi32, #tpu.memory_space<hbm>>) dst(%arg7 : memref<79x128xi32, #tpu.memory_space<vmem>>)
      tpu.yield
    }) : () -> ()
    %mul3A_3 = arith.constant 640 : i32
    %mul3A_4 = arith.muli %arg1, %mul3A_3 : i32
    %add3A_5 = arith.constant 0 : i32
    %add3A_6 = arith.addi %mul3A_4, %add3A_5 : i32
    "tpu.region"() ({
      %run_scoped3A = tpu.sem_alloc : memref<!tpu.dma_semaphore, #tpu.memory_space<semaphore_mem>>
      %dma_start3A = arith.constant 0 : i32
      %dma_start3A_51 = tpu.memref_slice %arg11[%add3A_6, %dma_start3A] : memref<10240x32xf32, #tpu.memory_space<vmem_shared>> -> memref<128x32xf32, #tpu.memory_space<vmem_shared>>
      %dma_start3A_52 = arith.constant 0 : i32
      %dma_start3A_53 = tpu.memref_slice %arg2[%add3A_6, %dma_start3A_52] : memref<10240x32xf32, #tpu.memory_space<hbm>> -> memref<128x32xf32, #tpu.memory_space<hbm>>
      tpu.enqueue_dma source(%dma_start3A_53 : memref<128x32xf32, #tpu.memory_space<hbm>>) target(%dma_start3A_51 : memref<128x32xf32, #tpu.memory_space<vmem_shared>>) target_semaphore(%run_scoped3A : memref<!tpu.dma_semaphore, #tpu.memory_space<semaphore_mem>>)
      %dma_wait3A = arith.constant 0 : i32
      %dma_wait3A_54 = tpu.memref_slice %arg11[%add3A_6, %dma_wait3A] : memref<10240x32xf32, #tpu.memory_space<vmem_shared>> -> memref<128x32xf32, #tpu.memory_space<vmem_shared>>
      %dma_wait3A_55 = arith.constant 0 : i32
      %dma_wait3A_56 = tpu.memref_slice %arg2[%add3A_6, %dma_wait3A_55] : memref<10240x32xf32, #tpu.memory_space<hbm>> -> memref<128x32xf32, #tpu.memory_space<hbm>>
      tpu.wait_dma2 semaphore(%run_scoped3A : memref<!tpu.dma_semaphore, #tpu.memory_space<semaphore_mem>>) src(%dma_wait3A_56 : memref<128x32xf32, #tpu.memory_space<hbm>>) dst(%dma_wait3A_54 : memref<128x32xf32, #tpu.memory_space<vmem_shared>>)
      tpu.yield
    }) : () -> ()
    %add3A_7 = arith.constant 128 : i32
    %add3A_8 = arith.addi %mul3A_4, %add3A_7 : i32
    "tpu.region"() ({
      %run_scoped3A = tpu.sem_alloc : memref<!tpu.dma_semaphore, #tpu.memory_space<semaphore_mem>>
      %dma_start3A = arith.constant 0 : i32
      %dma_start3A_51 = tpu.memref_slice %arg11[%add3A_8, %dma_start3A] : memref<10240x32xf32, #tpu.memory_space<vmem_shared>> -> memref<128x32xf32, #tpu.memory_space<vmem_shared>>
      %dma_start3A_52 = arith.constant 0 : i32
      %dma_start3A_53 = tpu.memref_slice %arg2[%add3A_8, %dma_start3A_52] : memref<10240x32xf32, #tpu.memory_space<hbm>> -> memref<128x32xf32, #tpu.memory_space<hbm>>
      tpu.enqueue_dma source(%dma_start3A_53 : memref<128x32xf32, #tpu.memory_space<hbm>>) target(%dma_start3A_51 : memref<128x32xf32, #tpu.memory_space<vmem_shared>>) target_semaphore(%run_scoped3A : memref<!tpu.dma_semaphore, #tpu.memory_space<semaphore_mem>>)
      %dma_wait3A = arith.constant 0 : i32
      %dma_wait3A_54 = tpu.memref_slice %arg11[%add3A_8, %dma_wait3A] : memref<10240x32xf32, #tpu.memory_space<vmem_shared>> -> memref<128x32xf32, #tpu.memory_space<vmem_shared>>
      %dma_wait3A_55 = arith.constant 0 : i32
      %dma_wait3A_56 = tpu.memref_slice %arg2[%add3A_8, %dma_wait3A_55] : memref<10240x32xf32, #tpu.memory_space<hbm>> -> memref<128x32xf32, #tpu.memory_space<hbm>>
      tpu.wait_dma2 semaphore(%run_scoped3A : memref<!tpu.dma_semaphore, #tpu.memory_space<semaphore_mem>>) src(%dma_wait3A_56 : memref<128x32xf32, #tpu.memory_space<hbm>>) dst(%dma_wait3A_54 : memref<128x32xf32, #tpu.memory_space<vmem_shared>>)
      tpu.yield
    }) : () -> ()
    %add3A_9 = arith.constant 256 : i32
    %add3A_10 = arith.addi %mul3A_4, %add3A_9 : i32
    "tpu.region"() ({
      %run_scoped3A = tpu.sem_alloc : memref<!tpu.dma_semaphore, #tpu.memory_space<semaphore_mem>>
      %dma_start3A = arith.constant 0 : i32
      %dma_start3A_51 = tpu.memref_slice %arg11[%add3A_10, %dma_start3A] : memref<10240x32xf32, #tpu.memory_space<vmem_shared>> -> memref<128x32xf32, #tpu.memory_space<vmem_shared>>
      %dma_start3A_52 = arith.constant 0 : i32
      %dma_start3A_53 = tpu.memref_slice %arg2[%add3A_10, %dma_start3A_52] : memref<10240x32xf32, #tpu.memory_space<hbm>> -> memref<128x32xf32, #tpu.memory_space<hbm>>
      tpu.enqueue_dma source(%dma_start3A_53 : memref<128x32xf32, #tpu.memory_space<hbm>>) target(%dma_start3A_51 : memref<128x32xf32, #tpu.memory_space<vmem_shared>>) target_semaphore(%run_scoped3A : memref<!tpu.dma_semaphore, #tpu.memory_space<semaphore_mem>>)
      %dma_wait3A = arith.constant 0 : i32
      %dma_wait3A_54 = tpu.memref_slice %arg11[%add3A_10, %dma_wait3A] : memref<10240x32xf32, #tpu.memory_space<vmem_shared>> -> memref<128x32xf32, #tpu.memory_space<vmem_shared>>
      %dma_wait3A_55 = arith.constant 0 : i32
      %dma_wait3A_56 = tpu.memref_slice %arg2[%add3A_10, %dma_wait3A_55] : memref<10240x32xf32, #tpu.memory_space<hbm>> -> memref<128x32xf32, #tpu.memory_space<hbm>>
      tpu.wait_dma2 semaphore(%run_scoped3A : memref<!tpu.dma_semaphore, #tpu.memory_space<semaphore_mem>>) src(%dma_wait3A_56 : memref<128x32xf32, #tpu.memory_space<hbm>>) dst(%dma_wait3A_54 : memref<128x32xf32, #tpu.memory_space<vmem_shared>>)
      tpu.yield
    }) : () -> ()
    %add3A_11 = arith.constant 384 : i32
    %add3A_12 = arith.addi %mul3A_4, %add3A_11 : i32
    "tpu.region"() ({
      %run_scoped3A = tpu.sem_alloc : memref<!tpu.dma_semaphore, #tpu.memory_space<semaphore_mem>>
      %dma_start3A = arith.constant 0 : i32
      %dma_start3A_51 = tpu.memref_slice %arg11[%add3A_12, %dma_start3A] : memref<10240x32xf32, #tpu.memory_space<vmem_shared>> -> memref<128x32xf32, #tpu.memory_space<vmem_shared>>
      %dma_start3A_52 = arith.constant 0 : i32
      %dma_start3A_53 = tpu.memref_slice %arg2[%add3A_12, %dma_start3A_52] : memref<10240x32xf32, #tpu.memory_space<hbm>> -> memref<128x32xf32, #tpu.memory_space<hbm>>
      tpu.enqueue_dma source(%dma_start3A_53 : memref<128x32xf32, #tpu.memory_space<hbm>>) target(%dma_start3A_51 : memref<128x32xf32, #tpu.memory_space<vmem_shared>>) target_semaphore(%run_scoped3A : memref<!tpu.dma_semaphore, #tpu.memory_space<semaphore_mem>>)
      %dma_wait3A = arith.constant 0 : i32
      %dma_wait3A_54 = tpu.memref_slice %arg11[%add3A_12, %dma_wait3A] : memref<10240x32xf32, #tpu.memory_space<vmem_shared>> -> memref<128x32xf32, #tpu.memory_space<vmem_shared>>
      %dma_wait3A_55 = arith.constant 0 : i32
      %dma_wait3A_56 = tpu.memref_slice %arg2[%add3A_12, %dma_wait3A_55] : memref<10240x32xf32, #tpu.memory_space<hbm>> -> memref<128x32xf32, #tpu.memory_space<hbm>>
      tpu.wait_dma2 semaphore(%run_scoped3A : memref<!tpu.dma_semaphore, #tpu.memory_space<semaphore_mem>>) src(%dma_wait3A_56 : memref<128x32xf32, #tpu.memory_space<hbm>>) dst(%dma_wait3A_54 : memref<128x32xf32, #tpu.memory_space<vmem_shared>>)
      tpu.yield
    }) : () -> ()
    %add3A_13 = arith.constant 512 : i32
    %add3A_14 = arith.addi %mul3A_4, %add3A_13 : i32
    "tpu.region"() ({
      %run_scoped3A = tpu.sem_alloc : memref<!tpu.dma_semaphore, #tpu.memory_space<semaphore_mem>>
      %dma_start3A = arith.constant 0 : i32
      %dma_start3A_51 = tpu.memref_slice %arg11[%add3A_14, %dma_start3A] : memref<10240x32xf32, #tpu.memory_space<vmem_shared>> -> memref<128x32xf32, #tpu.memory_space<vmem_shared>>
      %dma_start3A_52 = arith.constant 0 : i32
      %dma_start3A_53 = tpu.memref_slice %arg2[%add3A_14, %dma_start3A_52] : memref<10240x32xf32, #tpu.memory_space<hbm>> -> memref<128x32xf32, #tpu.memory_space<hbm>>
      tpu.enqueue_dma source(%dma_start3A_53 : memref<128x32xf32, #tpu.memory_space<hbm>>) target(%dma_start3A_51 : memref<128x32xf32, #tpu.memory_space<vmem_shared>>) target_semaphore(%run_scoped3A : memref<!tpu.dma_semaphore, #tpu.memory_space<semaphore_mem>>)
      %dma_wait3A = arith.constant 0 : i32
      %dma_wait3A_54 = tpu.memref_slice %arg11[%add3A_14, %dma_wait3A] : memref<10240x32xf32, #tpu.memory_space<vmem_shared>> -> memref<128x32xf32, #tpu.memory_space<vmem_shared>>
      %dma_wait3A_55 = arith.constant 0 : i32
      %dma_wait3A_56 = tpu.memref_slice %arg2[%add3A_14, %dma_wait3A_55] : memref<10240x32xf32, #tpu.memory_space<hbm>> -> memref<128x32xf32, #tpu.memory_space<hbm>>
      tpu.wait_dma2 semaphore(%run_scoped3A : memref<!tpu.dma_semaphore, #tpu.memory_space<semaphore_mem>>) src(%dma_wait3A_56 : memref<128x32xf32, #tpu.memory_space<hbm>>) dst(%dma_wait3A_54 : memref<128x32xf32, #tpu.memory_space<vmem_shared>>)
      tpu.yield
    }) : () -> ()
    %scan3A = arith.constant 0 : i32
    %scan3A_15 = arith.constant 0 : i32
    %scan3A_16 = arith.constant 128 : i32
    %scan3A_17 = arith.addi %scan3A_15, %scan3A_16 : i32
    %scan3A_18 = arith.constant 1 : i32
    %scan3A_19 = scf.for %scan3A_51 = %scan3A_15 to %scan3A_17 step %scan3A_18 iter_args(%scan3A_52 = %scan3A) -> (i32)  : i32 {
      %broadcast_in_dim3A = arith.constant 0.000000e+00 : f32
      %broadcast_in_dim3A_53 = vector.broadcast %broadcast_in_dim3A : f32 to vector<16xf32>
      %swap3A = arith.index_cast %scan3A_51 : i32 to index
      %swap3A_54 = arith.constant 0 : index
      %swap3A_55 = tpu.vector_load %arg9[%swap3A, %swap3A_54] {strides = array<i32>} : memref<128x32xf32, #tpu.memory_space<vmem>>, vector<1x16xf32>,
      %swap3A_56 = vector.shape_cast %swap3A_55 : vector<1x16xf32> to vector<16xf32>
      %swap3A_57 = vector.shape_cast %broadcast_in_dim3A_53 : vector<16xf32> to vector<1x16xf32>
      tpu.vector_store %arg9[%swap3A, %swap3A_54], %swap3A_57 {strides = array<i32>} : memref<128x32xf32, #tpu.memory_space<vmem>>, vector<1x16xf32>,
      %broadcast_in_dim3A_58 = arith.constant 0.000000e+00 : f32
      %broadcast_in_dim3A_59 = vector.broadcast %broadcast_in_dim3A_58 : f32 to vector<16xf32>
      %swap3A_60 = arith.index_cast %scan3A_51 : i32 to index
      %swap3A_61 = arith.constant 16 : index
      %swap3A_62 = tpu.vector_load %arg9[%swap3A_60, %swap3A_61] {strides = array<i32>} : memref<128x32xf32, #tpu.memory_space<vmem>>, vector<1x16xf32>,
      %swap3A_63 = vector.shape_cast %swap3A_62 : vector<1x16xf32> to vector<16xf32>
      %swap3A_64 = vector.shape_cast %broadcast_in_dim3A_59 : vector<16xf32> to vector<1x16xf32>
      tpu.vector_store %arg9[%swap3A_60, %swap3A_61], %swap3A_64 {strides = array<i32>} : memref<128x32xf32, #tpu.memory_space<vmem>>, vector<1x16xf32>,
      %scan3A_65 = arith.constant 0 : i32
      scf.yield %scan3A_65 : i32
    }
    %scan3A_20 = arith.constant 128 : i32
    %mul3A_21 = arith.constant 640 : i32
    %mul3A_22 = arith.muli %arg1, %mul3A_21 : i32
    %add3A_23 = arith.constant 0 : i32
    %add3A_24 = arith.addi %mul3A_22, %add3A_23 : i32
    "tpu.region"() ({
      %run_scoped3A = tpu.sem_alloc : memref<!tpu.dma_semaphore, #tpu.memory_space<semaphore_mem>>
      %dma_start3A = arith.constant 0 : i32
      %dma_start3A_51 = tpu.memref_slice %arg10[%add3A_24, %dma_start3A] : memref<10240x32xf32, #tpu.memory_space<vmem_shared>> -> memref<128x32xf32, #tpu.memory_space<vmem_shared>>
      %dma_start3A_52 = arith.constant 0 : i32
      %dma_start3A_53 = tpu.memref_slice %arg10[%add3A_24, %dma_start3A_52] : memref<10240x32xf32, #tpu.memory_space<vmem_shared>> -> memref<128x32xf32, #tpu.memory_space<vmem_shared>>
      tpu.enqueue_dma source(%arg9 : memref<128x32xf32, #tpu.memory_space<vmem>>) target(%dma_start3A_53 : memref<128x32xf32, #tpu.memory_space<vmem_shared>>) target_semaphore(%run_scoped3A : memref<!tpu.dma_semaphore, #tpu.memory_space<semaphore_mem>>)
      %dma_wait3A = arith.constant 0 : i32
      %dma_wait3A_54 = tpu.memref_slice %arg10[%add3A_24, %dma_wait3A] : memref<10240x32xf32, #tpu.memory_space<vmem_shared>> -> memref<128x32xf32, #tpu.memory_space<vmem_shared>>
      %dma_wait3A_55 = arith.constant 0 : i32
      %dma_wait3A_56 = tpu.memref_slice %arg10[%add3A_24, %dma_wait3A_55] : memref<10240x32xf32, #tpu.memory_space<vmem_shared>> -> memref<128x32xf32, #tpu.memory_space<vmem_shared>>
      tpu.wait_dma2 semaphore(%run_scoped3A : memref<!tpu.dma_semaphore, #tpu.memory_space<semaphore_mem>>) src(%arg9 : memref<128x32xf32, #tpu.memory_space<vmem>>) dst(%dma_wait3A_56 : memref<128x32xf32, #tpu.memory_space<vmem_shared>>)
      tpu.yield
    }) : () -> ()
    %add3A_25 = arith.constant 128 : i32
    %add3A_26 = arith.addi %mul3A_22, %add3A_25 : i32
    "tpu.region"() ({
      %run_scoped3A = tpu.sem_alloc : memref<!tpu.dma_semaphore, #tpu.memory_space<semaphore_mem>>
      %dma_start3A = arith.constant 0 : i32
      %dma_start3A_51 = tpu.memref_slice %arg10[%add3A_26, %dma_start3A] : memref<10240x32xf32, #tpu.memory_space<vmem_shared>> -> memref<128x32xf32, #tpu.memory_space<vmem_shared>>
      %dma_start3A_52 = arith.constant 0 : i32
      %dma_start3A_53 = tpu.memref_slice %arg10[%add3A_26, %dma_start3A_52] : memref<10240x32xf32, #tpu.memory_space<vmem_shared>> -> memref<128x32xf32, #tpu.memory_space<vmem_shared>>
      tpu.enqueue_dma source(%arg9 : memref<128x32xf32, #tpu.memory_space<vmem>>) target(%dma_start3A_53 : memref<128x32xf32, #tpu.memory_space<vmem_shared>>) target_semaphore(%run_scoped3A : memref<!tpu.dma_semaphore, #tpu.memory_space<semaphore_mem>>)
      %dma_wait3A = arith.constant 0 : i32
      %dma_wait3A_54 = tpu.memref_slice %arg10[%add3A_26, %dma_wait3A] : memref<10240x32xf32, #tpu.memory_space<vmem_shared>> -> memref<128x32xf32, #tpu.memory_space<vmem_shared>>
      %dma_wait3A_55 = arith.constant 0 : i32
      %dma_wait3A_56 = tpu.memref_slice %arg10[%add3A_26, %dma_wait3A_55] : memref<10240x32xf32, #tpu.memory_space<vmem_shared>> -> memref<128x32xf32, #tpu.memory_space<vmem_shared>>
      tpu.wait_dma2 semaphore(%run_scoped3A : memref<!tpu.dma_semaphore, #tpu.memory_space<semaphore_mem>>) src(%arg9 : memref<128x32xf32, #tpu.memory_space<vmem>>) dst(%dma_wait3A_56 : memref<128x32xf32, #tpu.memory_space<vmem_shared>>)
      tpu.yield
    }) : () -> ()
    %add3A_27 = arith.constant 256 : i32
    %add3A_28 = arith.addi %mul3A_22, %add3A_27 : i32
    "tpu.region"() ({
      %run_scoped3A = tpu.sem_alloc : memref<!tpu.dma_semaphore, #tpu.memory_space<semaphore_mem>>
      %dma_start3A = arith.constant 0 : i32
      %dma_start3A_51 = tpu.memref_slice %arg10[%add3A_28, %dma_start3A] : memref<10240x32xf32, #tpu.memory_space<vmem_shared>> -> memref<128x32xf32, #tpu.memory_space<vmem_shared>>
      %dma_start3A_52 = arith.constant 0 : i32
      %dma_start3A_53 = tpu.memref_slice %arg10[%add3A_28, %dma_start3A_52] : memref<10240x32xf32, #tpu.memory_space<vmem_shared>> -> memref<128x32xf32, #tpu.memory_space<vmem_shared>>
      tpu.enqueue_dma source(%arg9 : memref<128x32xf32, #tpu.memory_space<vmem>>) target(%dma_start3A_53 : memref<128x32xf32, #tpu.memory_space<vmem_shared>>) target_semaphore(%run_scoped3A : memref<!tpu.dma_semaphore, #tpu.memory_space<semaphore_mem>>)
      %dma_wait3A = arith.constant 0 : i32
      %dma_wait3A_54 = tpu.memref_slice %arg10[%add3A_28, %dma_wait3A] : memref<10240x32xf32, #tpu.memory_space<vmem_shared>> -> memref<128x32xf32, #tpu.memory_space<vmem_shared>>
      %dma_wait3A_55 = arith.constant 0 : i32
      %dma_wait3A_56 = tpu.memref_slice %arg10[%add3A_28, %dma_wait3A_55] : memref<10240x32xf32, #tpu.memory_space<vmem_shared>> -> memref<128x32xf32, #tpu.memory_space<vmem_shared>>
      tpu.wait_dma2 semaphore(%run_scoped3A : memref<!tpu.dma_semaphore, #tpu.memory_space<semaphore_mem>>) src(%arg9 : memref<128x32xf32, #tpu.memory_space<vmem>>) dst(%dma_wait3A_56 : memref<128x32xf32, #tpu.memory_space<vmem_shared>>)
      tpu.yield
    }) : () -> ()
    %add3A_29 = arith.constant 384 : i32
    %add3A_30 = arith.addi %mul3A_22, %add3A_29 : i32
    "tpu.region"() ({
      %run_scoped3A = tpu.sem_alloc : memref<!tpu.dma_semaphore, #tpu.memory_space<semaphore_mem>>
      %dma_start3A = arith.constant 0 : i32
      %dma_start3A_51 = tpu.memref_slice %arg10[%add3A_30, %dma_start3A] : memref<10240x32xf32, #tpu.memory_space<vmem_shared>> -> memref<128x32xf32, #tpu.memory_space<vmem_shared>>
      %dma_start3A_52 = arith.constant 0 : i32
      %dma_start3A_53 = tpu.memref_slice %arg10[%add3A_30, %dma_start3A_52] : memref<10240x32xf32, #tpu.memory_space<vmem_shared>> -> memref<128x32xf32, #tpu.memory_space<vmem_shared>>
      tpu.enqueue_dma source(%arg9 : memref<128x32xf32, #tpu.memory_space<vmem>>) target(%dma_start3A_53 : memref<128x32xf32, #tpu.memory_space<vmem_shared>>) target_semaphore(%run_scoped3A : memref<!tpu.dma_semaphore, #tpu.memory_space<semaphore_mem>>)
      %dma_wait3A = arith.constant 0 : i32
      %dma_wait3A_54 = tpu.memref_slice %arg10[%add3A_30, %dma_wait3A] : memref<10240x32xf32, #tpu.memory_space<vmem_shared>> -> memref<128x32xf32, #tpu.memory_space<vmem_shared>>
      %dma_wait3A_55 = arith.constant 0 : i32
      %dma_wait3A_56 = tpu.memref_slice %arg10[%add3A_30, %dma_wait3A_55] : memref<10240x32xf32, #tpu.memory_space<vmem_shared>> -> memref<128x32xf32, #tpu.memory_space<vmem_shared>>
      tpu.wait_dma2 semaphore(%run_scoped3A : memref<!tpu.dma_semaphore, #tpu.memory_space<semaphore_mem>>) src(%arg9 : memref<128x32xf32, #tpu.memory_space<vmem>>) dst(%dma_wait3A_56 : memref<128x32xf32, #tpu.memory_space<vmem_shared>>)
      tpu.yield
    }) : () -> ()
    %add3A_31 = arith.constant 512 : i32
    %add3A_32 = arith.addi %mul3A_22, %add3A_31 : i32
    "tpu.region"() ({
      %run_scoped3A = tpu.sem_alloc : memref<!tpu.dma_semaphore, #tpu.memory_space<semaphore_mem>>
      %dma_start3A = arith.constant 0 : i32
      %dma_start3A_51 = tpu.memref_slice %arg10[%add3A_32, %dma_start3A] : memref<10240x32xf32, #tpu.memory_space<vmem_shared>> -> memref<128x32xf32, #tpu.memory_space<vmem_shared>>
      %dma_start3A_52 = arith.constant 0 : i32
      %dma_start3A_53 = tpu.memref_slice %arg10[%add3A_32, %dma_start3A_52] : memref<10240x32xf32, #tpu.memory_space<vmem_shared>> -> memref<128x32xf32, #tpu.memory_space<vmem_shared>>
      tpu.enqueue_dma source(%arg9 : memref<128x32xf32, #tpu.memory_space<vmem>>) target(%dma_start3A_53 : memref<128x32xf32, #tpu.memory_space<vmem_shared>>) target_semaphore(%run_scoped3A : memref<!tpu.dma_semaphore, #tpu.memory_space<semaphore_mem>>)
      %dma_wait3A = arith.constant 0 : i32
      %dma_wait3A_54 = tpu.memref_slice %arg10[%add3A_32, %dma_wait3A] : memref<10240x32xf32, #tpu.memory_space<vmem_shared>> -> memref<128x32xf32, #tpu.memory_space<vmem_shared>>
      %dma_wait3A_55 = arith.constant 0 : i32
      %dma_wait3A_56 = tpu.memref_slice %arg10[%add3A_32, %dma_wait3A_55] : memref<10240x32xf32, #tpu.memory_space<vmem_shared>> -> memref<128x32xf32, #tpu.memory_space<vmem_shared>>
      tpu.wait_dma2 semaphore(%run_scoped3A : memref<!tpu.dma_semaphore, #tpu.memory_space<semaphore_mem>>) src(%arg9 : memref<128x32xf32, #tpu.memory_space<vmem>>) dst(%dma_wait3A_56 : memref<128x32xf32, #tpu.memory_space<vmem_shared>>)
      tpu.yield
    }) : () -> ()
    %barrier3A = arith.constant 0 : index
    tpu.barrier barrier_id(%barrier3A)
    %scan3A_33 = arith.constant 0 : i32
    %scan3A_34 = arith.constant 0 : i32
    %scan3A_35 = arith.constant 79 : i32
    %scan3A_36 = arith.addi %scan3A_34, %scan3A_35 : i32
    %scan3A_37 = arith.constant 1 : i32
    %scan3A_38 = scf.for %scan3A_51 = %scan3A_34 to %scan3A_36 step %scan3A_37 iter_args(%scan3A_52 = %scan3A_33) -> (i32)  : i32 {
      %dma_start3A = arith.constant 0 : i32
      %dma_start3A_53 = tpu.memref_slice %arg6[%scan3A_51, %dma_start3A] : memref<79x128xi32, #tpu.memory_space<vmem>> -> memref<1x128xi32, #tpu.memory_space<vmem>>
      %dma_start3A_54 = tpu.memref_squeeze %dma_start3A_53 : memref<1x128xi32, #tpu.memory_space<vmem>> -> memref<128xi32, #tpu.memory_space<vmem>>
      %dma_start3A_55 = arith.constant 0 : i32
      %dma_start3A_56 = arith.constant 0 : i32
      %dma_start3A_57 = tpu.memref_slice %arg11[%dma_start3A_55, %dma_start3A_56] : memref<10240x32xf32, #tpu.memory_space<vmem_shared>> -> memref<10240x32xf32, #tpu.memory_space<vmem_shared>>
      tpu.enqueue_indirect_dma source(%dma_start3A_57 : memref<10240x32xf32, #tpu.memory_space<vmem_shared>>) target(%arg8 : memref<128x32xf32, #tpu.memory_space<vmem>>) offsets(%dma_start3A_54 : memref<128xi32, #tpu.memory_space<vmem>>) semaphore(%arg12 : memref<!tpu.dma_semaphore, #tpu.memory_space<semaphore_mem>>)
      %dma_wait3A = arith.constant 0 : i32
      %dma_wait3A_58 = tpu.memref_slice %arg6[%scan3A_51, %dma_wait3A] : memref<79x128xi32, #tpu.memory_space<vmem>> -> memref<1x128xi32, #tpu.memory_space<vmem>>
      %dma_wait3A_59 = tpu.memref_squeeze %dma_wait3A_58 : memref<1x128xi32, #tpu.memory_space<vmem>> -> memref<128xi32, #tpu.memory_space<vmem>>
      %dma_wait3A_60 = arith.constant 0 : i32
      %dma_wait3A_61 = arith.constant 0 : i32
      %dma_wait3A_62 = tpu.memref_slice %arg11[%dma_wait3A_60, %dma_wait3A_61] : memref<10240x32xf32, #tpu.memory_space<vmem_shared>> -> memref<10240x32xf32, #tpu.memory_space<vmem_shared>>
      tpu.wait_indirect_dma semaphore(%arg12 : memref<!tpu.dma_semaphore, #tpu.memory_space<semaphore_mem>>) src(%dma_wait3A_62 : memref<10240x32xf32, #tpu.memory_space<vmem_shared>>) dst(%arg8 : memref<128x32xf32, #tpu.memory_space<vmem>>)
      %dma_start3A_63 = arith.constant 0 : i32
      %dma_start3A_64 = tpu.memref_slice %arg7[%scan3A_51, %dma_start3A_63] : memref<79x128xi32, #tpu.memory_space<vmem>> -> memref<1x128xi32, #tpu.memory_space<vmem>>
      %dma_start3A_65 = tpu.memref_squeeze %dma_start3A_64 : memref<1x128xi32, #tpu.memory_space<vmem>> -> memref<128xi32, #tpu.memory_space<vmem>>
      %dma_start3A_66 = arith.constant 0 : i32
      %dma_start3A_67 = arith.constant 0 : i32
      %dma_start3A_68 = tpu.memref_slice %arg10[%dma_start3A_66, %dma_start3A_67] : memref<10240x32xf32, #tpu.memory_space<vmem_shared>> -> memref<10240x32xf32, #tpu.memory_space<vmem_shared>>
      tpu.enqueue_indirect_dma source(%arg8 : memref<128x32xf32, #tpu.memory_space<vmem>>) target(%dma_start3A_68 : memref<10240x32xf32, #tpu.memory_space<vmem_shared>>) offsets(%dma_start3A_65 : memref<128xi32, #tpu.memory_space<vmem>>) semaphore(%arg12 : memref<!tpu.dma_semaphore, #tpu.memory_space<semaphore_mem>>) {add = true}
      %dma_wait3A_69 = arith.constant 0 : i32
      %dma_wait3A_70 = tpu.memref_slice %arg7[%scan3A_51, %dma_wait3A_69] : memref<79x128xi32, #tpu.memory_space<vmem>> -> memref<1x128xi32, #tpu.memory_space<vmem>>
      %dma_wait3A_71 = tpu.memref_squeeze %dma_wait3A_70 : memref<1x128xi32, #tpu.memory_space<vmem>> -> memref<128xi32, #tpu.memory_space<vmem>>
      %dma_wait3A_72 = arith.constant 0 : i32
      %dma_wait3A_73 = arith.constant 0 : i32
      %dma_wait3A_74 = tpu.memref_slice %arg10[%dma_wait3A_72, %dma_wait3A_73] : memref<10240x32xf32, #tpu.memory_space<vmem_shared>> -> memref<10240x32xf32, #tpu.memory_space<vmem_shared>>
      tpu.wait_indirect_dma semaphore(%arg12 : memref<!tpu.dma_semaphore, #tpu.memory_space<semaphore_mem>>) src(%arg8 : memref<128x32xf32, #tpu.memory_space<vmem>>) dst(%dma_wait3A_74 : memref<10240x32xf32, #tpu.memory_space<vmem_shared>>)
      %scan3A_75 = arith.constant 0 : i32
      scf.yield %scan3A_75 : i32
    }
    %scan3A_39 = arith.constant 79 : i32
    %barrier3A_40 = arith.constant 0 : index
    tpu.barrier barrier_id(%barrier3A_40)
    %add3A_41 = arith.constant 0 : i32
    %add3A_42 = arith.addi %mul3A_22, %add3A_41 : i32
    "tpu.region"() ({
      %run_scoped3A = tpu.sem_alloc : memref<!tpu.dma_semaphore, #tpu.memory_space<semaphore_mem>>
      %dma_start3A = arith.constant 0 : i32
      %dma_start3A_51 = tpu.memref_slice %arg10[%add3A_42, %dma_start3A] : memref<10240x32xf32, #tpu.memory_space<vmem_shared>> -> memref<128x32xf32, #tpu.memory_space<vmem_shared>>
      %dma_start3A_52 = arith.constant 0 : i32
      %dma_start3A_53 = tpu.memref_slice %arg10[%add3A_42, %dma_start3A_52] : memref<10240x32xf32, #tpu.memory_space<vmem_shared>> -> memref<128x32xf32, #tpu.memory_space<vmem_shared>>
      tpu.enqueue_dma source(%dma_start3A_53 : memref<128x32xf32, #tpu.memory_space<vmem_shared>>) target(%arg9 : memref<128x32xf32, #tpu.memory_space<vmem>>) target_semaphore(%run_scoped3A : memref<!tpu.dma_semaphore, #tpu.memory_space<semaphore_mem>>)
      %dma_wait3A = arith.constant 0 : i32
      %dma_wait3A_54 = tpu.memref_slice %arg10[%add3A_42, %dma_wait3A] : memref<10240x32xf32, #tpu.memory_space<vmem_shared>> -> memref<128x32xf32, #tpu.memory_space<vmem_shared>>
      %dma_wait3A_55 = arith.constant 0 : i32
      %dma_wait3A_56 = tpu.memref_slice %arg10[%add3A_42, %dma_wait3A_55] : memref<10240x32xf32, #tpu.memory_space<vmem_shared>> -> memref<128x32xf32, #tpu.memory_space<vmem_shared>>
      tpu.wait_dma2 semaphore(%run_scoped3A : memref<!tpu.dma_semaphore, #tpu.memory_space<semaphore_mem>>) src(%dma_wait3A_56 : memref<128x32xf32, #tpu.memory_space<vmem_shared>>) dst(%arg9 : memref<128x32xf32, #tpu.memory_space<vmem>>)
      tpu.yield
    }) : () -> ()
    "tpu.region"() ({
      %run_scoped3A = tpu.sem_alloc : memref<!tpu.dma_semaphore, #tpu.memory_space<semaphore_mem>>
      %dma_start3A = arith.constant 0 : i32
      %dma_start3A_51 = tpu.memref_slice %arg5[%arg0, %add3A_42, %dma_start3A] : memref<2x10240x32xf32, #tpu.memory_space<hbm>> -> memref<1x128x32xf32, #tpu.memory_space<hbm>>
      %dma_start3A_52 = tpu.memref_squeeze %dma_start3A_51 : memref<1x128x32xf32, #tpu.memory_space<hbm>> -> memref<128x32xf32, #tpu.memory_space<hbm>>
      %dma_start3A_53 = arith.constant 0 : i32
      %dma_start3A_54 = tpu.memref_slice %arg5[%arg0, %add3A_42, %dma_start3A_53] : memref<2x10240x32xf32, #tpu.memory_space<hbm>> -> memref<1x128x32xf32, #tpu.memory_space<hbm>>
      %dma_start3A_55 = tpu.memref_squeeze %dma_start3A_54 : memref<1x128x32xf32, #tpu.memory_space<hbm>> -> memref<128x32xf32, #tpu.memory_space<hbm>>
      tpu.enqueue_dma source(%arg9 : memref<128x32xf32, #tpu.memory_space<vmem>>) target(%dma_start3A_55 : memref<128x32xf32, #tpu.memory_space<hbm>>) target_semaphore(%run_scoped3A : memref<!tpu.dma_semaphore, #tpu.memory_space<semaphore_mem>>)
      %dma_wait3A = arith.constant 0 : i32
      %dma_wait3A_56 = tpu.memref_slice %arg5[%arg0, %add3A_42, %dma_wait3A] : memref<2x10240x32xf32, #tpu.memory_space<hbm>> -> memref<1x128x32xf32, #tpu.memory_space<hbm>>
      %dma_wait3A_57 = tpu.memref_squeeze %dma_wait3A_56 : memref<1x128x32xf32, #tpu.memory_space<hbm>> -> memref<128x32xf32, #tpu.memory_space<hbm>>
      %dma_wait3A_58 = arith.constant 0 : i32
      %dma_wait3A_59 = tpu.memref_slice %arg5[%arg0, %add3A_42, %dma_wait3A_58] : memref<2x10240x32xf32, #tpu.memory_space<hbm>> -> memref<1x128x32xf32, #tpu.memory_space<hbm>>
      %dma_wait3A_60 = tpu.memref_squeeze %dma_wait3A_59 : memref<1x128x32xf32, #tpu.memory_space<hbm>> -> memref<128x32xf32, #tpu.memory_space<hbm>>
      tpu.wait_dma2 semaphore(%run_scoped3A : memref<!tpu.dma_semaphore, #tpu.memory_space<semaphore_mem>>) src(%arg9 : memref<128x32xf32, #tpu.memory_space<vmem>>) dst(%dma_wait3A_60 : memref<128x32xf32, #tpu.memory_space<hbm>>)
      tpu.yield
    }) : () -> ()
    %add3A_43 = arith.constant 128 : i32
    %add3A_44 = arith.addi %mul3A_22, %add3A_43 : i32
    "tpu.region"() ({
      %run_scoped3A = tpu.sem_alloc : memref<!tpu.dma_semaphore, #tpu.memory_space<semaphore_mem>>
      %dma_start3A = arith.constant 0 : i32
      %dma_start3A_51 = tpu.memref_slice %arg10[%add3A_44, %dma_start3A] : memref<10240x32xf32, #tpu.memory_space<vmem_shared>> -> memref<128x32xf32, #tpu.memory_space<vmem_shared>>
      %dma_start3A_52 = arith.constant 0 : i32
      %dma_start3A_53 = tpu.memref_slice %arg10[%add3A_44, %dma_start3A_52] : memref<10240x32xf32, #tpu.memory_space<vmem_shared>> -> memref<128x32xf32, #tpu.memory_space<vmem_shared>>
      tpu.enqueue_dma source(%dma_start3A_53 : memref<128x32xf32, #tpu.memory_space<vmem_shared>>) target(%arg9 : memref<128x32xf32, #tpu.memory_space<vmem>>) target_semaphore(%run_scoped3A : memref<!tpu.dma_semaphore, #tpu.memory_space<semaphore_mem>>)
      %dma_wait3A = arith.constant 0 : i32
      %dma_wait3A_54 = tpu.memref_slice %arg10[%add3A_44, %dma_wait3A] : memref<10240x32xf32, #tpu.memory_space<vmem_shared>> -> memref<128x32xf32, #tpu.memory_space<vmem_shared>>
      %dma_wait3A_55 = arith.constant 0 : i32
      %dma_wait3A_56 = tpu.memref_slice %arg10[%add3A_44, %dma_wait3A_55] : memref<10240x32xf32, #tpu.memory_space<vmem_shared>> -> memref<128x32xf32, #tpu.memory_space<vmem_shared>>
      tpu.wait_dma2 semaphore(%run_scoped3A : memref<!tpu.dma_semaphore, #tpu.memory_space<semaphore_mem>>) src(%dma_wait3A_56 : memref<128x32xf32, #tpu.memory_space<vmem_shared>>) dst(%arg9 : memref<128x32xf32, #tpu.memory_space<vmem>>)
      tpu.yield
    }) : () -> ()
    "tpu.region"() ({
      %run_scoped3A = tpu.sem_alloc : memref<!tpu.dma_semaphore, #tpu.memory_space<semaphore_mem>>
      %dma_start3A = arith.constant 0 : i32
      %dma_start3A_51 = tpu.memref_slice %arg5[%arg0, %add3A_44, %dma_start3A] : memref<2x10240x32xf32, #tpu.memory_space<hbm>> -> memref<1x128x32xf32, #tpu.memory_space<hbm>>
      %dma_start3A_52 = tpu.memref_squeeze %dma_start3A_51 : memref<1x128x32xf32, #tpu.memory_space<hbm>> -> memref<128x32xf32, #tpu.memory_space<hbm>>
      %dma_start3A_53 = arith.constant 0 : i32
      %dma_start3A_54 = tpu.memref_slice %arg5[%arg0, %add3A_44, %dma_start3A_53] : memref<2x10240x32xf32, #tpu.memory_space<hbm>> -> memref<1x128x32xf32, #tpu.memory_space<hbm>>
      %dma_start3A_55 = tpu.memref_squeeze %dma_start3A_54 : memref<1x128x32xf32, #tpu.memory_space<hbm>> -> memref<128x32xf32, #tpu.memory_space<hbm>>
      tpu.enqueue_dma source(%arg9 : memref<128x32xf32, #tpu.memory_space<vmem>>) target(%dma_start3A_55 : memref<128x32xf32, #tpu.memory_space<hbm>>) target_semaphore(%run_scoped3A : memref<!tpu.dma_semaphore, #tpu.memory_space<semaphore_mem>>)
      %dma_wait3A = arith.constant 0 : i32
      %dma_wait3A_56 = tpu.memref_slice %arg5[%arg0, %add3A_44, %dma_wait3A] : memref<2x10240x32xf32, #tpu.memory_space<hbm>> -> memref<1x128x32xf32, #tpu.memory_space<hbm>>
      %dma_wait3A_57 = tpu.memref_squeeze %dma_wait3A_56 : memref<1x128x32xf32, #tpu.memory_space<hbm>> -> memref<128x32xf32, #tpu.memory_space<hbm>>
      %dma_wait3A_58 = arith.constant 0 : i32
      %dma_wait3A_59 = tpu.memref_slice %arg5[%arg0, %add3A_44, %dma_wait3A_58] : memref<2x10240x32xf32, #tpu.memory_space<hbm>> -> memref<1x128x32xf32, #tpu.memory_space<hbm>>
      %dma_wait3A_60 = tpu.memref_squeeze %dma_wait3A_59 : memref<1x128x32xf32, #tpu.memory_space<hbm>> -> memref<128x32xf32, #tpu.memory_space<hbm>>
      tpu.wait_dma2 semaphore(%run_scoped3A : memref<!tpu.dma_semaphore, #tpu.memory_space<semaphore_mem>>) src(%arg9 : memref<128x32xf32, #tpu.memory_space<vmem>>) dst(%dma_wait3A_60 : memref<128x32xf32, #tpu.memory_space<hbm>>)
      tpu.yield
    }) : () -> ()
    %add3A_45 = arith.constant 256 : i32
    %add3A_46 = arith.addi %mul3A_22, %add3A_45 : i32
    "tpu.region"() ({
      %run_scoped3A = tpu.sem_alloc : memref<!tpu.dma_semaphore, #tpu.memory_space<semaphore_mem>>
      %dma_start3A = arith.constant 0 : i32
      %dma_start3A_51 = tpu.memref_slice %arg10[%add3A_46, %dma_start3A] : memref<10240x32xf32, #tpu.memory_space<vmem_shared>> -> memref<128x32xf32, #tpu.memory_space<vmem_shared>>
      %dma_start3A_52 = arith.constant 0 : i32
      %dma_start3A_53 = tpu.memref_slice %arg10[%add3A_46, %dma_start3A_52] : memref<10240x32xf32, #tpu.memory_space<vmem_shared>> -> memref<128x32xf32, #tpu.memory_space<vmem_shared>>
      tpu.enqueue_dma source(%dma_start3A_53 : memref<128x32xf32, #tpu.memory_space<vmem_shared>>) target(%arg9 : memref<128x32xf32, #tpu.memory_space<vmem>>) target_semaphore(%run_scoped3A : memref<!tpu.dma_semaphore, #tpu.memory_space<semaphore_mem>>)
      %dma_wait3A = arith.constant 0 : i32
      %dma_wait3A_54 = tpu.memref_slice %arg10[%add3A_46, %dma_wait3A] : memref<10240x32xf32, #tpu.memory_space<vmem_shared>> -> memref<128x32xf32, #tpu.memory_space<vmem_shared>>
      %dma_wait3A_55 = arith.constant 0 : i32
      %dma_wait3A_56 = tpu.memref_slice %arg10[%add3A_46, %dma_wait3A_55] : memref<10240x32xf32, #tpu.memory_space<vmem_shared>> -> memref<128x32xf32, #tpu.memory_space<vmem_shared>>
      tpu.wait_dma2 semaphore(%run_scoped3A : memref<!tpu.dma_semaphore, #tpu.memory_space<semaphore_mem>>) src(%dma_wait3A_56 : memref<128x32xf32, #tpu.memory_space<vmem_shared>>) dst(%arg9 : memref<128x32xf32, #tpu.memory_space<vmem>>)
      tpu.yield
    }) : () -> ()
    "tpu.region"() ({
      %run_scoped3A = tpu.sem_alloc : memref<!tpu.dma_semaphore, #tpu.memory_space<semaphore_mem>>
      %dma_start3A = arith.constant 0 : i32
      %dma_start3A_51 = tpu.memref_slice %arg5[%arg0, %add3A_46, %dma_start3A] : memref<2x10240x32xf32, #tpu.memory_space<hbm>> -> memref<1x128x32xf32, #tpu.memory_space<hbm>>
      %dma_start3A_52 = tpu.memref_squeeze %dma_start3A_51 : memref<1x128x32xf32, #tpu.memory_space<hbm>> -> memref<128x32xf32, #tpu.memory_space<hbm>>
      %dma_start3A_53 = arith.constant 0 : i32
      %dma_start3A_54 = tpu.memref_slice %arg5[%arg0, %add3A_46, %dma_start3A_53] : memref<2x10240x32xf32, #tpu.memory_space<hbm>> -> memref<1x128x32xf32, #tpu.memory_space<hbm>>
      %dma_start3A_55 = tpu.memref_squeeze %dma_start3A_54 : memref<1x128x32xf32, #tpu.memory_space<hbm>> -> memref<128x32xf32, #tpu.memory_space<hbm>>
      tpu.enqueue_dma source(%arg9 : memref<128x32xf32, #tpu.memory_space<vmem>>) target(%dma_start3A_55 : memref<128x32xf32, #tpu.memory_space<hbm>>) target_semaphore(%run_scoped3A : memref<!tpu.dma_semaphore, #tpu.memory_space<semaphore_mem>>)
      %dma_wait3A = arith.constant 0 : i32
      %dma_wait3A_56 = tpu.memref_slice %arg5[%arg0, %add3A_46, %dma_wait3A] : memref<2x10240x32xf32, #tpu.memory_space<hbm>> -> memref<1x128x32xf32, #tpu.memory_space<hbm>>
      %dma_wait3A_57 = tpu.memref_squeeze %dma_wait3A_56 : memref<1x128x32xf32, #tpu.memory_space<hbm>> -> memref<128x32xf32, #tpu.memory_space<hbm>>
      %dma_wait3A_58 = arith.constant 0 : i32
      %dma_wait3A_59 = tpu.memref_slice %arg5[%arg0, %add3A_46, %dma_wait3A_58] : memref<2x10240x32xf32, #tpu.memory_space<hbm>> -> memref<1x128x32xf32, #tpu.memory_space<hbm>>
      %dma_wait3A_60 = tpu.memref_squeeze %dma_wait3A_59 : memref<1x128x32xf32, #tpu.memory_space<hbm>> -> memref<128x32xf32, #tpu.memory_space<hbm>>
      tpu.wait_dma2 semaphore(%run_scoped3A : memref<!tpu.dma_semaphore, #tpu.memory_space<semaphore_mem>>) src(%arg9 : memref<128x32xf32, #tpu.memory_space<vmem>>) dst(%dma_wait3A_60 : memref<128x32xf32, #tpu.memory_space<hbm>>)
      tpu.yield
    }) : () -> ()
    %add3A_47 = arith.constant 384 : i32
    %add3A_48 = arith.addi %mul3A_22, %add3A_47 : i32
    "tpu.region"() ({
      %run_scoped3A = tpu.sem_alloc : memref<!tpu.dma_semaphore, #tpu.memory_space<semaphore_mem>>
      %dma_start3A = arith.constant 0 : i32
      %dma_start3A_51 = tpu.memref_slice %arg10[%add3A_48, %dma_start3A] : memref<10240x32xf32, #tpu.memory_space<vmem_shared>> -> memref<128x32xf32, #tpu.memory_space<vmem_shared>>
      %dma_start3A_52 = arith.constant 0 : i32
      %dma_start3A_53 = tpu.memref_slice %arg10[%add3A_48, %dma_start3A_52] : memref<10240x32xf32, #tpu.memory_space<vmem_shared>> -> memref<128x32xf32, #tpu.memory_space<vmem_shared>>
      tpu.enqueue_dma source(%dma_start3A_53 : memref<128x32xf32, #tpu.memory_space<vmem_shared>>) target(%arg9 : memref<128x32xf32, #tpu.memory_space<vmem>>) target_semaphore(%run_scoped3A : memref<!tpu.dma_semaphore, #tpu.memory_space<semaphore_mem>>)
      %dma_wait3A = arith.constant 0 : i32
      %dma_wait3A_54 = tpu.memref_slice %arg10[%add3A_48, %dma_wait3A] : memref<10240x32xf32, #tpu.memory_space<vmem_shared>> -> memref<128x32xf32, #tpu.memory_space<vmem_shared>>
      %dma_wait3A_55 = arith.constant 0 : i32
      %dma_wait3A_56 = tpu.memref_slice %arg10[%add3A_48, %dma_wait3A_55] : memref<10240x32xf32, #tpu.memory_space<vmem_shared>> -> memref<128x32xf32, #tpu.memory_space<vmem_shared>>
      tpu.wait_dma2 semaphore(%run_scoped3A : memref<!tpu.dma_semaphore, #tpu.memory_space<semaphore_mem>>) src(%dma_wait3A_56 : memref<128x32xf32, #tpu.memory_space<vmem_shared>>) dst(%arg9 : memref<128x32xf32, #tpu.memory_space<vmem>>)
      tpu.yield
    }) : () -> ()
    "tpu.region"() ({
      %run_scoped3A = tpu.sem_alloc : memref<!tpu.dma_semaphore, #tpu.memory_space<semaphore_mem>>
      %dma_start3A = arith.constant 0 : i32
      %dma_start3A_51 = tpu.memref_slice %arg5[%arg0, %add3A_48, %dma_start3A] : memref<2x10240x32xf32, #tpu.memory_space<hbm>> -> memref<1x128x32xf32, #tpu.memory_space<hbm>>
      %dma_start3A_52 = tpu.memref_squeeze %dma_start3A_51 : memref<1x128x32xf32, #tpu.memory_space<hbm>> -> memref<128x32xf32, #tpu.memory_space<hbm>>
      %dma_start3A_53 = arith.constant 0 : i32
      %dma_start3A_54 = tpu.memref_slice %arg5[%arg0, %add3A_48, %dma_start3A_53] : memref<2x10240x32xf32, #tpu.memory_space<hbm>> -> memref<1x128x32xf32, #tpu.memory_space<hbm>>
      %dma_start3A_55 = tpu.memref_squeeze %dma_start3A_54 : memref<1x128x32xf32, #tpu.memory_space<hbm>> -> memref<128x32xf32, #tpu.memory_space<hbm>>
      tpu.enqueue_dma source(%arg9 : memref<128x32xf32, #tpu.memory_space<vmem>>) target(%dma_start3A_55 : memref<128x32xf32, #tpu.memory_space<hbm>>) target_semaphore(%run_scoped3A : memref<!tpu.dma_semaphore, #tpu.memory_space<semaphore_mem>>)
      %dma_wait3A = arith.constant 0 : i32
      %dma_wait3A_56 = tpu.memref_slice %arg5[%arg0, %add3A_48, %dma_wait3A] : memref<2x10240x32xf32, #tpu.memory_space<hbm>> -> memref<1x128x32xf32, #tpu.memory_space<hbm>>
      %dma_wait3A_57 = tpu.memref_squeeze %dma_wait3A_56 : memref<1x128x32xf32, #tpu.memory_space<hbm>> -> memref<128x32xf32, #tpu.memory_space<hbm>>
      %dma_wait3A_58 = arith.constant 0 : i32
      %dma_wait3A_59 = tpu.memref_slice %arg5[%arg0, %add3A_48, %dma_wait3A_58] : memref<2x10240x32xf32, #tpu.memory_space<hbm>> -> memref<1x128x32xf32, #tpu.memory_space<hbm>>
      %dma_wait3A_60 = tpu.memref_squeeze %dma_wait3A_59 : memref<1x128x32xf32, #tpu.memory_space<hbm>> -> memref<128x32xf32, #tpu.memory_space<hbm>>
      tpu.wait_dma2 semaphore(%run_scoped3A : memref<!tpu.dma_semaphore, #tpu.memory_space<semaphore_mem>>) src(%arg9 : memref<128x32xf32, #tpu.memory_space<vmem>>) dst(%dma_wait3A_60 : memref<128x32xf32, #tpu.memory_space<hbm>>)
      tpu.yield
    }) : () -> ()
    %add3A_49 = arith.constant 512 : i32
    %add3A_50 = arith.addi %mul3A_22, %add3A_49 : i32
    "tpu.region"() ({
      %run_scoped3A = tpu.sem_alloc : memref<!tpu.dma_semaphore, #tpu.memory_space<semaphore_mem>>
      %dma_start3A = arith.constant 0 : i32
      %dma_start3A_51 = tpu.memref_slice %arg10[%add3A_50, %dma_start3A] : memref<10240x32xf32, #tpu.memory_space<vmem_shared>> -> memref<128x32xf32, #tpu.memory_space<vmem_shared>>
      %dma_start3A_52 = arith.constant 0 : i32
      %dma_start3A_53 = tpu.memref_slice %arg10[%add3A_50, %dma_start3A_52] : memref<10240x32xf32, #tpu.memory_space<vmem_shared>> -> memref<128x32xf32, #tpu.memory_space<vmem_shared>>
      tpu.enqueue_dma source(%dma_start3A_53 : memref<128x32xf32, #tpu.memory_space<vmem_shared>>) target(%arg9 : memref<128x32xf32, #tpu.memory_space<vmem>>) target_semaphore(%run_scoped3A : memref<!tpu.dma_semaphore, #tpu.memory_space<semaphore_mem>>)
      %dma_wait3A = arith.constant 0 : i32
      %dma_wait3A_54 = tpu.memref_slice %arg10[%add3A_50, %dma_wait3A] : memref<10240x32xf32, #tpu.memory_space<vmem_shared>> -> memref<128x32xf32, #tpu.memory_space<vmem_shared>>
      %dma_wait3A_55 = arith.constant 0 : i32
      %dma_wait3A_56 = tpu.memref_slice %arg10[%add3A_50, %dma_wait3A_55] : memref<10240x32xf32, #tpu.memory_space<vmem_shared>> -> memref<128x32xf32, #tpu.memory_space<vmem_shared>>
      tpu.wait_dma2 semaphore(%run_scoped3A : memref<!tpu.dma_semaphore, #tpu.memory_space<semaphore_mem>>) src(%dma_wait3A_56 : memref<128x32xf32, #tpu.memory_space<vmem_shared>>) dst(%arg9 : memref<128x32xf32, #tpu.memory_space<vmem>>)
      tpu.yield
    }) : () -> ()
    "tpu.region"() ({
      %run_scoped3A = tpu.sem_alloc : memref<!tpu.dma_semaphore, #tpu.memory_space<semaphore_mem>>
      %dma_start3A = arith.constant 0 : i32
      %dma_start3A_51 = tpu.memref_slice %arg5[%arg0, %add3A_50, %dma_start3A] : memref<2x10240x32xf32, #tpu.memory_space<hbm>> -> memref<1x128x32xf32, #tpu.memory_space<hbm>>
      %dma_start3A_52 = tpu.memref_squeeze %dma_start3A_51 : memref<1x128x32xf32, #tpu.memory_space<hbm>> -> memref<128x32xf32, #tpu.memory_space<hbm>>
      %dma_start3A_53 = arith.constant 0 : i32
      %dma_start3A_54 = tpu.memref_slice %arg5[%arg0, %add3A_50, %dma_start3A_53] : memref<2x10240x32xf32, #tpu.memory_space<hbm>> -> memref<1x128x32xf32, #tpu.memory_space<hbm>>
      %dma_start3A_55 = tpu.memref_squeeze %dma_start3A_54 : memref<1x128x32xf32, #tpu.memory_space<hbm>> -> memref<128x32xf32, #tpu.memory_space<hbm>>
      tpu.enqueue_dma source(%arg9 : memref<128x32xf32, #tpu.memory_space<vmem>>) target(%dma_start3A_55 : memref<128x32xf32, #tpu.memory_space<hbm>>) target_semaphore(%run_scoped3A : memref<!tpu.dma_semaphore, #tpu.memory_space<semaphore_mem>>)
      %dma_wait3A = arith.constant 0 : i32
      %dma_wait3A_56 = tpu.memref_slice %arg5[%arg0, %add3A_50, %dma_wait3A] : memref<2x10240x32xf32, #tpu.memory_space<hbm>> -> memref<1x128x32xf32, #tpu.memory_space<hbm>>
      %dma_wait3A_57 = tpu.memref_squeeze %dma_wait3A_56 : memref<1x128x32xf32, #tpu.memory_space<hbm>> -> memref<128x32xf32, #tpu.memory_space<hbm>>
      %dma_wait3A_58 = arith.constant 0 : i32
      %dma_wait3A_59 = tpu.memref_slice %arg5[%arg0, %add3A_50, %dma_wait3A_58] : memref<2x10240x32xf32, #tpu.memory_space<hbm>> -> memref<1x128x32xf32, #tpu.memory_space<hbm>>
      %dma_wait3A_60 = tpu.memref_squeeze %dma_wait3A_59 : memref<1x128x32xf32, #tpu.memory_space<hbm>> -> memref<128x32xf32, #tpu.memory_space<hbm>>
      tpu.wait_dma2 semaphore(%run_scoped3A : memref<!tpu.dma_semaphore, #tpu.memory_space<semaphore_mem>>) src(%arg9 : memref<128x32xf32, #tpu.memory_space<vmem>>) dst(%dma_wait3A_60 : memref<128x32xf32, #tpu.memory_space<hbm>>)
      tpu.yield
    }) : () -> ()
    return
  }
}

#map = affine_map<(d0, d1) -> (0, 0)>
#map1 = affine_map<(d0, d1) -> (0, 0, 0)>
module attributes {stable_mosaic.version = 14 : i64} {
  func.func @k(%arg0: i32, %arg1: i32, %arg2: memref<10240x32xf32, #tpu.memory_space<hbm>>, %arg3: memref<2528x128xi32, #tpu.memory_space<hbm>>, %arg4: memref<2528x128xi32, #tpu.memory_space<hbm>>, %arg5: memref<2x10240x32xf32, #tpu.memory_space<hbm>>, %arg6: memref<79x128xi32, #tpu.memory_space<vmem>>, %arg7: memref<79x128xi32, #tpu.memory_space<vmem>>, %arg8: memref<128x32xf32, #tpu.memory_space<vmem>>, %arg9: memref<128x32xf32, #tpu.memory_space<vmem>>, %arg10: memref<10240x32xf32, #tpu.memory_space<vmem_shared>>, %arg11: memref<10240x32xf32, #tpu.memory_space<vmem_shared>>, %arg12: memref<!tpu.dma_semaphore, #tpu.memory_space<semaphore_mem>>) attributes {dimension_semantics = [#tpu.dimension_semantics<core_parallel>, #tpu.dimension_semantics<subcore_parallel>], iteration_bounds = array<i64: 2, 16>, scalar_prefetch = 0 : i64, scratch_operands = 7 : i64, tpu.core_type = #tpu.core_type<sc_vector_subcore>, window_params = [{transform_indices = #map}, {transform_indices = #map}, {transform_indices = #map}, {transform_indices = #map1}]} {
    %mul3A = arith.constant 1264 : i32
    %mul3A_0 = arith.muli %arg0, %mul3A : i32
    %mul3A_1 = arith.constant 79 : i32
    %mul3A_2 = arith.muli %arg1, %mul3A_1 : i32
    %add3A = arith.addi %mul3A_0, %mul3A_2 : i32
    "tpu.region"() ({
      %run_scoped3A = tpu.sem_alloc : memref<!tpu.dma_semaphore, #tpu.memory_space<semaphore_mem>>
      %dma_start3A = arith.constant 0 : i32
      %dma_start3A_51 = tpu.memref_slice %arg3[%add3A, %dma_start3A] : memref<2528x128xi32, #tpu.memory_space<hbm>> -> memref<79x128xi32, #tpu.memory_space<hbm>>
      %dma_start3A_52 = arith.constant 0 : i32
      %dma_start3A_53 = tpu.memref_slice %arg3[%add3A, %dma_start3A_52] : memref<2528x128xi32, #tpu.memory_space<hbm>> -> memref<79x128xi32, #tpu.memory_space<hbm>>
      tpu.enqueue_dma source(%dma_start3A_53 : memref<79x128xi32, #tpu.memory_space<hbm>>) target(%arg6 : memref<79x128xi32, #tpu.memory_space<vmem>>) target_semaphore(%run_scoped3A : memref<!tpu.dma_semaphore, #tpu.memory_space<semaphore_mem>>)
      %dma_wait3A = arith.constant 0 : i32
      %dma_wait3A_54 = tpu.memref_slice %arg3[%add3A, %dma_wait3A] : memref<2528x128xi32, #tpu.memory_space<hbm>> -> memref<79x128xi32, #tpu.memory_space<hbm>>
      %dma_wait3A_55 = arith.constant 0 : i32
      %dma_wait3A_56 = tpu.memref_slice %arg3[%add3A, %dma_wait3A_55] : memref<2528x128xi32, #tpu.memory_space<hbm>> -> memref<79x128xi32, #tpu.memory_space<hbm>>
      tpu.wait_dma2 semaphore(%run_scoped3A : memref<!tpu.dma_semaphore, #tpu.memory_space<semaphore_mem>>) src(%dma_wait3A_56 : memref<79x128xi32, #tpu.memory_space<hbm>>) dst(%arg6 : memref<79x128xi32, #tpu.memory_space<vmem>>)
      tpu.yield
    }) : () -> ()
    "tpu.region"() ({
      %run_scoped3A = tpu.sem_alloc : memref<!tpu.dma_semaphore, #tpu.memory_space<semaphore_mem>>
      %dma_start3A = arith.constant 0 : i32
      %dma_start3A_51 = tpu.memref_slice %arg4[%add3A, %dma_start3A] : memref<2528x128xi32, #tpu.memory_space<hbm>> -> memref<79x128xi32, #tpu.memory_space<hbm>>
      %dma_start3A_52 = arith.constant 0 : i32
      %dma_start3A_53 = tpu.memref_slice %arg4[%add3A, %dma_start3A_52] : memref<2528x128xi32, #tpu.memory_space<hbm>> -> memref<79x128xi32, #tpu.memory_space<hbm>>
      tpu.enqueue_dma source(%dma_start3A_53 : memref<79x128xi32, #tpu.memory_space<hbm>>) target(%arg7 : memref<79x128xi32, #tpu.memory_space<vmem>>) target_semaphore(%run_scoped3A : memref<!tpu.dma_semaphore, #tpu.memory_space<semaphore_mem>>)
      %dma_wait3A = arith.constant 0 : i32
      %dma_wait3A_54 = tpu.memref_slice %arg4[%add3A, %dma_wait3A] : memref<2528x128xi32, #tpu.memory_space<hbm>> -> memref<79x128xi32, #tpu.memory_space<hbm>>
      %dma_wait3A_55 = arith.constant 0 : i32
      %dma_wait3A_56 = tpu.memref_slice %arg4[%add3A, %dma_wait3A_55] : memref<2528x128xi32, #tpu.memory_space<hbm>> -> memref<79x128xi32, #tpu.memory_space<hbm>>
      tpu.wait_dma2 semaphore(%run_scoped3A : memref<!tpu.dma_semaphore, #tpu.memory_space<semaphore_mem>>) src(%dma_wait3A_56 : memref<79x128xi32, #tpu.memory_space<hbm>>) dst(%arg7 : memref<79x128xi32, #tpu.memory_space<vmem>>)
      tpu.yield
    }) : () -> ()
    %mul3A_3 = arith.constant 640 : i32
    %mul3A_4 = arith.muli %arg1, %mul3A_3 : i32
    %add3A_5 = arith.constant 0 : i32
    %add3A_6 = arith.addi %mul3A_4, %add3A_5 : i32
    "tpu.region"() ({
      %run_scoped3A = tpu.sem_alloc : memref<!tpu.dma_semaphore, #tpu.memory_space<semaphore_mem>>
      %dma_start3A = arith.constant 0 : i32
      %dma_start3A_51 = tpu.memref_slice %arg11[%add3A_6, %dma_start3A] : memref<10240x32xf32, #tpu.memory_space<vmem_shared>> -> memref<128x32xf32, #tpu.memory_space<vmem_shared>>
      %dma_start3A_52 = arith.constant 0 : i32
      %dma_start3A_53 = tpu.memref_slice %arg2[%add3A_6, %dma_start3A_52] : memref<10240x32xf32, #tpu.memory_space<hbm>> -> memref<128x32xf32, #tpu.memory_space<hbm>>
      tpu.enqueue_dma source(%dma_start3A_53 : memref<128x32xf32, #tpu.memory_space<hbm>>) target(%dma_start3A_51 : memref<128x32xf32, #tpu.memory_space<vmem_shared>>) target_semaphore(%run_scoped3A : memref<!tpu.dma_semaphore, #tpu.memory_space<semaphore_mem>>)
      %dma_wait3A = arith.constant 0 : i32
      %dma_wait3A_54 = tpu.memref_slice %arg11[%add3A_6, %dma_wait3A] : memref<10240x32xf32, #tpu.memory_space<vmem_shared>> -> memref<128x32xf32, #tpu.memory_space<vmem_shared>>
      %dma_wait3A_55 = arith.constant 0 : i32
      %dma_wait3A_56 = tpu.memref_slice %arg2[%add3A_6, %dma_wait3A_55] : memref<10240x32xf32, #tpu.memory_space<hbm>> -> memref<128x32xf32, #tpu.memory_space<hbm>>
      tpu.wait_dma2 semaphore(%run_scoped3A : memref<!tpu.dma_semaphore, #tpu.memory_space<semaphore_mem>>) src(%dma_wait3A_56 : memref<128x32xf32, #tpu.memory_space<hbm>>) dst(%dma_wait3A_54 : memref<128x32xf32, #tpu.memory_space<vmem_shared>>)
      tpu.yield
    }) : () -> ()
    %add3A_7 = arith.constant 128 : i32
    %add3A_8 = arith.addi %mul3A_4, %add3A_7 : i32
    "tpu.region"() ({
      %run_scoped3A = tpu.sem_alloc : memref<!tpu.dma_semaphore, #tpu.memory_space<semaphore_mem>>
      %dma_start3A = arith.constant 0 : i32
      %dma_start3A_51 = tpu.memref_slice %arg11[%add3A_8, %dma_start3A] : memref<10240x32xf32, #tpu.memory_space<vmem_shared>> -> memref<128x32xf32, #tpu.memory_space<vmem_shared>>
      %dma_start3A_52 = arith.constant 0 : i32
      %dma_start3A_53 = tpu.memref_slice %arg2[%add3A_8, %dma_start3A_52] : memref<10240x32xf32, #tpu.memory_space<hbm>> -> memref<128x32xf32, #tpu.memory_space<hbm>>
      tpu.enqueue_dma source(%dma_start3A_53 : memref<128x32xf32, #tpu.memory_space<hbm>>) target(%dma_start3A_51 : memref<128x32xf32, #tpu.memory_space<vmem_shared>>) target_semaphore(%run_scoped3A : memref<!tpu.dma_semaphore, #tpu.memory_space<semaphore_mem>>)
      %dma_wait3A = arith.constant 0 : i32
      %dma_wait3A_54 = tpu.memref_slice %arg11[%add3A_8, %dma_wait3A] : memref<10240x32xf32, #tpu.memory_space<vmem_shared>> -> memref<128x32xf32, #tpu.memory_space<vmem_shared>>
      %dma_wait3A_55 = arith.constant 0 : i32
      %dma_wait3A_56 = tpu.memref_slice %arg2[%add3A_8, %dma_wait3A_55] : memref<10240x32xf32, #tpu.memory_space<hbm>> -> memref<128x32xf32, #tpu.memory_space<hbm>>
      tpu.wait_dma2 semaphore(%run_scoped3A : memref<!tpu.dma_semaphore, #tpu.memory_space<semaphore_mem>>) src(%dma_wait3A_56 : memref<128x32xf32, #tpu.memory_space<hbm>>) dst(%dma_wait3A_54 : memref<128x32xf32, #tpu.memory_space<vmem_shared>>)
      tpu.yield
    }) : () -> ()
    %add3A_9 = arith.constant 256 : i32
    %add3A_10 = arith.addi %mul3A_4, %add3A_9 : i32
    "tpu.region"() ({
      %run_scoped3A = tpu.sem_alloc : memref<!tpu.dma_semaphore, #tpu.memory_space<semaphore_mem>>
      %dma_start3A = arith.constant 0 : i32
      %dma_start3A_51 = tpu.memref_slice %arg11[%add3A_10, %dma_start3A] : memref<10240x32xf32, #tpu.memory_space<vmem_shared>> -> memref<128x32xf32, #tpu.memory_space<vmem_shared>>
      %dma_start3A_52 = arith.constant 0 : i32
      %dma_start3A_53 = tpu.memref_slice %arg2[%add3A_10, %dma_start3A_52] : memref<10240x32xf32, #tpu.memory_space<hbm>> -> memref<128x32xf32, #tpu.memory_space<hbm>>
      tpu.enqueue_dma source(%dma_start3A_53 : memref<128x32xf32, #tpu.memory_space<hbm>>) target(%dma_start3A_51 : memref<128x32xf32, #tpu.memory_space<vmem_shared>>) target_semaphore(%run_scoped3A : memref<!tpu.dma_semaphore, #tpu.memory_space<semaphore_mem>>)
      %dma_wait3A = arith.constant 0 : i32
      %dma_wait3A_54 = tpu.memref_slice %arg11[%add3A_10, %dma_wait3A] : memref<10240x32xf32, #tpu.memory_space<vmem_shared>> -> memref<128x32xf32, #tpu.memory_space<vmem_shared>>
      %dma_wait3A_55 = arith.constant 0 : i32
      %dma_wait3A_56 = tpu.memref_slice %arg2[%add3A_10, %dma_wait3A_55] : memref<10240x32xf32, #tpu.memory_space<hbm>> -> memref<128x32xf32, #tpu.memory_space<hbm>>
      tpu.wait_dma2 semaphore(%run_scoped3A : memref<!tpu.dma_semaphore, #tpu.memory_space<semaphore_mem>>) src(%dma_wait3A_56 : memref<128x32xf32, #tpu.memory_space<hbm>>) dst(%dma_wait3A_54 : memref<128x32xf32, #tpu.memory_space<vmem_shared>>)
      tpu.yield
    }) : () -> ()
    %add3A_11 = arith.constant 384 : i32
    %add3A_12 = arith.addi %mul3A_4, %add3A_11 : i32
    "tpu.region"() ({
      %run_scoped3A = tpu.sem_alloc : memref<!tpu.dma_semaphore, #tpu.memory_space<semaphore_mem>>
      %dma_start3A = arith.constant 0 : i32
      %dma_start3A_51 = tpu.memref_slice %arg11[%add3A_12, %dma_start3A] : memref<10240x32xf32, #tpu.memory_space<vmem_shared>> -> memref<128x32xf32, #tpu.memory_space<vmem_shared>>
      %dma_start3A_52 = arith.constant 0 : i32
      %dma_start3A_53 = tpu.memref_slice %arg2[%add3A_12, %dma_start3A_52] : memref<10240x32xf32, #tpu.memory_space<hbm>> -> memref<128x32xf32, #tpu.memory_space<hbm>>
      tpu.enqueue_dma source(%dma_start3A_53 : memref<128x32xf32, #tpu.memory_space<hbm>>) target(%dma_start3A_51 : memref<128x32xf32, #tpu.memory_space<vmem_shared>>) target_semaphore(%run_scoped3A : memref<!tpu.dma_semaphore, #tpu.memory_space<semaphore_mem>>)
      %dma_wait3A = arith.constant 0 : i32
      %dma_wait3A_54 = tpu.memref_slice %arg11[%add3A_12, %dma_wait3A] : memref<10240x32xf32, #tpu.memory_space<vmem_shared>> -> memref<128x32xf32, #tpu.memory_space<vmem_shared>>
      %dma_wait3A_55 = arith.constant 0 : i32
      %dma_wait3A_56 = tpu.memref_slice %arg2[%add3A_12, %dma_wait3A_55] : memref<10240x32xf32, #tpu.memory_space<hbm>> -> memref<128x32xf32, #tpu.memory_space<hbm>>
      tpu.wait_dma2 semaphore(%run_scoped3A : memref<!tpu.dma_semaphore, #tpu.memory_space<semaphore_mem>>) src(%dma_wait3A_56 : memref<128x32xf32, #tpu.memory_space<hbm>>) dst(%dma_wait3A_54 : memref<128x32xf32, #tpu.memory_space<vmem_shared>>)
      tpu.yield
    }) : () -> ()
    %add3A_13 = arith.constant 512 : i32
    %add3A_14 = arith.addi %mul3A_4, %add3A_13 : i32
    "tpu.region"() ({
      %run_scoped3A = tpu.sem_alloc : memref<!tpu.dma_semaphore, #tpu.memory_space<semaphore_mem>>
      %dma_start3A = arith.constant 0 : i32
      %dma_start3A_51 = tpu.memref_slice %arg11[%add3A_14, %dma_start3A] : memref<10240x32xf32, #tpu.memory_space<vmem_shared>> -> memref<128x32xf32, #tpu.memory_space<vmem_shared>>
      %dma_start3A_52 = arith.constant 0 : i32
      %dma_start3A_53 = tpu.memref_slice %arg2[%add3A_14, %dma_start3A_52] : memref<10240x32xf32, #tpu.memory_space<hbm>> -> memref<128x32xf32, #tpu.memory_space<hbm>>
      tpu.enqueue_dma source(%dma_start3A_53 : memref<128x32xf32, #tpu.memory_space<hbm>>) target(%dma_start3A_51 : memref<128x32xf32, #tpu.memory_space<vmem_shared>>) target_semaphore(%run_scoped3A : memref<!tpu.dma_semaphore, #tpu.memory_space<semaphore_mem>>)
      %dma_wait3A = arith.constant 0 : i32
      %dma_wait3A_54 = tpu.memref_slice %arg11[%add3A_14, %dma_wait3A] : memref<10240x32xf32, #tpu.memory_space<vmem_shared>> -> memref<128x32xf32, #tpu.memory_space<vmem_shared>>
      %dma_wait3A_55 = arith.constant 0 : i32
      %dma_wait3A_56 = tpu.memref_slice %arg2[%add3A_14, %dma_wait3A_55] : memref<10240x32xf32, #tpu.memory_space<hbm>> -> memref<128x32xf32, #tpu.memory_space<hbm>>
      tpu.wait_dma2 semaphore(%run_scoped3A : memref<!tpu.dma_semaphore, #tpu.memory_space<semaphore_mem>>) src(%dma_wait3A_56 : memref<128x32xf32, #tpu.memory_space<hbm>>) dst(%dma_wait3A_54 : memref<128x32xf32, #tpu.memory_space<vmem_shared>>)
      tpu.yield
    }) : () -> ()
    %scan3A = arith.constant 0 : i32
    %scan3A_15 = arith.constant 0 : i32
    %scan3A_16 = arith.constant 128 : i32
    %scan3A_17 = arith.addi %scan3A_15, %scan3A_16 : i32
    %scan3A_18 = arith.constant 1 : i32
    %scan3A_19 = scf.for %scan3A_51 = %scan3A_15 to %scan3A_17 step %scan3A_18 iter_args(%scan3A_52 = %scan3A) -> (i32)  : i32 {
      %broadcast_in_dim3A = arith.constant 0.000000e+00 : f32
      %broadcast_in_dim3A_53 = vector.broadcast %broadcast_in_dim3A : f32 to vector<16xf32>
      %swap3A = arith.index_cast %scan3A_51 : i32 to index
      %swap3A_54 = arith.constant 0 : index
      %swap3A_55 = tpu.vector_load %arg9[%swap3A, %swap3A_54] {strides = array<i32>} : memref<128x32xf32, #tpu.memory_space<vmem>>, vector<1x16xf32>,
      %swap3A_56 = vector.shape_cast %swap3A_55 : vector<1x16xf32> to vector<16xf32>
      %swap3A_57 = vector.shape_cast %broadcast_in_dim3A_53 : vector<16xf32> to vector<1x16xf32>
      tpu.vector_store %arg9[%swap3A, %swap3A_54], %swap3A_57 {strides = array<i32>} : memref<128x32xf32, #tpu.memory_space<vmem>>, vector<1x16xf32>,
      %broadcast_in_dim3A_58 = arith.constant 0.000000e+00 : f32
      %broadcast_in_dim3A_59 = vector.broadcast %broadcast_in_dim3A_58 : f32 to vector<16xf32>
      %swap3A_60 = arith.index_cast %scan3A_51 : i32 to index
      %swap3A_61 = arith.constant 16 : index
      %swap3A_62 = tpu.vector_load %arg9[%swap3A_60, %swap3A_61] {strides = array<i32>} : memref<128x32xf32, #tpu.memory_space<vmem>>, vector<1x16xf32>,
      %swap3A_63 = vector.shape_cast %swap3A_62 : vector<1x16xf32> to vector<16xf32>
      %swap3A_64 = vector.shape_cast %broadcast_in_dim3A_59 : vector<16xf32> to vector<1x16xf32>
      tpu.vector_store %arg9[%swap3A_60, %swap3A_61], %swap3A_64 {strides = array<i32>} : memref<128x32xf32, #tpu.memory_space<vmem>>, vector<1x16xf32>,
      %scan3A_65 = arith.constant 0 : i32
      scf.yield %scan3A_65 : i32
    }
    %scan3A_20 = arith.constant 128 : i32
    %mul3A_21 = arith.constant 640 : i32
    %mul3A_22 = arith.muli %arg1, %mul3A_21 : i32
    %add3A_23 = arith.constant 0 : i32
    %add3A_24 = arith.addi %mul3A_22, %add3A_23 : i32
    "tpu.region"() ({
      %run_scoped3A = tpu.sem_alloc : memref<!tpu.dma_semaphore, #tpu.memory_space<semaphore_mem>>
      %dma_start3A = arith.constant 0 : i32
      %dma_start3A_51 = tpu.memref_slice %arg10[%add3A_24, %dma_start3A] : memref<10240x32xf32, #tpu.memory_space<vmem_shared>> -> memref<128x32xf32, #tpu.memory_space<vmem_shared>>
      %dma_start3A_52 = arith.constant 0 : i32
      %dma_start3A_53 = tpu.memref_slice %arg10[%add3A_24, %dma_start3A_52] : memref<10240x32xf32, #tpu.memory_space<vmem_shared>> -> memref<128x32xf32, #tpu.memory_space<vmem_shared>>
      tpu.enqueue_dma source(%arg9 : memref<128x32xf32, #tpu.memory_space<vmem>>) target(%dma_start3A_53 : memref<128x32xf32, #tpu.memory_space<vmem_shared>>) target_semaphore(%run_scoped3A : memref<!tpu.dma_semaphore, #tpu.memory_space<semaphore_mem>>)
      %dma_wait3A = arith.constant 0 : i32
      %dma_wait3A_54 = tpu.memref_slice %arg10[%add3A_24, %dma_wait3A] : memref<10240x32xf32, #tpu.memory_space<vmem_shared>> -> memref<128x32xf32, #tpu.memory_space<vmem_shared>>
      %dma_wait3A_55 = arith.constant 0 : i32
      %dma_wait3A_56 = tpu.memref_slice %arg10[%add3A_24, %dma_wait3A_55] : memref<10240x32xf32, #tpu.memory_space<vmem_shared>> -> memref<128x32xf32, #tpu.memory_space<vmem_shared>>
      tpu.wait_dma2 semaphore(%run_scoped3A : memref<!tpu.dma_semaphore, #tpu.memory_space<semaphore_mem>>) src(%arg9 : memref<128x32xf32, #tpu.memory_space<vmem>>) dst(%dma_wait3A_56 : memref<128x32xf32, #tpu.memory_space<vmem_shared>>)
      tpu.yield
    }) : () -> ()
    %add3A_25 = arith.constant 128 : i32
    %add3A_26 = arith.addi %mul3A_22, %add3A_25 : i32
    "tpu.region"() ({
      %run_scoped3A = tpu.sem_alloc : memref<!tpu.dma_semaphore, #tpu.memory_space<semaphore_mem>>
      %dma_start3A = arith.constant 0 : i32
      %dma_start3A_51 = tpu.memref_slice %arg10[%add3A_26, %dma_start3A] : memref<10240x32xf32, #tpu.memory_space<vmem_shared>> -> memref<128x32xf32, #tpu.memory_space<vmem_shared>>
      %dma_start3A_52 = arith.constant 0 : i32
      %dma_start3A_53 = tpu.memref_slice %arg10[%add3A_26, %dma_start3A_52] : memref<10240x32xf32, #tpu.memory_space<vmem_shared>> -> memref<128x32xf32, #tpu.memory_space<vmem_shared>>
      tpu.enqueue_dma source(%arg9 : memref<128x32xf32, #tpu.memory_space<vmem>>) target(%dma_start3A_53 : memref<128x32xf32, #tpu.memory_space<vmem_shared>>) target_semaphore(%run_scoped3A : memref<!tpu.dma_semaphore, #tpu.memory_space<semaphore_mem>>)
      %dma_wait3A = arith.constant 0 : i32
      %dma_wait3A_54 = tpu.memref_slice %arg10[%add3A_26, %dma_wait3A] : memref<10240x32xf32, #tpu.memory_space<vmem_shared>> -> memref<128x32xf32, #tpu.memory_space<vmem_shared>>
      %dma_wait3A_55 = arith.constant 0 : i32
      %dma_wait3A_56 = tpu.memref_slice %arg10[%add3A_26, %dma_wait3A_55] : memref<10240x32xf32, #tpu.memory_space<vmem_shared>> -> memref<128x32xf32, #tpu.memory_space<vmem_shared>>
      tpu.wait_dma2 semaphore(%run_scoped3A : memref<!tpu.dma_semaphore, #tpu.memory_space<semaphore_mem>>) src(%arg9 : memref<128x32xf32, #tpu.memory_space<vmem>>) dst(%dma_wait3A_56 : memref<128x32xf32, #tpu.memory_space<vmem_shared>>)
      tpu.yield
    }) : () -> ()
    %add3A_27 = arith.constant 256 : i32
    %add3A_28 = arith.addi %mul3A_22, %add3A_27 : i32
    "tpu.region"() ({
      %run_scoped3A = tpu.sem_alloc : memref<!tpu.dma_semaphore, #tpu.memory_space<semaphore_mem>>
      %dma_start3A = arith.constant 0 : i32
      %dma_start3A_51 = tpu.memref_slice %arg10[%add3A_28, %dma_start3A] : memref<10240x32xf32, #tpu.memory_space<vmem_shared>> -> memref<128x32xf32, #tpu.memory_space<vmem_shared>>
      %dma_start3A_52 = arith.constant 0 : i32
      %dma_start3A_53 = tpu.memref_slice %arg10[%add3A_28, %dma_start3A_52] : memref<10240x32xf32, #tpu.memory_space<vmem_shared>> -> memref<128x32xf32, #tpu.memory_space<vmem_shared>>
      tpu.enqueue_dma source(%arg9 : memref<128x32xf32, #tpu.memory_space<vmem>>) target(%dma_start3A_53 : memref<128x32xf32, #tpu.memory_space<vmem_shared>>) target_semaphore(%run_scoped3A : memref<!tpu.dma_semaphore, #tpu.memory_space<semaphore_mem>>)
      %dma_wait3A = arith.constant 0 : i32
      %dma_wait3A_54 = tpu.memref_slice %arg10[%add3A_28, %dma_wait3A] : memref<10240x32xf32, #tpu.memory_space<vmem_shared>> -> memref<128x32xf32, #tpu.memory_space<vmem_shared>>
      %dma_wait3A_55 = arith.constant 0 : i32
      %dma_wait3A_56 = tpu.memref_slice %arg10[%add3A_28, %dma_wait3A_55] : memref<10240x32xf32, #tpu.memory_space<vmem_shared>> -> memref<128x32xf32, #tpu.memory_space<vmem_shared>>
      tpu.wait_dma2 semaphore(%run_scoped3A : memref<!tpu.dma_semaphore, #tpu.memory_space<semaphore_mem>>) src(%arg9 : memref<128x32xf32, #tpu.memory_space<vmem>>) dst(%dma_wait3A_56 : memref<128x32xf32, #tpu.memory_space<vmem_shared>>)
      tpu.yield
    }) : () -> ()
    %add3A_29 = arith.constant 384 : i32
    %add3A_30 = arith.addi %mul3A_22, %add3A_29 : i32
    "tpu.region"() ({
      %run_scoped3A = tpu.sem_alloc : memref<!tpu.dma_semaphore, #tpu.memory_space<semaphore_mem>>
      %dma_start3A = arith.constant 0 : i32
      %dma_start3A_51 = tpu.memref_slice %arg10[%add3A_30, %dma_start3A] : memref<10240x32xf32, #tpu.memory_space<vmem_shared>> -> memref<128x32xf32, #tpu.memory_space<vmem_shared>>
      %dma_start3A_52 = arith.constant 0 : i32
      %dma_start3A_53 = tpu.memref_slice %arg10[%add3A_30, %dma_start3A_52] : memref<10240x32xf32, #tpu.memory_space<vmem_shared>> -> memref<128x32xf32, #tpu.memory_space<vmem_shared>>
      tpu.enqueue_dma source(%arg9 : memref<128x32xf32, #tpu.memory_space<vmem>>) target(%dma_start3A_53 : memref<128x32xf32, #tpu.memory_space<vmem_shared>>) target_semaphore(%run_scoped3A : memref<!tpu.dma_semaphore, #tpu.memory_space<semaphore_mem>>)
      %dma_wait3A = arith.constant 0 : i32
      %dma_wait3A_54 = tpu.memref_slice %arg10[%add3A_30, %dma_wait3A] : memref<10240x32xf32, #tpu.memory_space<vmem_shared>> -> memref<128x32xf32, #tpu.memory_space<vmem_shared>>
      %dma_wait3A_55 = arith.constant 0 : i32
      %dma_wait3A_56 = tpu.memref_slice %arg10[%add3A_30, %dma_wait3A_55] : memref<10240x32xf32, #tpu.memory_space<vmem_shared>> -> memref<128x32xf32, #tpu.memory_space<vmem_shared>>
      tpu.wait_dma2 semaphore(%run_scoped3A : memref<!tpu.dma_semaphore, #tpu.memory_space<semaphore_mem>>) src(%arg9 : memref<128x32xf32, #tpu.memory_space<vmem>>) dst(%dma_wait3A_56 : memref<128x32xf32, #tpu.memory_space<vmem_shared>>)
      tpu.yield
    }) : () -> ()
    %add3A_31 = arith.constant 512 : i32
    %add3A_32 = arith.addi %mul3A_22, %add3A_31 : i32
    "tpu.region"() ({
      %run_scoped3A = tpu.sem_alloc : memref<!tpu.dma_semaphore, #tpu.memory_space<semaphore_mem>>
      %dma_start3A = arith.constant 0 : i32
      %dma_start3A_51 = tpu.memref_slice %arg10[%add3A_32, %dma_start3A] : memref<10240x32xf32, #tpu.memory_space<vmem_shared>> -> memref<128x32xf32, #tpu.memory_space<vmem_shared>>
      %dma_start3A_52 = arith.constant 0 : i32
      %dma_start3A_53 = tpu.memref_slice %arg10[%add3A_32, %dma_start3A_52] : memref<10240x32xf32, #tpu.memory_space<vmem_shared>> -> memref<128x32xf32, #tpu.memory_space<vmem_shared>>
      tpu.enqueue_dma source(%arg9 : memref<128x32xf32, #tpu.memory_space<vmem>>) target(%dma_start3A_53 : memref<128x32xf32, #tpu.memory_space<vmem_shared>>) target_semaphore(%run_scoped3A : memref<!tpu.dma_semaphore, #tpu.memory_space<semaphore_mem>>)
      %dma_wait3A = arith.constant 0 : i32
      %dma_wait3A_54 = tpu.memref_slice %arg10[%add3A_32, %dma_wait3A] : memref<10240x32xf32, #tpu.memory_space<vmem_shared>> -> memref<128x32xf32, #tpu.memory_space<vmem_shared>>
      %dma_wait3A_55 = arith.constant 0 : i32
      %dma_wait3A_56 = tpu.memref_slice %arg10[%add3A_32, %dma_wait3A_55] : memref<10240x32xf32, #tpu.memory_space<vmem_shared>> -> memref<128x32xf32, #tpu.memory_space<vmem_shared>>
      tpu.wait_dma2 semaphore(%run_scoped3A : memref<!tpu.dma_semaphore, #tpu.memory_space<semaphore_mem>>) src(%arg9 : memref<128x32xf32, #tpu.memory_space<vmem>>) dst(%dma_wait3A_56 : memref<128x32xf32, #tpu.memory_space<vmem_shared>>)
      tpu.yield
    }) : () -> ()
    %barrier3A = arith.constant 0 : index
    tpu.barrier barrier_id(%barrier3A)
    %scan3A_33 = arith.constant 0 : i32
    %scan3A_34 = arith.constant 0 : i32
    %scan3A_35 = arith.constant 79 : i32
    %scan3A_36 = arith.addi %scan3A_34, %scan3A_35 : i32
    %scan3A_37 = arith.constant 1 : i32
    %scan3A_38 = scf.for %scan3A_51 = %scan3A_34 to %scan3A_36 step %scan3A_37 iter_args(%scan3A_52 = %scan3A_33) -> (i32)  : i32 {
      %dma_start3A = arith.constant 0 : i32
      %dma_start3A_53 = tpu.memref_slice %arg6[%scan3A_51, %dma_start3A] : memref<79x128xi32, #tpu.memory_space<vmem>> -> memref<1x128xi32, #tpu.memory_space<vmem>>
      %dma_start3A_54 = tpu.memref_squeeze %dma_start3A_53 : memref<1x128xi32, #tpu.memory_space<vmem>> -> memref<128xi32, #tpu.memory_space<vmem>>
      %dma_start3A_55 = arith.constant 0 : i32
      %dma_start3A_56 = arith.constant 0 : i32
      %dma_start3A_57 = tpu.memref_slice %arg11[%dma_start3A_55, %dma_start3A_56] : memref<10240x32xf32, #tpu.memory_space<vmem_shared>> -> memref<10240x32xf32, #tpu.memory_space<vmem_shared>>
      tpu.enqueue_indirect_dma source(%dma_start3A_57 : memref<10240x32xf32, #tpu.memory_space<vmem_shared>>) target(%arg8 : memref<128x32xf32, #tpu.memory_space<vmem>>) offsets(%dma_start3A_54 : memref<128xi32, #tpu.memory_space<vmem>>) semaphore(%arg12 : memref<!tpu.dma_semaphore, #tpu.memory_space<semaphore_mem>>)
      %dma_wait3A = arith.constant 0 : i32
      %dma_wait3A_58 = tpu.memref_slice %arg6[%scan3A_51, %dma_wait3A] : memref<79x128xi32, #tpu.memory_space<vmem>> -> memref<1x128xi32, #tpu.memory_space<vmem>>
      %dma_wait3A_59 = tpu.memref_squeeze %dma_wait3A_58 : memref<1x128xi32, #tpu.memory_space<vmem>> -> memref<128xi32, #tpu.memory_space<vmem>>
      %dma_wait3A_60 = arith.constant 0 : i32
      %dma_wait3A_61 = arith.constant 0 : i32
      %dma_wait3A_62 = tpu.memref_slice %arg11[%dma_wait3A_60, %dma_wait3A_61] : memref<10240x32xf32, #tpu.memory_space<vmem_shared>> -> memref<10240x32xf32, #tpu.memory_space<vmem_shared>>
      tpu.wait_indirect_dma semaphore(%arg12 : memref<!tpu.dma_semaphore, #tpu.memory_space<semaphore_mem>>) src(%dma_wait3A_62 : memref<10240x32xf32, #tpu.memory_space<vmem_shared>>) dst(%arg8 : memref<128x32xf32, #tpu.memory_space<vmem>>)
      %dma_start3A_63 = arith.constant 0 : i32
      %dma_start3A_64 = tpu.memref_slice %arg7[%scan3A_51, %dma_start3A_63] : memref<79x128xi32, #tpu.memory_space<vmem>> -> memref<1x128xi32, #tpu.memory_space<vmem>>
      %dma_start3A_65 = tpu.memref_squeeze %dma_start3A_64 : memref<1x128xi32, #tpu.memory_space<vmem>> -> memref<128xi32, #tpu.memory_space<vmem>>
      %dma_start3A_66 = arith.constant 0 : i32
      %dma_start3A_67 = arith.constant 0 : i32
      %dma_start3A_68 = tpu.memref_slice %arg10[%dma_start3A_66, %dma_start3A_67] : memref<10240x32xf32, #tpu.memory_space<vmem_shared>> -> memref<10240x32xf32, #tpu.memory_space<vmem_shared>>
      tpu.enqueue_indirect_dma source(%arg8 : memref<128x32xf32, #tpu.memory_space<vmem>>) target(%dma_start3A_68 : memref<10240x32xf32, #tpu.memory_space<vmem_shared>>) offsets(%dma_start3A_65 : memref<128xi32, #tpu.memory_space<vmem>>) semaphore(%arg12 : memref<!tpu.dma_semaphore, #tpu.memory_space<semaphore_mem>>) {add = true}
      %dma_wait3A_69 = arith.constant 0 : i32
      %dma_wait3A_70 = tpu.memref_slice %arg7[%scan3A_51, %dma_wait3A_69] : memref<79x128xi32, #tpu.memory_space<vmem>> -> memref<1x128xi32, #tpu.memory_space<vmem>>
      %dma_wait3A_71 = tpu.memref_squeeze %dma_wait3A_70 : memref<1x128xi32, #tpu.memory_space<vmem>> -> memref<128xi32, #tpu.memory_space<vmem>>
      %dma_wait3A_72 = arith.constant 0 : i32
      %dma_wait3A_73 = arith.constant 0 : i32
      %dma_wait3A_74 = tpu.memref_slice %arg10[%dma_wait3A_72, %dma_wait3A_73] : memref<10240x32xf32, #tpu.memory_space<vmem_shared>> -> memref<10240x32xf32, #tpu.memory_space<vmem_shared>>
      tpu.wait_indirect_dma semaphore(%arg12 : memref<!tpu.dma_semaphore, #tpu.memory_space<semaphore_mem>>) src(%arg8 : memref<128x32xf32, #tpu.memory_space<vmem>>) dst(%dma_wait3A_74 : memref<10240x32xf32, #tpu.memory_space<vmem_shared>>)
      %scan3A_75 = arith.constant 0 : i32
      scf.yield %scan3A_75 : i32
    }
    %scan3A_39 = arith.constant 79 : i32
    %barrier3A_40 = arith.constant 0 : index
    tpu.barrier barrier_id(%barrier3A_40)
    %add3A_41 = arith.constant 0 : i32
    %add3A_42 = arith.addi %mul3A_22, %add3A_41 : i32
    "tpu.region"() ({
      %run_scoped3A = tpu.sem_alloc : memref<!tpu.dma_semaphore, #tpu.memory_space<semaphore_mem>>
      %dma_start3A = arith.constant 0 : i32
      %dma_start3A_51 = tpu.memref_slice %arg10[%add3A_42, %dma_start3A] : memref<10240x32xf32, #tpu.memory_space<vmem_shared>> -> memref<128x32xf32, #tpu.memory_space<vmem_shared>>
      %dma_start3A_52 = arith.constant 0 : i32
      %dma_start3A_53 = tpu.memref_slice %arg10[%add3A_42, %dma_start3A_52] : memref<10240x32xf32, #tpu.memory_space<vmem_shared>> -> memref<128x32xf32, #tpu.memory_space<vmem_shared>>
      tpu.enqueue_dma source(%dma_start3A_53 : memref<128x32xf32, #tpu.memory_space<vmem_shared>>) target(%arg9 : memref<128x32xf32, #tpu.memory_space<vmem>>) target_semaphore(%run_scoped3A : memref<!tpu.dma_semaphore, #tpu.memory_space<semaphore_mem>>)
      %dma_wait3A = arith.constant 0 : i32
      %dma_wait3A_54 = tpu.memref_slice %arg10[%add3A_42, %dma_wait3A] : memref<10240x32xf32, #tpu.memory_space<vmem_shared>> -> memref<128x32xf32, #tpu.memory_space<vmem_shared>>
      %dma_wait3A_55 = arith.constant 0 : i32
      %dma_wait3A_56 = tpu.memref_slice %arg10[%add3A_42, %dma_wait3A_55] : memref<10240x32xf32, #tpu.memory_space<vmem_shared>> -> memref<128x32xf32, #tpu.memory_space<vmem_shared>>
      tpu.wait_dma2 semaphore(%run_scoped3A : memref<!tpu.dma_semaphore, #tpu.memory_space<semaphore_mem>>) src(%dma_wait3A_56 : memref<128x32xf32, #tpu.memory_space<vmem_shared>>) dst(%arg9 : memref<128x32xf32, #tpu.memory_space<vmem>>)
      tpu.yield
    }) : () -> ()
    "tpu.region"() ({
      %run_scoped3A = tpu.sem_alloc : memref<!tpu.dma_semaphore, #tpu.memory_space<semaphore_mem>>
      %dma_start3A = arith.constant 0 : i32
      %dma_start3A_51 = tpu.memref_slice %arg5[%arg0, %add3A_42, %dma_start3A] : memref<2x10240x32xf32, #tpu.memory_space<hbm>> -> memref<1x128x32xf32, #tpu.memory_space<hbm>>
      %dma_start3A_52 = tpu.memref_squeeze %dma_start3A_51 : memref<1x128x32xf32, #tpu.memory_space<hbm>> -> memref<128x32xf32, #tpu.memory_space<hbm>>
      %dma_start3A_53 = arith.constant 0 : i32
      %dma_start3A_54 = tpu.memref_slice %arg5[%arg0, %add3A_42, %dma_start3A_53] : memref<2x10240x32xf32, #tpu.memory_space<hbm>> -> memref<1x128x32xf32, #tpu.memory_space<hbm>>
      %dma_start3A_55 = tpu.memref_squeeze %dma_start3A_54 : memref<1x128x32xf32, #tpu.memory_space<hbm>> -> memref<128x32xf32, #tpu.memory_space<hbm>>
      tpu.enqueue_dma source(%arg9 : memref<128x32xf32, #tpu.memory_space<vmem>>) target(%dma_start3A_55 : memref<128x32xf32, #tpu.memory_space<hbm>>) target_semaphore(%run_scoped3A : memref<!tpu.dma_semaphore, #tpu.memory_space<semaphore_mem>>)
      %dma_wait3A = arith.constant 0 : i32
      %dma_wait3A_56 = tpu.memref_slice %arg5[%arg0, %add3A_42, %dma_wait3A] : memref<2x10240x32xf32, #tpu.memory_space<hbm>> -> memref<1x128x32xf32, #tpu.memory_space<hbm>>
      %dma_wait3A_57 = tpu.memref_squeeze %dma_wait3A_56 : memref<1x128x32xf32, #tpu.memory_space<hbm>> -> memref<128x32xf32, #tpu.memory_space<hbm>>
      %dma_wait3A_58 = arith.constant 0 : i32
      %dma_wait3A_59 = tpu.memref_slice %arg5[%arg0, %add3A_42, %dma_wait3A_58] : memref<2x10240x32xf32, #tpu.memory_space<hbm>> -> memref<1x128x32xf32, #tpu.memory_space<hbm>>
      %dma_wait3A_60 = tpu.memref_squeeze %dma_wait3A_59 : memref<1x128x32xf32, #tpu.memory_space<hbm>> -> memref<128x32xf32, #tpu.memory_space<hbm>>
      tpu.wait_dma2 semaphore(%run_scoped3A : memref<!tpu.dma_semaphore, #tpu.memory_space<semaphore_mem>>) src(%arg9 : memref<128x32xf32, #tpu.memory_space<vmem>>) dst(%dma_wait3A_60 : memref<128x32xf32, #tpu.memory_space<hbm>>)
      tpu.yield
    }) : () -> ()
    %add3A_43 = arith.constant 128 : i32
    %add3A_44 = arith.addi %mul3A_22, %add3A_43 : i32
    "tpu.region"() ({
      %run_scoped3A = tpu.sem_alloc : memref<!tpu.dma_semaphore, #tpu.memory_space<semaphore_mem>>
      %dma_start3A = arith.constant 0 : i32
      %dma_start3A_51 = tpu.memref_slice %arg10[%add3A_44, %dma_start3A] : memref<10240x32xf32, #tpu.memory_space<vmem_shared>> -> memref<128x32xf32, #tpu.memory_space<vmem_shared>>
      %dma_start3A_52 = arith.constant 0 : i32
      %dma_start3A_53 = tpu.memref_slice %arg10[%add3A_44, %dma_start3A_52] : memref<10240x32xf32, #tpu.memory_space<vmem_shared>> -> memref<128x32xf32, #tpu.memory_space<vmem_shared>>
      tpu.enqueue_dma source(%dma_start3A_53 : memref<128x32xf32, #tpu.memory_space<vmem_shared>>) target(%arg9 : memref<128x32xf32, #tpu.memory_space<vmem>>) target_semaphore(%run_scoped3A : memref<!tpu.dma_semaphore, #tpu.memory_space<semaphore_mem>>)
      %dma_wait3A = arith.constant 0 : i32
      %dma_wait3A_54 = tpu.memref_slice %arg10[%add3A_44, %dma_wait3A] : memref<10240x32xf32, #tpu.memory_space<vmem_shared>> -> memref<128x32xf32, #tpu.memory_space<vmem_shared>>
      %dma_wait3A_55 = arith.constant 0 : i32
      %dma_wait3A_56 = tpu.memref_slice %arg10[%add3A_44, %dma_wait3A_55] : memref<10240x32xf32, #tpu.memory_space<vmem_shared>> -> memref<128x32xf32, #tpu.memory_space<vmem_shared>>
      tpu.wait_dma2 semaphore(%run_scoped3A : memref<!tpu.dma_semaphore, #tpu.memory_space<semaphore_mem>>) src(%dma_wait3A_56 : memref<128x32xf32, #tpu.memory_space<vmem_shared>>) dst(%arg9 : memref<128x32xf32, #tpu.memory_space<vmem>>)
      tpu.yield
    }) : () -> ()
    "tpu.region"() ({
      %run_scoped3A = tpu.sem_alloc : memref<!tpu.dma_semaphore, #tpu.memory_space<semaphore_mem>>
      %dma_start3A = arith.constant 0 : i32
      %dma_start3A_51 = tpu.memref_slice %arg5[%arg0, %add3A_44, %dma_start3A] : memref<2x10240x32xf32, #tpu.memory_space<hbm>> -> memref<1x128x32xf32, #tpu.memory_space<hbm>>
      %dma_start3A_52 = tpu.memref_squeeze %dma_start3A_51 : memref<1x128x32xf32, #tpu.memory_space<hbm>> -> memref<128x32xf32, #tpu.memory_space<hbm>>
      %dma_start3A_53 = arith.constant 0 : i32
      %dma_start3A_54 = tpu.memref_slice %arg5[%arg0, %add3A_44, %dma_start3A_53] : memref<2x10240x32xf32, #tpu.memory_space<hbm>> -> memref<1x128x32xf32, #tpu.memory_space<hbm>>
      %dma_start3A_55 = tpu.memref_squeeze %dma_start3A_54 : memref<1x128x32xf32, #tpu.memory_space<hbm>> -> memref<128x32xf32, #tpu.memory_space<hbm>>
      tpu.enqueue_dma source(%arg9 : memref<128x32xf32, #tpu.memory_space<vmem>>) target(%dma_start3A_55 : memref<128x32xf32, #tpu.memory_space<hbm>>) target_semaphore(%run_scoped3A : memref<!tpu.dma_semaphore, #tpu.memory_space<semaphore_mem>>)
      %dma_wait3A = arith.constant 0 : i32
      %dma_wait3A_56 = tpu.memref_slice %arg5[%arg0, %add3A_44, %dma_wait3A] : memref<2x10240x32xf32, #tpu.memory_space<hbm>> -> memref<1x128x32xf32, #tpu.memory_space<hbm>>
      %dma_wait3A_57 = tpu.memref_squeeze %dma_wait3A_56 : memref<1x128x32xf32, #tpu.memory_space<hbm>> -> memref<128x32xf32, #tpu.memory_space<hbm>>
      %dma_wait3A_58 = arith.constant 0 : i32
      %dma_wait3A_59 = tpu.memref_slice %arg5[%arg0, %add3A_44, %dma_wait3A_58] : memref<2x10240x32xf32, #tpu.memory_space<hbm>> -> memref<1x128x32xf32, #tpu.memory_space<hbm>>
      %dma_wait3A_60 = tpu.memref_squeeze %dma_wait3A_59 : memref<1x128x32xf32, #tpu.memory_space<hbm>> -> memref<128x32xf32, #tpu.memory_space<hbm>>
      tpu.wait_dma2 semaphore(%run_scoped3A : memref<!tpu.dma_semaphore, #tpu.memory_space<semaphore_mem>>) src(%arg9 : memref<128x32xf32, #tpu.memory_space<vmem>>) dst(%dma_wait3A_60 : memref<128x32xf32, #tpu.memory_space<hbm>>)
      tpu.yield
    }) : () -> ()
    %add3A_45 = arith.constant 256 : i32
    %add3A_46 = arith.addi %mul3A_22, %add3A_45 : i32
    "tpu.region"() ({
      %run_scoped3A = tpu.sem_alloc : memref<!tpu.dma_semaphore, #tpu.memory_space<semaphore_mem>>
      %dma_start3A = arith.constant 0 : i32
      %dma_start3A_51 = tpu.memref_slice %arg10[%add3A_46, %dma_start3A] : memref<10240x32xf32, #tpu.memory_space<vmem_shared>> -> memref<128x32xf32, #tpu.memory_space<vmem_shared>>
      %dma_start3A_52 = arith.constant 0 : i32
      %dma_start3A_53 = tpu.memref_slice %arg10[%add3A_46, %dma_start3A_52] : memref<10240x32xf32, #tpu.memory_space<vmem_shared>> -> memref<128x32xf32, #tpu.memory_space<vmem_shared>>
      tpu.enqueue_dma source(%dma_start3A_53 : memref<128x32xf32, #tpu.memory_space<vmem_shared>>) target(%arg9 : memref<128x32xf32, #tpu.memory_space<vmem>>) target_semaphore(%run_scoped3A : memref<!tpu.dma_semaphore, #tpu.memory_space<semaphore_mem>>)
      %dma_wait3A = arith.constant 0 : i32
      %dma_wait3A_54 = tpu.memref_slice %arg10[%add3A_46, %dma_wait3A] : memref<10240x32xf32, #tpu.memory_space<vmem_shared>> -> memref<128x32xf32, #tpu.memory_space<vmem_shared>>
      %dma_wait3A_55 = arith.constant 0 : i32
      %dma_wait3A_56 = tpu.memref_slice %arg10[%add3A_46, %dma_wait3A_55] : memref<10240x32xf32, #tpu.memory_space<vmem_shared>> -> memref<128x32xf32, #tpu.memory_space<vmem_shared>>
      tpu.wait_dma2 semaphore(%run_scoped3A : memref<!tpu.dma_semaphore, #tpu.memory_space<semaphore_mem>>) src(%dma_wait3A_56 : memref<128x32xf32, #tpu.memory_space<vmem_shared>>) dst(%arg9 : memref<128x32xf32, #tpu.memory_space<vmem>>)
      tpu.yield
    }) : () -> ()
    "tpu.region"() ({
      %run_scoped3A = tpu.sem_alloc : memref<!tpu.dma_semaphore, #tpu.memory_space<semaphore_mem>>
      %dma_start3A = arith.constant 0 : i32
      %dma_start3A_51 = tpu.memref_slice %arg5[%arg0, %add3A_46, %dma_start3A] : memref<2x10240x32xf32, #tpu.memory_space<hbm>> -> memref<1x128x32xf32, #tpu.memory_space<hbm>>
      %dma_start3A_52 = tpu.memref_squeeze %dma_start3A_51 : memref<1x128x32xf32, #tpu.memory_space<hbm>> -> memref<128x32xf32, #tpu.memory_space<hbm>>
      %dma_start3A_53 = arith.constant 0 : i32
      %dma_start3A_54 = tpu.memref_slice %arg5[%arg0, %add3A_46, %dma_start3A_53] : memref<2x10240x32xf32, #tpu.memory_space<hbm>> -> memref<1x128x32xf32, #tpu.memory_space<hbm>>
      %dma_start3A_55 = tpu.memref_squeeze %dma_start3A_54 : memref<1x128x32xf32, #tpu.memory_space<hbm>> -> memref<128x32xf32, #tpu.memory_space<hbm>>
      tpu.enqueue_dma source(%arg9 : memref<128x32xf32, #tpu.memory_space<vmem>>) target(%dma_start3A_55 : memref<128x32xf32, #tpu.memory_space<hbm>>) target_semaphore(%run_scoped3A : memref<!tpu.dma_semaphore, #tpu.memory_space<semaphore_mem>>)
      %dma_wait3A = arith.constant 0 : i32
      %dma_wait3A_56 = tpu.memref_slice %arg5[%arg0, %add3A_46, %dma_wait3A] : memref<2x10240x32xf32, #tpu.memory_space<hbm>> -> memref<1x128x32xf32, #tpu.memory_space<hbm>>
      %dma_wait3A_57 = tpu.memref_squeeze %dma_wait3A_56 : memref<1x128x32xf32, #tpu.memory_space<hbm>> -> memref<128x32xf32, #tpu.memory_space<hbm>>
      %dma_wait3A_58 = arith.constant 0 : i32
      %dma_wait3A_59 = tpu.memref_slice %arg5[%arg0, %add3A_46, %dma_wait3A_58] : memref<2x10240x32xf32, #tpu.memory_space<hbm>> -> memref<1x128x32xf32, #tpu.memory_space<hbm>>
      %dma_wait3A_60 = tpu.memref_squeeze %dma_wait3A_59 : memref<1x128x32xf32, #tpu.memory_space<hbm>> -> memref<128x32xf32, #tpu.memory_space<hbm>>
      tpu.wait_dma2 semaphore(%run_scoped3A : memref<!tpu.dma_semaphore, #tpu.memory_space<semaphore_mem>>) src(%arg9 : memref<128x32xf32, #tpu.memory_space<vmem>>) dst(%dma_wait3A_60 : memref<128x32xf32, #tpu.memory_space<hbm>>)
      tpu.yield
    }) : () -> ()
    %add3A_47 = arith.constant 384 : i32
    %add3A_48 = arith.addi %mul3A_22, %add3A_47 : i32
    "tpu.region"() ({
      %run_scoped3A = tpu.sem_alloc : memref<!tpu.dma_semaphore, #tpu.memory_space<semaphore_mem>>
      %dma_start3A = arith.constant 0 : i32
      %dma_start3A_51 = tpu.memref_slice %arg10[%add3A_48, %dma_start3A] : memref<10240x32xf32, #tpu.memory_space<vmem_shared>> -> memref<128x32xf32, #tpu.memory_space<vmem_shared>>
      %dma_start3A_52 = arith.constant 0 : i32
      %dma_start3A_53 = tpu.memref_slice %arg10[%add3A_48, %dma_start3A_52] : memref<10240x32xf32, #tpu.memory_space<vmem_shared>> -> memref<128x32xf32, #tpu.memory_space<vmem_shared>>
      tpu.enqueue_dma source(%dma_start3A_53 : memref<128x32xf32, #tpu.memory_space<vmem_shared>>) target(%arg9 : memref<128x32xf32, #tpu.memory_space<vmem>>) target_semaphore(%run_scoped3A : memref<!tpu.dma_semaphore, #tpu.memory_space<semaphore_mem>>)
      %dma_wait3A = arith.constant 0 : i32
      %dma_wait3A_54 = tpu.memref_slice %arg10[%add3A_48, %dma_wait3A] : memref<10240x32xf32, #tpu.memory_space<vmem_shared>> -> memref<128x32xf32, #tpu.memory_space<vmem_shared>>
      %dma_wait3A_55 = arith.constant 0 : i32
      %dma_wait3A_56 = tpu.memref_slice %arg10[%add3A_48, %dma_wait3A_55] : memref<10240x32xf32, #tpu.memory_space<vmem_shared>> -> memref<128x32xf32, #tpu.memory_space<vmem_shared>>
      tpu.wait_dma2 semaphore(%run_scoped3A : memref<!tpu.dma_semaphore, #tpu.memory_space<semaphore_mem>>) src(%dma_wait3A_56 : memref<128x32xf32, #tpu.memory_space<vmem_shared>>) dst(%arg9 : memref<128x32xf32, #tpu.memory_space<vmem>>)
      tpu.yield
    }) : () -> ()
    "tpu.region"() ({
      %run_scoped3A = tpu.sem_alloc : memref<!tpu.dma_semaphore, #tpu.memory_space<semaphore_mem>>
      %dma_start3A = arith.constant 0 : i32
      %dma_start3A_51 = tpu.memref_slice %arg5[%arg0, %add3A_48, %dma_start3A] : memref<2x10240x32xf32, #tpu.memory_space<hbm>> -> memref<1x128x32xf32, #tpu.memory_space<hbm>>
      %dma_start3A_52 = tpu.memref_squeeze %dma_start3A_51 : memref<1x128x32xf32, #tpu.memory_space<hbm>> -> memref<128x32xf32, #tpu.memory_space<hbm>>
      %dma_start3A_53 = arith.constant 0 : i32
      %dma_start3A_54 = tpu.memref_slice %arg5[%arg0, %add3A_48, %dma_start3A_53] : memref<2x10240x32xf32, #tpu.memory_space<hbm>> -> memref<1x128x32xf32, #tpu.memory_space<hbm>>
      %dma_start3A_55 = tpu.memref_squeeze %dma_start3A_54 : memref<1x128x32xf32, #tpu.memory_space<hbm>> -> memref<128x32xf32, #tpu.memory_space<hbm>>
      tpu.enqueue_dma source(%arg9 : memref<128x32xf32, #tpu.memory_space<vmem>>) target(%dma_start3A_55 : memref<128x32xf32, #tpu.memory_space<hbm>>) target_semaphore(%run_scoped3A : memref<!tpu.dma_semaphore, #tpu.memory_space<semaphore_mem>>)
      %dma_wait3A = arith.constant 0 : i32
      %dma_wait3A_56 = tpu.memref_slice %arg5[%arg0, %add3A_48, %dma_wait3A] : memref<2x10240x32xf32, #tpu.memory_space<hbm>> -> memref<1x128x32xf32, #tpu.memory_space<hbm>>
      %dma_wait3A_57 = tpu.memref_squeeze %dma_wait3A_56 : memref<1x128x32xf32, #tpu.memory_space<hbm>> -> memref<128x32xf32, #tpu.memory_space<hbm>>
      %dma_wait3A_58 = arith.constant 0 : i32
      %dma_wait3A_59 = tpu.memref_slice %arg5[%arg0, %add3A_48, %dma_wait3A_58] : memref<2x10240x32xf32, #tpu.memory_space<hbm>> -> memref<1x128x32xf32, #tpu.memory_space<hbm>>
      %dma_wait3A_60 = tpu.memref_squeeze %dma_wait3A_59 : memref<1x128x32xf32, #tpu.memory_space<hbm>> -> memref<128x32xf32, #tpu.memory_space<hbm>>
      tpu.wait_dma2 semaphore(%run_scoped3A : memref<!tpu.dma_semaphore, #tpu.memory_space<semaphore_mem>>) src(%arg9 : memref<128x32xf32, #tpu.memory_space<vmem>>) dst(%dma_wait3A_60 : memref<128x32xf32, #tpu.memory_space<hbm>>)
      tpu.yield
    }) : () -> ()
    %add3A_49 = arith.constant 512 : i32
    %add3A_50 = arith.addi %mul3A_22, %add3A_49 : i32
    "tpu.region"() ({
      %run_scoped3A = tpu.sem_alloc : memref<!tpu.dma_semaphore, #tpu.memory_space<semaphore_mem>>
      %dma_start3A = arith.constant 0 : i32
      %dma_start3A_51 = tpu.memref_slice %arg10[%add3A_50, %dma_start3A] : memref<10240x32xf32, #tpu.memory_space<vmem_shared>> -> memref<128x32xf32, #tpu.memory_space<vmem_shared>>
      %dma_start3A_52 = arith.constant 0 : i32
      %dma_start3A_53 = tpu.memref_slice %arg10[%add3A_50, %dma_start3A_52] : memref<10240x32xf32, #tpu.memory_space<vmem_shared>> -> memref<128x32xf32, #tpu.memory_space<vmem_shared>>
      tpu.enqueue_dma source(%dma_start3A_53 : memref<128x32xf32, #tpu.memory_space<vmem_shared>>) target(%arg9 : memref<128x32xf32, #tpu.memory_space<vmem>>) target_semaphore(%run_scoped3A : memref<!tpu.dma_semaphore, #tpu.memory_space<semaphore_mem>>)
      %dma_wait3A = arith.constant 0 : i32
      %dma_wait3A_54 = tpu.memref_slice %arg10[%add3A_50, %dma_wait3A] : memref<10240x32xf32, #tpu.memory_space<vmem_shared>> -> memref<128x32xf32, #tpu.memory_space<vmem_shared>>
      %dma_wait3A_55 = arith.constant 0 : i32
      %dma_wait3A_56 = tpu.memref_slice %arg10[%add3A_50, %dma_wait3A_55] : memref<10240x32xf32, #tpu.memory_space<vmem_shared>> -> memref<128x32xf32, #tpu.memory_space<vmem_shared>>
      tpu.wait_dma2 semaphore(%run_scoped3A : memref<!tpu.dma_semaphore, #tpu.memory_space<semaphore_mem>>) src(%dma_wait3A_56 : memref<128x32xf32, #tpu.memory_space<vmem_shared>>) dst(%arg9 : memref<128x32xf32, #tpu.memory_space<vmem>>)
      tpu.yield
    }) : () -> ()
    "tpu.region"() ({
      %run_scoped3A = tpu.sem_alloc : memref<!tpu.dma_semaphore, #tpu.memory_space<semaphore_mem>>
      %dma_start3A = arith.constant 0 : i32
      %dma_start3A_51 = tpu.memref_slice %arg5[%arg0, %add3A_50, %dma_start3A] : memref<2x10240x32xf32, #tpu.memory_space<hbm>> -> memref<1x128x32xf32, #tpu.memory_space<hbm>>
      %dma_start3A_52 = tpu.memref_squeeze %dma_start3A_51 : memref<1x128x32xf32, #tpu.memory_space<hbm>> -> memref<128x32xf32, #tpu.memory_space<hbm>>
      %dma_start3A_53 = arith.constant 0 : i32
      %dma_start3A_54 = tpu.memref_slice %arg5[%arg0, %add3A_50, %dma_start3A_53] : memref<2x10240x32xf32, #tpu.memory_space<hbm>> -> memref<1x128x32xf32, #tpu.memory_space<hbm>>
      %dma_start3A_55 = tpu.memref_squeeze %dma_start3A_54 : memref<1x128x32xf32, #tpu.memory_space<hbm>> -> memref<128x32xf32, #tpu.memory_space<hbm>>
      tpu.enqueue_dma source(%arg9 : memref<128x32xf32, #tpu.memory_space<vmem>>) target(%dma_start3A_55 : memref<128x32xf32, #tpu.memory_space<hbm>>) target_semaphore(%run_scoped3A : memref<!tpu.dma_semaphore, #tpu.memory_space<semaphore_mem>>)
      %dma_wait3A = arith.constant 0 : i32
      %dma_wait3A_56 = tpu.memref_slice %arg5[%arg0, %add3A_50, %dma_wait3A] : memref<2x10240x32xf32, #tpu.memory_space<hbm>> -> memref<1x128x32xf32, #tpu.memory_space<hbm>>
      %dma_wait3A_57 = tpu.memref_squeeze %dma_wait3A_56 : memref<1x128x32xf32, #tpu.memory_space<hbm>> -> memref<128x32xf32, #tpu.memory_space<hbm>>
      %dma_wait3A_58 = arith.constant 0 : i32
      %dma_wait3A_59 = tpu.memref_slice %arg5[%arg0, %add3A_50, %dma_wait3A_58] : memref<2x10240x32xf32, #tpu.memory_space<hbm>> -> memref<1x128x32xf32, #tpu.memory_space<hbm>>
      %dma_wait3A_60 = tpu.memref_squeeze %dma_wait3A_59 : memref<1x128x32xf32, #tpu.memory_space<hbm>> -> memref<128x32xf32, #tpu.memory_space<hbm>>
      tpu.wait_dma2 semaphore(%run_scoped3A : memref<!tpu.dma_semaphore, #tpu.memory_space<semaphore_mem>>) src(%arg9 : memref<128x32xf32, #tpu.memory_space<vmem>>) dst(%dma_wait3A_60 : memref<128x32xf32, #tpu.memory_space<hbm>>)
      tpu.yield
    }) : () -> ()
    return
  }
}

#map = affine_map<(d0, d1) -> (0, 0)>
#map1 = affine_map<(d0, d1) -> (0, 0, 0)>
module attributes {stable_mosaic.version = 14 : i64} {
  func.func @k(%arg0: i32, %arg1: i32, %arg2: memref<2528x128xi32, #tpu.memory_space<hbm>>, %arg3: memref<2x10240x16xf32, #tpu.memory_space<hbm>>, %arg4: memref<79x128xi32, #tpu.memory_space<vmem>>, %arg5: memref<128x16xf32, #tpu.memory_space<vmem>>, %arg6: memref<128x16xf32, #tpu.memory_space<vmem>>, %arg7: memref<10240x16xf32, #tpu.memory_space<vmem_shared>>, %arg8: memref<!tpu.dma_semaphore, #tpu.memory_space<semaphore_mem>>) attributes {dimension_semantics = [#tpu.dimension_semantics<core_parallel>, #tpu.dimension_semantics<subcore_parallel>], iteration_bounds = array<i64: 2, 16>, scalar_prefetch = 0 : i64, scratch_operands = 5 : i64, tpu.core_type = #tpu.core_type<sc_vector_subcore>, window_params = [{transform_indices = #map}, {transform_indices = #map1}]} {
    %mul3A = arith.constant 1264 : i32
    %mul3A_0 = arith.muli %arg0, %mul3A : i32
    %mul3A_1 = arith.constant 79 : i32
    %mul3A_2 = arith.muli %arg1, %mul3A_1 : i32
    %add3A = arith.addi %mul3A_0, %mul3A_2 : i32
    "tpu.region"() ({
      %run_scoped3A = tpu.sem_alloc : memref<!tpu.dma_semaphore, #tpu.memory_space<semaphore_mem>>
      %dma_start3A = arith.constant 0 : i32
      %dma_start3A_39 = tpu.memref_slice %arg2[%add3A, %dma_start3A] : memref<2528x128xi32, #tpu.memory_space<hbm>> -> memref<79x128xi32, #tpu.memory_space<hbm>>
      %dma_start3A_40 = arith.constant 0 : i32
      %dma_start3A_41 = tpu.memref_slice %arg2[%add3A, %dma_start3A_40] : memref<2528x128xi32, #tpu.memory_space<hbm>> -> memref<79x128xi32, #tpu.memory_space<hbm>>
      tpu.enqueue_dma source(%dma_start3A_41 : memref<79x128xi32, #tpu.memory_space<hbm>>) target(%arg4 : memref<79x128xi32, #tpu.memory_space<vmem>>) target_semaphore(%run_scoped3A : memref<!tpu.dma_semaphore, #tpu.memory_space<semaphore_mem>>)
      %dma_wait3A = arith.constant 0 : i32
      %dma_wait3A_42 = tpu.memref_slice %arg2[%add3A, %dma_wait3A] : memref<2528x128xi32, #tpu.memory_space<hbm>> -> memref<79x128xi32, #tpu.memory_space<hbm>>
      %dma_wait3A_43 = arith.constant 0 : i32
      %dma_wait3A_44 = tpu.memref_slice %arg2[%add3A, %dma_wait3A_43] : memref<2528x128xi32, #tpu.memory_space<hbm>> -> memref<79x128xi32, #tpu.memory_space<hbm>>
      tpu.wait_dma2 semaphore(%run_scoped3A : memref<!tpu.dma_semaphore, #tpu.memory_space<semaphore_mem>>) src(%dma_wait3A_44 : memref<79x128xi32, #tpu.memory_space<hbm>>) dst(%arg4 : memref<79x128xi32, #tpu.memory_space<vmem>>)
      tpu.yield
    }) : () -> ()
    %scan3A = arith.constant 0 : i32
    %scan3A_3 = arith.constant 0 : i32
    %scan3A_4 = arith.constant 128 : i32
    %scan3A_5 = arith.addi %scan3A_3, %scan3A_4 : i32
    %scan3A_6 = arith.constant 1 : i32
    %scan3A_7 = scf.for %scan3A_39 = %scan3A_3 to %scan3A_5 step %scan3A_6 iter_args(%scan3A_40 = %scan3A) -> (i32)  : i32 {
      %broadcast_in_dim3A = arith.constant 1.000000e+00 : f32
      %broadcast_in_dim3A_41 = vector.broadcast %broadcast_in_dim3A : f32 to vector<16xf32>
      %swap3A = arith.index_cast %scan3A_39 : i32 to index
      %swap3A_42 = arith.constant 0 : index
      %swap3A_43 = tpu.vector_load %arg5[%swap3A, %swap3A_42] {strides = array<i32>} : memref<128x16xf32, #tpu.memory_space<vmem>>, vector<1x16xf32>,
      %swap3A_44 = vector.shape_cast %swap3A_43 : vector<1x16xf32> to vector<16xf32>
      %swap3A_45 = vector.shape_cast %broadcast_in_dim3A_41 : vector<16xf32> to vector<1x16xf32>
      tpu.vector_store %arg5[%swap3A, %swap3A_42], %swap3A_45 {strides = array<i32>} : memref<128x16xf32, #tpu.memory_space<vmem>>, vector<1x16xf32>,
      %broadcast_in_dim3A_46 = arith.constant 0.000000e+00 : f32
      %broadcast_in_dim3A_47 = vector.broadcast %broadcast_in_dim3A_46 : f32 to vector<16xf32>
      %swap3A_48 = arith.index_cast %scan3A_39 : i32 to index
      %swap3A_49 = arith.constant 0 : index
      %swap3A_50 = tpu.vector_load %arg6[%swap3A_48, %swap3A_49] {strides = array<i32>} : memref<128x16xf32, #tpu.memory_space<vmem>>, vector<1x16xf32>,
      %swap3A_51 = vector.shape_cast %swap3A_50 : vector<1x16xf32> to vector<16xf32>
      %swap3A_52 = vector.shape_cast %broadcast_in_dim3A_47 : vector<16xf32> to vector<1x16xf32>
      tpu.vector_store %arg6[%swap3A_48, %swap3A_49], %swap3A_52 {strides = array<i32>} : memref<128x16xf32, #tpu.memory_space<vmem>>, vector<1x16xf32>,
      %scan3A_53 = arith.constant 0 : i32
      scf.yield %scan3A_53 : i32
    }
    %scan3A_8 = arith.constant 128 : i32
    %mul3A_9 = arith.constant 640 : i32
    %mul3A_10 = arith.muli %arg1, %mul3A_9 : i32
    %add3A_11 = arith.constant 0 : i32
    %add3A_12 = arith.addi %mul3A_10, %add3A_11 : i32
    "tpu.region"() ({
      %run_scoped3A = tpu.sem_alloc : memref<!tpu.dma_semaphore, #tpu.memory_space<semaphore_mem>>
      %dma_start3A = arith.constant 0 : i32
      %dma_start3A_39 = tpu.memref_slice %arg7[%add3A_12, %dma_start3A] : memref<10240x16xf32, #tpu.memory_space<vmem_shared>> -> memref<128x16xf32, #tpu.memory_space<vmem_shared>>
      %dma_start3A_40 = arith.constant 0 : i32
      %dma_start3A_41 = tpu.memref_slice %arg7[%add3A_12, %dma_start3A_40] : memref<10240x16xf32, #tpu.memory_space<vmem_shared>> -> memref<128x16xf32, #tpu.memory_space<vmem_shared>>
      tpu.enqueue_dma source(%arg6 : memref<128x16xf32, #tpu.memory_space<vmem>>) target(%dma_start3A_41 : memref<128x16xf32, #tpu.memory_space<vmem_shared>>) target_semaphore(%run_scoped3A : memref<!tpu.dma_semaphore, #tpu.memory_space<semaphore_mem>>)
      %dma_wait3A = arith.constant 0 : i32
      %dma_wait3A_42 = tpu.memref_slice %arg7[%add3A_12, %dma_wait3A] : memref<10240x16xf32, #tpu.memory_space<vmem_shared>> -> memref<128x16xf32, #tpu.memory_space<vmem_shared>>
      %dma_wait3A_43 = arith.constant 0 : i32
      %dma_wait3A_44 = tpu.memref_slice %arg7[%add3A_12, %dma_wait3A_43] : memref<10240x16xf32, #tpu.memory_space<vmem_shared>> -> memref<128x16xf32, #tpu.memory_space<vmem_shared>>
      tpu.wait_dma2 semaphore(%run_scoped3A : memref<!tpu.dma_semaphore, #tpu.memory_space<semaphore_mem>>) src(%arg6 : memref<128x16xf32, #tpu.memory_space<vmem>>) dst(%dma_wait3A_44 : memref<128x16xf32, #tpu.memory_space<vmem_shared>>)
      tpu.yield
    }) : () -> ()
    %add3A_13 = arith.constant 128 : i32
    %add3A_14 = arith.addi %mul3A_10, %add3A_13 : i32
    "tpu.region"() ({
      %run_scoped3A = tpu.sem_alloc : memref<!tpu.dma_semaphore, #tpu.memory_space<semaphore_mem>>
      %dma_start3A = arith.constant 0 : i32
      %dma_start3A_39 = tpu.memref_slice %arg7[%add3A_14, %dma_start3A] : memref<10240x16xf32, #tpu.memory_space<vmem_shared>> -> memref<128x16xf32, #tpu.memory_space<vmem_shared>>
      %dma_start3A_40 = arith.constant 0 : i32
      %dma_start3A_41 = tpu.memref_slice %arg7[%add3A_14, %dma_start3A_40] : memref<10240x16xf32, #tpu.memory_space<vmem_shared>> -> memref<128x16xf32, #tpu.memory_space<vmem_shared>>
      tpu.enqueue_dma source(%arg6 : memref<128x16xf32, #tpu.memory_space<vmem>>) target(%dma_start3A_41 : memref<128x16xf32, #tpu.memory_space<vmem_shared>>) target_semaphore(%run_scoped3A : memref<!tpu.dma_semaphore, #tpu.memory_space<semaphore_mem>>)
      %dma_wait3A = arith.constant 0 : i32
      %dma_wait3A_42 = tpu.memref_slice %arg7[%add3A_14, %dma_wait3A] : memref<10240x16xf32, #tpu.memory_space<vmem_shared>> -> memref<128x16xf32, #tpu.memory_space<vmem_shared>>
      %dma_wait3A_43 = arith.constant 0 : i32
      %dma_wait3A_44 = tpu.memref_slice %arg7[%add3A_14, %dma_wait3A_43] : memref<10240x16xf32, #tpu.memory_space<vmem_shared>> -> memref<128x16xf32, #tpu.memory_space<vmem_shared>>
      tpu.wait_dma2 semaphore(%run_scoped3A : memref<!tpu.dma_semaphore, #tpu.memory_space<semaphore_mem>>) src(%arg6 : memref<128x16xf32, #tpu.memory_space<vmem>>) dst(%dma_wait3A_44 : memref<128x16xf32, #tpu.memory_space<vmem_shared>>)
      tpu.yield
    }) : () -> ()
    %add3A_15 = arith.constant 256 : i32
    %add3A_16 = arith.addi %mul3A_10, %add3A_15 : i32
    "tpu.region"() ({
      %run_scoped3A = tpu.sem_alloc : memref<!tpu.dma_semaphore, #tpu.memory_space<semaphore_mem>>
      %dma_start3A = arith.constant 0 : i32
      %dma_start3A_39 = tpu.memref_slice %arg7[%add3A_16, %dma_start3A] : memref<10240x16xf32, #tpu.memory_space<vmem_shared>> -> memref<128x16xf32, #tpu.memory_space<vmem_shared>>
      %dma_start3A_40 = arith.constant 0 : i32
      %dma_start3A_41 = tpu.memref_slice %arg7[%add3A_16, %dma_start3A_40] : memref<10240x16xf32, #tpu.memory_space<vmem_shared>> -> memref<128x16xf32, #tpu.memory_space<vmem_shared>>
      tpu.enqueue_dma source(%arg6 : memref<128x16xf32, #tpu.memory_space<vmem>>) target(%dma_start3A_41 : memref<128x16xf32, #tpu.memory_space<vmem_shared>>) target_semaphore(%run_scoped3A : memref<!tpu.dma_semaphore, #tpu.memory_space<semaphore_mem>>)
      %dma_wait3A = arith.constant 0 : i32
      %dma_wait3A_42 = tpu.memref_slice %arg7[%add3A_16, %dma_wait3A] : memref<10240x16xf32, #tpu.memory_space<vmem_shared>> -> memref<128x16xf32, #tpu.memory_space<vmem_shared>>
      %dma_wait3A_43 = arith.constant 0 : i32
      %dma_wait3A_44 = tpu.memref_slice %arg7[%add3A_16, %dma_wait3A_43] : memref<10240x16xf32, #tpu.memory_space<vmem_shared>> -> memref<128x16xf32, #tpu.memory_space<vmem_shared>>
      tpu.wait_dma2 semaphore(%run_scoped3A : memref<!tpu.dma_semaphore, #tpu.memory_space<semaphore_mem>>) src(%arg6 : memref<128x16xf32, #tpu.memory_space<vmem>>) dst(%dma_wait3A_44 : memref<128x16xf32, #tpu.memory_space<vmem_shared>>)
      tpu.yield
    }) : () -> ()
    %add3A_17 = arith.constant 384 : i32
    %add3A_18 = arith.addi %mul3A_10, %add3A_17 : i32
    "tpu.region"() ({
      %run_scoped3A = tpu.sem_alloc : memref<!tpu.dma_semaphore, #tpu.memory_space<semaphore_mem>>
      %dma_start3A = arith.constant 0 : i32
      %dma_start3A_39 = tpu.memref_slice %arg7[%add3A_18, %dma_start3A] : memref<10240x16xf32, #tpu.memory_space<vmem_shared>> -> memref<128x16xf32, #tpu.memory_space<vmem_shared>>
      %dma_start3A_40 = arith.constant 0 : i32
      %dma_start3A_41 = tpu.memref_slice %arg7[%add3A_18, %dma_start3A_40] : memref<10240x16xf32, #tpu.memory_space<vmem_shared>> -> memref<128x16xf32, #tpu.memory_space<vmem_shared>>
      tpu.enqueue_dma source(%arg6 : memref<128x16xf32, #tpu.memory_space<vmem>>) target(%dma_start3A_41 : memref<128x16xf32, #tpu.memory_space<vmem_shared>>) target_semaphore(%run_scoped3A : memref<!tpu.dma_semaphore, #tpu.memory_space<semaphore_mem>>)
      %dma_wait3A = arith.constant 0 : i32
      %dma_wait3A_42 = tpu.memref_slice %arg7[%add3A_18, %dma_wait3A] : memref<10240x16xf32, #tpu.memory_space<vmem_shared>> -> memref<128x16xf32, #tpu.memory_space<vmem_shared>>
      %dma_wait3A_43 = arith.constant 0 : i32
      %dma_wait3A_44 = tpu.memref_slice %arg7[%add3A_18, %dma_wait3A_43] : memref<10240x16xf32, #tpu.memory_space<vmem_shared>> -> memref<128x16xf32, #tpu.memory_space<vmem_shared>>
      tpu.wait_dma2 semaphore(%run_scoped3A : memref<!tpu.dma_semaphore, #tpu.memory_space<semaphore_mem>>) src(%arg6 : memref<128x16xf32, #tpu.memory_space<vmem>>) dst(%dma_wait3A_44 : memref<128x16xf32, #tpu.memory_space<vmem_shared>>)
      tpu.yield
    }) : () -> ()
    %add3A_19 = arith.constant 512 : i32
    %add3A_20 = arith.addi %mul3A_10, %add3A_19 : i32
    "tpu.region"() ({
      %run_scoped3A = tpu.sem_alloc : memref<!tpu.dma_semaphore, #tpu.memory_space<semaphore_mem>>
      %dma_start3A = arith.constant 0 : i32
      %dma_start3A_39 = tpu.memref_slice %arg7[%add3A_20, %dma_start3A] : memref<10240x16xf32, #tpu.memory_space<vmem_shared>> -> memref<128x16xf32, #tpu.memory_space<vmem_shared>>
      %dma_start3A_40 = arith.constant 0 : i32
      %dma_start3A_41 = tpu.memref_slice %arg7[%add3A_20, %dma_start3A_40] : memref<10240x16xf32, #tpu.memory_space<vmem_shared>> -> memref<128x16xf32, #tpu.memory_space<vmem_shared>>
      tpu.enqueue_dma source(%arg6 : memref<128x16xf32, #tpu.memory_space<vmem>>) target(%dma_start3A_41 : memref<128x16xf32, #tpu.memory_space<vmem_shared>>) target_semaphore(%run_scoped3A : memref<!tpu.dma_semaphore, #tpu.memory_space<semaphore_mem>>)
      %dma_wait3A = arith.constant 0 : i32
      %dma_wait3A_42 = tpu.memref_slice %arg7[%add3A_20, %dma_wait3A] : memref<10240x16xf32, #tpu.memory_space<vmem_shared>> -> memref<128x16xf32, #tpu.memory_space<vmem_shared>>
      %dma_wait3A_43 = arith.constant 0 : i32
      %dma_wait3A_44 = tpu.memref_slice %arg7[%add3A_20, %dma_wait3A_43] : memref<10240x16xf32, #tpu.memory_space<vmem_shared>> -> memref<128x16xf32, #tpu.memory_space<vmem_shared>>
      tpu.wait_dma2 semaphore(%run_scoped3A : memref<!tpu.dma_semaphore, #tpu.memory_space<semaphore_mem>>) src(%arg6 : memref<128x16xf32, #tpu.memory_space<vmem>>) dst(%dma_wait3A_44 : memref<128x16xf32, #tpu.memory_space<vmem_shared>>)
      tpu.yield
    }) : () -> ()
    %barrier3A = arith.constant 0 : index
    tpu.barrier barrier_id(%barrier3A)
    %scan3A_21 = arith.constant 0 : i32
    %scan3A_22 = arith.constant 0 : i32
    %scan3A_23 = arith.constant 79 : i32
    %scan3A_24 = arith.addi %scan3A_22, %scan3A_23 : i32
    %scan3A_25 = arith.constant 1 : i32
    %scan3A_26 = scf.for %scan3A_39 = %scan3A_22 to %scan3A_24 step %scan3A_25 iter_args(%scan3A_40 = %scan3A_21) -> (i32)  : i32 {
      "tpu.region"() ({
        %run_scoped3A = tpu.sem_alloc : memref<!tpu.dma_semaphore, #tpu.memory_space<semaphore_mem>>
        %dma_start3A = arith.constant 0 : i32
        %dma_start3A_42 = tpu.memref_slice %arg4[%scan3A_39, %dma_start3A] : memref<79x128xi32, #tpu.memory_space<vmem>> -> memref<1x128xi32, #tpu.memory_space<vmem>>
        %dma_start3A_43 = tpu.memref_squeeze %dma_start3A_42 : memref<1x128xi32, #tpu.memory_space<vmem>> -> memref<128xi32, #tpu.memory_space<vmem>>
        %dma_start3A_44 = arith.constant 0 : i32
        %dma_start3A_45 = arith.constant 0 : i32
        %dma_start3A_46 = tpu.memref_slice %arg7[%dma_start3A_44, %dma_start3A_45] : memref<10240x16xf32, #tpu.memory_space<vmem_shared>> -> memref<10240x16xf32, #tpu.memory_space<vmem_shared>>
        tpu.enqueue_indirect_dma source(%arg5 : memref<128x16xf32, #tpu.memory_space<vmem>>) target(%dma_start3A_46 : memref<10240x16xf32, #tpu.memory_space<vmem_shared>>) offsets(%dma_start3A_43 : memref<128xi32, #tpu.memory_space<vmem>>) semaphore(%run_scoped3A : memref<!tpu.dma_semaphore, #tpu.memory_space<semaphore_mem>>) {add = true}
        %dma_wait3A = arith.constant 0 : i32
        %dma_wait3A_47 = tpu.memref_slice %arg4[%scan3A_39, %dma_wait3A] : memref<79x128xi32, #tpu.memory_space<vmem>> -> memref<1x128xi32, #tpu.memory_space<vmem>>
        %dma_wait3A_48 = tpu.memref_squeeze %dma_wait3A_47 : memref<1x128xi32, #tpu.memory_space<vmem>> -> memref<128xi32, #tpu.memory_space<vmem>>
        %dma_wait3A_49 = arith.constant 0 : i32
        %dma_wait3A_50 = arith.constant 0 : i32
        %dma_wait3A_51 = tpu.memref_slice %arg7[%dma_wait3A_49, %dma_wait3A_50] : memref<10240x16xf32, #tpu.memory_space<vmem_shared>> -> memref<10240x16xf32, #tpu.memory_space<vmem_shared>>
        tpu.wait_indirect_dma semaphore(%run_scoped3A : memref<!tpu.dma_semaphore, #tpu.memory_space<semaphore_mem>>) src(%arg5 : memref<128x16xf32, #tpu.memory_space<vmem>>) dst(%dma_wait3A_51 : memref<10240x16xf32, #tpu.memory_space<vmem_shared>>)
        tpu.yield
      }) : () -> ()
      %scan3A_41 = arith.constant 0 : i32
      scf.yield %scan3A_41 : i32
    }
    %scan3A_27 = arith.constant 79 : i32
    %barrier3A_28 = arith.constant 0 : index
    tpu.barrier barrier_id(%barrier3A_28)
    %add3A_29 = arith.constant 0 : i32
    %add3A_30 = arith.addi %mul3A_10, %add3A_29 : i32
    "tpu.region"() ({
      %run_scoped3A = tpu.sem_alloc : memref<!tpu.dma_semaphore, #tpu.memory_space<semaphore_mem>>
      %dma_start3A = arith.constant 0 : i32
      %dma_start3A_39 = tpu.memref_slice %arg7[%add3A_30, %dma_start3A] : memref<10240x16xf32, #tpu.memory_space<vmem_shared>> -> memref<128x16xf32, #tpu.memory_space<vmem_shared>>
      %dma_start3A_40 = arith.constant 0 : i32
      %dma_start3A_41 = tpu.memref_slice %arg7[%add3A_30, %dma_start3A_40] : memref<10240x16xf32, #tpu.memory_space<vmem_shared>> -> memref<128x16xf32, #tpu.memory_space<vmem_shared>>
      tpu.enqueue_dma source(%dma_start3A_41 : memref<128x16xf32, #tpu.memory_space<vmem_shared>>) target(%arg6 : memref<128x16xf32, #tpu.memory_space<vmem>>) target_semaphore(%run_scoped3A : memref<!tpu.dma_semaphore, #tpu.memory_space<semaphore_mem>>)
      %dma_wait3A = arith.constant 0 : i32
      %dma_wait3A_42 = tpu.memref_slice %arg7[%add3A_30, %dma_wait3A] : memref<10240x16xf32, #tpu.memory_space<vmem_shared>> -> memref<128x16xf32, #tpu.memory_space<vmem_shared>>
      %dma_wait3A_43 = arith.constant 0 : i32
      %dma_wait3A_44 = tpu.memref_slice %arg7[%add3A_30, %dma_wait3A_43] : memref<10240x16xf32, #tpu.memory_space<vmem_shared>> -> memref<128x16xf32, #tpu.memory_space<vmem_shared>>
      tpu.wait_dma2 semaphore(%run_scoped3A : memref<!tpu.dma_semaphore, #tpu.memory_space<semaphore_mem>>) src(%dma_wait3A_44 : memref<128x16xf32, #tpu.memory_space<vmem_shared>>) dst(%arg6 : memref<128x16xf32, #tpu.memory_space<vmem>>)
      tpu.yield
    }) : () -> ()
    "tpu.region"() ({
      %run_scoped3A = tpu.sem_alloc : memref<!tpu.dma_semaphore, #tpu.memory_space<semaphore_mem>>
      %dma_start3A = arith.constant 0 : i32
      %dma_start3A_39 = tpu.memref_slice %arg3[%arg0, %add3A_30, %dma_start3A] : memref<2x10240x16xf32, #tpu.memory_space<hbm>> -> memref<1x128x16xf32, #tpu.memory_space<hbm>>
      %dma_start3A_40 = tpu.memref_squeeze %dma_start3A_39 : memref<1x128x16xf32, #tpu.memory_space<hbm>> -> memref<128x16xf32, #tpu.memory_space<hbm>>
      %dma_start3A_41 = arith.constant 0 : i32
      %dma_start3A_42 = tpu.memref_slice %arg3[%arg0, %add3A_30, %dma_start3A_41] : memref<2x10240x16xf32, #tpu.memory_space<hbm>> -> memref<1x128x16xf32, #tpu.memory_space<hbm>>
      %dma_start3A_43 = tpu.memref_squeeze %dma_start3A_42 : memref<1x128x16xf32, #tpu.memory_space<hbm>> -> memref<128x16xf32, #tpu.memory_space<hbm>>
      tpu.enqueue_dma source(%arg6 : memref<128x16xf32, #tpu.memory_space<vmem>>) target(%dma_start3A_43 : memref<128x16xf32, #tpu.memory_space<hbm>>) target_semaphore(%run_scoped3A : memref<!tpu.dma_semaphore, #tpu.memory_space<semaphore_mem>>)
      %dma_wait3A = arith.constant 0 : i32
      %dma_wait3A_44 = tpu.memref_slice %arg3[%arg0, %add3A_30, %dma_wait3A] : memref<2x10240x16xf32, #tpu.memory_space<hbm>> -> memref<1x128x16xf32, #tpu.memory_space<hbm>>
      %dma_wait3A_45 = tpu.memref_squeeze %dma_wait3A_44 : memref<1x128x16xf32, #tpu.memory_space<hbm>> -> memref<128x16xf32, #tpu.memory_space<hbm>>
      %dma_wait3A_46 = arith.constant 0 : i32
      %dma_wait3A_47 = tpu.memref_slice %arg3[%arg0, %add3A_30, %dma_wait3A_46] : memref<2x10240x16xf32, #tpu.memory_space<hbm>> -> memref<1x128x16xf32, #tpu.memory_space<hbm>>
      %dma_wait3A_48 = tpu.memref_squeeze %dma_wait3A_47 : memref<1x128x16xf32, #tpu.memory_space<hbm>> -> memref<128x16xf32, #tpu.memory_space<hbm>>
      tpu.wait_dma2 semaphore(%run_scoped3A : memref<!tpu.dma_semaphore, #tpu.memory_space<semaphore_mem>>) src(%arg6 : memref<128x16xf32, #tpu.memory_space<vmem>>) dst(%dma_wait3A_48 : memref<128x16xf32, #tpu.memory_space<hbm>>)
      tpu.yield
    }) : () -> ()
    %add3A_31 = arith.constant 128 : i32
    %add3A_32 = arith.addi %mul3A_10, %add3A_31 : i32
    "tpu.region"() ({
      %run_scoped3A = tpu.sem_alloc : memref<!tpu.dma_semaphore, #tpu.memory_space<semaphore_mem>>
      %dma_start3A = arith.constant 0 : i32
      %dma_start3A_39 = tpu.memref_slice %arg7[%add3A_32, %dma_start3A] : memref<10240x16xf32, #tpu.memory_space<vmem_shared>> -> memref<128x16xf32, #tpu.memory_space<vmem_shared>>
      %dma_start3A_40 = arith.constant 0 : i32
      %dma_start3A_41 = tpu.memref_slice %arg7[%add3A_32, %dma_start3A_40] : memref<10240x16xf32, #tpu.memory_space<vmem_shared>> -> memref<128x16xf32, #tpu.memory_space<vmem_shared>>
      tpu.enqueue_dma source(%dma_start3A_41 : memref<128x16xf32, #tpu.memory_space<vmem_shared>>) target(%arg6 : memref<128x16xf32, #tpu.memory_space<vmem>>) target_semaphore(%run_scoped3A : memref<!tpu.dma_semaphore, #tpu.memory_space<semaphore_mem>>)
      %dma_wait3A = arith.constant 0 : i32
      %dma_wait3A_42 = tpu.memref_slice %arg7[%add3A_32, %dma_wait3A] : memref<10240x16xf32, #tpu.memory_space<vmem_shared>> -> memref<128x16xf32, #tpu.memory_space<vmem_shared>>
      %dma_wait3A_43 = arith.constant 0 : i32
      %dma_wait3A_44 = tpu.memref_slice %arg7[%add3A_32, %dma_wait3A_43] : memref<10240x16xf32, #tpu.memory_space<vmem_shared>> -> memref<128x16xf32, #tpu.memory_space<vmem_shared>>
      tpu.wait_dma2 semaphore(%run_scoped3A : memref<!tpu.dma_semaphore, #tpu.memory_space<semaphore_mem>>) src(%dma_wait3A_44 : memref<128x16xf32, #tpu.memory_space<vmem_shared>>) dst(%arg6 : memref<128x16xf32, #tpu.memory_space<vmem>>)
      tpu.yield
    }) : () -> ()
    "tpu.region"() ({
      %run_scoped3A = tpu.sem_alloc : memref<!tpu.dma_semaphore, #tpu.memory_space<semaphore_mem>>
      %dma_start3A = arith.constant 0 : i32
      %dma_start3A_39 = tpu.memref_slice %arg3[%arg0, %add3A_32, %dma_start3A] : memref<2x10240x16xf32, #tpu.memory_space<hbm>> -> memref<1x128x16xf32, #tpu.memory_space<hbm>>
      %dma_start3A_40 = tpu.memref_squeeze %dma_start3A_39 : memref<1x128x16xf32, #tpu.memory_space<hbm>> -> memref<128x16xf32, #tpu.memory_space<hbm>>
      %dma_start3A_41 = arith.constant 0 : i32
      %dma_start3A_42 = tpu.memref_slice %arg3[%arg0, %add3A_32, %dma_start3A_41] : memref<2x10240x16xf32, #tpu.memory_space<hbm>> -> memref<1x128x16xf32, #tpu.memory_space<hbm>>
      %dma_start3A_43 = tpu.memref_squeeze %dma_start3A_42 : memref<1x128x16xf32, #tpu.memory_space<hbm>> -> memref<128x16xf32, #tpu.memory_space<hbm>>
      tpu.enqueue_dma source(%arg6 : memref<128x16xf32, #tpu.memory_space<vmem>>) target(%dma_start3A_43 : memref<128x16xf32, #tpu.memory_space<hbm>>) target_semaphore(%run_scoped3A : memref<!tpu.dma_semaphore, #tpu.memory_space<semaphore_mem>>)
      %dma_wait3A = arith.constant 0 : i32
      %dma_wait3A_44 = tpu.memref_slice %arg3[%arg0, %add3A_32, %dma_wait3A] : memref<2x10240x16xf32, #tpu.memory_space<hbm>> -> memref<1x128x16xf32, #tpu.memory_space<hbm>>
      %dma_wait3A_45 = tpu.memref_squeeze %dma_wait3A_44 : memref<1x128x16xf32, #tpu.memory_space<hbm>> -> memref<128x16xf32, #tpu.memory_space<hbm>>
      %dma_wait3A_46 = arith.constant 0 : i32
      %dma_wait3A_47 = tpu.memref_slice %arg3[%arg0, %add3A_32, %dma_wait3A_46] : memref<2x10240x16xf32, #tpu.memory_space<hbm>> -> memref<1x128x16xf32, #tpu.memory_space<hbm>>
      %dma_wait3A_48 = tpu.memref_squeeze %dma_wait3A_47 : memref<1x128x16xf32, #tpu.memory_space<hbm>> -> memref<128x16xf32, #tpu.memory_space<hbm>>
      tpu.wait_dma2 semaphore(%run_scoped3A : memref<!tpu.dma_semaphore, #tpu.memory_space<semaphore_mem>>) src(%arg6 : memref<128x16xf32, #tpu.memory_space<vmem>>) dst(%dma_wait3A_48 : memref<128x16xf32, #tpu.memory_space<hbm>>)
      tpu.yield
    }) : () -> ()
    %add3A_33 = arith.constant 256 : i32
    %add3A_34 = arith.addi %mul3A_10, %add3A_33 : i32
    "tpu.region"() ({
      %run_scoped3A = tpu.sem_alloc : memref<!tpu.dma_semaphore, #tpu.memory_space<semaphore_mem>>
      %dma_start3A = arith.constant 0 : i32
      %dma_start3A_39 = tpu.memref_slice %arg7[%add3A_34, %dma_start3A] : memref<10240x16xf32, #tpu.memory_space<vmem_shared>> -> memref<128x16xf32, #tpu.memory_space<vmem_shared>>
      %dma_start3A_40 = arith.constant 0 : i32
      %dma_start3A_41 = tpu.memref_slice %arg7[%add3A_34, %dma_start3A_40] : memref<10240x16xf32, #tpu.memory_space<vmem_shared>> -> memref<128x16xf32, #tpu.memory_space<vmem_shared>>
      tpu.enqueue_dma source(%dma_start3A_41 : memref<128x16xf32, #tpu.memory_space<vmem_shared>>) target(%arg6 : memref<128x16xf32, #tpu.memory_space<vmem>>) target_semaphore(%run_scoped3A : memref<!tpu.dma_semaphore, #tpu.memory_space<semaphore_mem>>)
      %dma_wait3A = arith.constant 0 : i32
      %dma_wait3A_42 = tpu.memref_slice %arg7[%add3A_34, %dma_wait3A] : memref<10240x16xf32, #tpu.memory_space<vmem_shared>> -> memref<128x16xf32, #tpu.memory_space<vmem_shared>>
      %dma_wait3A_43 = arith.constant 0 : i32
      %dma_wait3A_44 = tpu.memref_slice %arg7[%add3A_34, %dma_wait3A_43] : memref<10240x16xf32, #tpu.memory_space<vmem_shared>> -> memref<128x16xf32, #tpu.memory_space<vmem_shared>>
      tpu.wait_dma2 semaphore(%run_scoped3A : memref<!tpu.dma_semaphore, #tpu.memory_space<semaphore_mem>>) src(%dma_wait3A_44 : memref<128x16xf32, #tpu.memory_space<vmem_shared>>) dst(%arg6 : memref<128x16xf32, #tpu.memory_space<vmem>>)
      tpu.yield
    }) : () -> ()
    "tpu.region"() ({
      %run_scoped3A = tpu.sem_alloc : memref<!tpu.dma_semaphore, #tpu.memory_space<semaphore_mem>>
      %dma_start3A = arith.constant 0 : i32
      %dma_start3A_39 = tpu.memref_slice %arg3[%arg0, %add3A_34, %dma_start3A] : memref<2x10240x16xf32, #tpu.memory_space<hbm>> -> memref<1x128x16xf32, #tpu.memory_space<hbm>>
      %dma_start3A_40 = tpu.memref_squeeze %dma_start3A_39 : memref<1x128x16xf32, #tpu.memory_space<hbm>> -> memref<128x16xf32, #tpu.memory_space<hbm>>
      %dma_start3A_41 = arith.constant 0 : i32
      %dma_start3A_42 = tpu.memref_slice %arg3[%arg0, %add3A_34, %dma_start3A_41] : memref<2x10240x16xf32, #tpu.memory_space<hbm>> -> memref<1x128x16xf32, #tpu.memory_space<hbm>>
      %dma_start3A_43 = tpu.memref_squeeze %dma_start3A_42 : memref<1x128x16xf32, #tpu.memory_space<hbm>> -> memref<128x16xf32, #tpu.memory_space<hbm>>
      tpu.enqueue_dma source(%arg6 : memref<128x16xf32, #tpu.memory_space<vmem>>) target(%dma_start3A_43 : memref<128x16xf32, #tpu.memory_space<hbm>>) target_semaphore(%run_scoped3A : memref<!tpu.dma_semaphore, #tpu.memory_space<semaphore_mem>>)
      %dma_wait3A = arith.constant 0 : i32
      %dma_wait3A_44 = tpu.memref_slice %arg3[%arg0, %add3A_34, %dma_wait3A] : memref<2x10240x16xf32, #tpu.memory_space<hbm>> -> memref<1x128x16xf32, #tpu.memory_space<hbm>>
      %dma_wait3A_45 = tpu.memref_squeeze %dma_wait3A_44 : memref<1x128x16xf32, #tpu.memory_space<hbm>> -> memref<128x16xf32, #tpu.memory_space<hbm>>
      %dma_wait3A_46 = arith.constant 0 : i32
      %dma_wait3A_47 = tpu.memref_slice %arg3[%arg0, %add3A_34, %dma_wait3A_46] : memref<2x10240x16xf32, #tpu.memory_space<hbm>> -> memref<1x128x16xf32, #tpu.memory_space<hbm>>
      %dma_wait3A_48 = tpu.memref_squeeze %dma_wait3A_47 : memref<1x128x16xf32, #tpu.memory_space<hbm>> -> memref<128x16xf32, #tpu.memory_space<hbm>>
      tpu.wait_dma2 semaphore(%run_scoped3A : memref<!tpu.dma_semaphore, #tpu.memory_space<semaphore_mem>>) src(%arg6 : memref<128x16xf32, #tpu.memory_space<vmem>>) dst(%dma_wait3A_48 : memref<128x16xf32, #tpu.memory_space<hbm>>)
      tpu.yield
    }) : () -> ()
    %add3A_35 = arith.constant 384 : i32
    %add3A_36 = arith.addi %mul3A_10, %add3A_35 : i32
    "tpu.region"() ({
      %run_scoped3A = tpu.sem_alloc : memref<!tpu.dma_semaphore, #tpu.memory_space<semaphore_mem>>
      %dma_start3A = arith.constant 0 : i32
      %dma_start3A_39 = tpu.memref_slice %arg7[%add3A_36, %dma_start3A] : memref<10240x16xf32, #tpu.memory_space<vmem_shared>> -> memref<128x16xf32, #tpu.memory_space<vmem_shared>>
      %dma_start3A_40 = arith.constant 0 : i32
      %dma_start3A_41 = tpu.memref_slice %arg7[%add3A_36, %dma_start3A_40] : memref<10240x16xf32, #tpu.memory_space<vmem_shared>> -> memref<128x16xf32, #tpu.memory_space<vmem_shared>>
      tpu.enqueue_dma source(%dma_start3A_41 : memref<128x16xf32, #tpu.memory_space<vmem_shared>>) target(%arg6 : memref<128x16xf32, #tpu.memory_space<vmem>>) target_semaphore(%run_scoped3A : memref<!tpu.dma_semaphore, #tpu.memory_space<semaphore_mem>>)
      %dma_wait3A = arith.constant 0 : i32
      %dma_wait3A_42 = tpu.memref_slice %arg7[%add3A_36, %dma_wait3A] : memref<10240x16xf32, #tpu.memory_space<vmem_shared>> -> memref<128x16xf32, #tpu.memory_space<vmem_shared>>
      %dma_wait3A_43 = arith.constant 0 : i32
      %dma_wait3A_44 = tpu.memref_slice %arg7[%add3A_36, %dma_wait3A_43] : memref<10240x16xf32, #tpu.memory_space<vmem_shared>> -> memref<128x16xf32, #tpu.memory_space<vmem_shared>>
      tpu.wait_dma2 semaphore(%run_scoped3A : memref<!tpu.dma_semaphore, #tpu.memory_space<semaphore_mem>>) src(%dma_wait3A_44 : memref<128x16xf32, #tpu.memory_space<vmem_shared>>) dst(%arg6 : memref<128x16xf32, #tpu.memory_space<vmem>>)
      tpu.yield
    }) : () -> ()
    "tpu.region"() ({
      %run_scoped3A = tpu.sem_alloc : memref<!tpu.dma_semaphore, #tpu.memory_space<semaphore_mem>>
      %dma_start3A = arith.constant 0 : i32
      %dma_start3A_39 = tpu.memref_slice %arg3[%arg0, %add3A_36, %dma_start3A] : memref<2x10240x16xf32, #tpu.memory_space<hbm>> -> memref<1x128x16xf32, #tpu.memory_space<hbm>>
      %dma_start3A_40 = tpu.memref_squeeze %dma_start3A_39 : memref<1x128x16xf32, #tpu.memory_space<hbm>> -> memref<128x16xf32, #tpu.memory_space<hbm>>
      %dma_start3A_41 = arith.constant 0 : i32
      %dma_start3A_42 = tpu.memref_slice %arg3[%arg0, %add3A_36, %dma_start3A_41] : memref<2x10240x16xf32, #tpu.memory_space<hbm>> -> memref<1x128x16xf32, #tpu.memory_space<hbm>>
      %dma_start3A_43 = tpu.memref_squeeze %dma_start3A_42 : memref<1x128x16xf32, #tpu.memory_space<hbm>> -> memref<128x16xf32, #tpu.memory_space<hbm>>
      tpu.enqueue_dma source(%arg6 : memref<128x16xf32, #tpu.memory_space<vmem>>) target(%dma_start3A_43 : memref<128x16xf32, #tpu.memory_space<hbm>>) target_semaphore(%run_scoped3A : memref<!tpu.dma_semaphore, #tpu.memory_space<semaphore_mem>>)
      %dma_wait3A = arith.constant 0 : i32
      %dma_wait3A_44 = tpu.memref_slice %arg3[%arg0, %add3A_36, %dma_wait3A] : memref<2x10240x16xf32, #tpu.memory_space<hbm>> -> memref<1x128x16xf32, #tpu.memory_space<hbm>>
      %dma_wait3A_45 = tpu.memref_squeeze %dma_wait3A_44 : memref<1x128x16xf32, #tpu.memory_space<hbm>> -> memref<128x16xf32, #tpu.memory_space<hbm>>
      %dma_wait3A_46 = arith.constant 0 : i32
      %dma_wait3A_47 = tpu.memref_slice %arg3[%arg0, %add3A_36, %dma_wait3A_46] : memref<2x10240x16xf32, #tpu.memory_space<hbm>> -> memref<1x128x16xf32, #tpu.memory_space<hbm>>
      %dma_wait3A_48 = tpu.memref_squeeze %dma_wait3A_47 : memref<1x128x16xf32, #tpu.memory_space<hbm>> -> memref<128x16xf32, #tpu.memory_space<hbm>>
      tpu.wait_dma2 semaphore(%run_scoped3A : memref<!tpu.dma_semaphore, #tpu.memory_space<semaphore_mem>>) src(%arg6 : memref<128x16xf32, #tpu.memory_space<vmem>>) dst(%dma_wait3A_48 : memref<128x16xf32, #tpu.memory_space<hbm>>)
      tpu.yield
    }) : () -> ()
    %add3A_37 = arith.constant 512 : i32
    %add3A_38 = arith.addi %mul3A_10, %add3A_37 : i32
    "tpu.region"() ({
      %run_scoped3A = tpu.sem_alloc : memref<!tpu.dma_semaphore, #tpu.memory_space<semaphore_mem>>
      %dma_start3A = arith.constant 0 : i32
      %dma_start3A_39 = tpu.memref_slice %arg7[%add3A_38, %dma_start3A] : memref<10240x16xf32, #tpu.memory_space<vmem_shared>> -> memref<128x16xf32, #tpu.memory_space<vmem_shared>>
      %dma_start3A_40 = arith.constant 0 : i32
      %dma_start3A_41 = tpu.memref_slice %arg7[%add3A_38, %dma_start3A_40] : memref<10240x16xf32, #tpu.memory_space<vmem_shared>> -> memref<128x16xf32, #tpu.memory_space<vmem_shared>>
      tpu.enqueue_dma source(%dma_start3A_41 : memref<128x16xf32, #tpu.memory_space<vmem_shared>>) target(%arg6 : memref<128x16xf32, #tpu.memory_space<vmem>>) target_semaphore(%run_scoped3A : memref<!tpu.dma_semaphore, #tpu.memory_space<semaphore_mem>>)
      %dma_wait3A = arith.constant 0 : i32
      %dma_wait3A_42 = tpu.memref_slice %arg7[%add3A_38, %dma_wait3A] : memref<10240x16xf32, #tpu.memory_space<vmem_shared>> -> memref<128x16xf32, #tpu.memory_space<vmem_shared>>
      %dma_wait3A_43 = arith.constant 0 : i32
      %dma_wait3A_44 = tpu.memref_slice %arg7[%add3A_38, %dma_wait3A_43] : memref<10240x16xf32, #tpu.memory_space<vmem_shared>> -> memref<128x16xf32, #tpu.memory_space<vmem_shared>>
      tpu.wait_dma2 semaphore(%run_scoped3A : memref<!tpu.dma_semaphore, #tpu.memory_space<semaphore_mem>>) src(%dma_wait3A_44 : memref<128x16xf32, #tpu.memory_space<vmem_shared>>) dst(%arg6 : memref<128x16xf32, #tpu.memory_space<vmem>>)
      tpu.yield
    }) : () -> ()
    "tpu.region"() ({
      %run_scoped3A = tpu.sem_alloc : memref<!tpu.dma_semaphore, #tpu.memory_space<semaphore_mem>>
      %dma_start3A = arith.constant 0 : i32
      %dma_start3A_39 = tpu.memref_slice %arg3[%arg0, %add3A_38, %dma_start3A] : memref<2x10240x16xf32, #tpu.memory_space<hbm>> -> memref<1x128x16xf32, #tpu.memory_space<hbm>>
      %dma_start3A_40 = tpu.memref_squeeze %dma_start3A_39 : memref<1x128x16xf32, #tpu.memory_space<hbm>> -> memref<128x16xf32, #tpu.memory_space<hbm>>
      %dma_start3A_41 = arith.constant 0 : i32
      %dma_start3A_42 = tpu.memref_slice %arg3[%arg0, %add3A_38, %dma_start3A_41] : memref<2x10240x16xf32, #tpu.memory_space<hbm>> -> memref<1x128x16xf32, #tpu.memory_space<hbm>>
      %dma_start3A_43 = tpu.memref_squeeze %dma_start3A_42 : memref<1x128x16xf32, #tpu.memory_space<hbm>> -> memref<128x16xf32, #tpu.memory_space<hbm>>
      tpu.enqueue_dma source(%arg6 : memref<128x16xf32, #tpu.memory_space<vmem>>) target(%dma_start3A_43 : memref<128x16xf32, #tpu.memory_space<hbm>>) target_semaphore(%run_scoped3A : memref<!tpu.dma_semaphore, #tpu.memory_space<semaphore_mem>>)
      %dma_wait3A = arith.constant 0 : i32
      %dma_wait3A_44 = tpu.memref_slice %arg3[%arg0, %add3A_38, %dma_wait3A] : memref<2x10240x16xf32, #tpu.memory_space<hbm>> -> memref<1x128x16xf32, #tpu.memory_space<hbm>>
      %dma_wait3A_45 = tpu.memref_squeeze %dma_wait3A_44 : memref<1x128x16xf32, #tpu.memory_space<hbm>> -> memref<128x16xf32, #tpu.memory_space<hbm>>
      %dma_wait3A_46 = arith.constant 0 : i32
      %dma_wait3A_47 = tpu.memref_slice %arg3[%arg0, %add3A_38, %dma_wait3A_46] : memref<2x10240x16xf32, #tpu.memory_space<hbm>> -> memref<1x128x16xf32, #tpu.memory_space<hbm>>
      %dma_wait3A_48 = tpu.memref_squeeze %dma_wait3A_47 : memref<1x128x16xf32, #tpu.memory_space<hbm>> -> memref<128x16xf32, #tpu.memory_space<hbm>>
      tpu.wait_dma2 semaphore(%run_scoped3A : memref<!tpu.dma_semaphore, #tpu.memory_space<semaphore_mem>>) src(%arg6 : memref<128x16xf32, #tpu.memory_space<vmem>>) dst(%dma_wait3A_48 : memref<128x16xf32, #tpu.memory_space<hbm>>)
      tpu.yield
    }) : () -> ()
    return
  }
}

#map = affine_map<(d0, d1) -> (0, 0)>
#map1 = affine_map<(d0, d1) -> (0, 0, 0)>
module attributes {stable_mosaic.version = 14 : i64} {
  func.func @k(%arg0: i32, %arg1: i32, %arg2: memref<10240x64xf32, #tpu.memory_space<hbm>>, %arg3: memref<2528x128xi32, #tpu.memory_space<hbm>>, %arg4: memref<2528x128xi32, #tpu.memory_space<hbm>>, %arg5: memref<2x10240x64xf32, #tpu.memory_space<hbm>>, %arg6: memref<79x128xi32, #tpu.memory_space<vmem>>, %arg7: memref<79x128xi32, #tpu.memory_space<vmem>>, %arg8: memref<128x64xf32, #tpu.memory_space<vmem>>, %arg9: memref<128x64xf32, #tpu.memory_space<vmem>>, %arg10: memref<10240x64xf32, #tpu.memory_space<vmem_shared>>, %arg11: memref<10240x64xf32, #tpu.memory_space<vmem_shared>>, %arg12: memref<!tpu.dma_semaphore, #tpu.memory_space<semaphore_mem>>) attributes {dimension_semantics = [#tpu.dimension_semantics<core_parallel>, #tpu.dimension_semantics<subcore_parallel>], iteration_bounds = array<i64: 2, 16>, scalar_prefetch = 0 : i64, scratch_operands = 7 : i64, tpu.core_type = #tpu.core_type<sc_vector_subcore>, window_params = [{transform_indices = #map}, {transform_indices = #map}, {transform_indices = #map}, {transform_indices = #map1}]} {
    %mul3A = arith.constant 1264 : i32
    %mul3A_0 = arith.muli %arg0, %mul3A : i32
    %mul3A_1 = arith.constant 79 : i32
    %mul3A_2 = arith.muli %arg1, %mul3A_1 : i32
    %add3A = arith.addi %mul3A_0, %mul3A_2 : i32
    "tpu.region"() ({
      %run_scoped3A = tpu.sem_alloc : memref<!tpu.dma_semaphore, #tpu.memory_space<semaphore_mem>>
      %dma_start3A = arith.constant 0 : i32
      %dma_start3A_51 = tpu.memref_slice %arg3[%add3A, %dma_start3A] : memref<2528x128xi32, #tpu.memory_space<hbm>> -> memref<79x128xi32, #tpu.memory_space<hbm>>
      %dma_start3A_52 = arith.constant 0 : i32
      %dma_start3A_53 = tpu.memref_slice %arg3[%add3A, %dma_start3A_52] : memref<2528x128xi32, #tpu.memory_space<hbm>> -> memref<79x128xi32, #tpu.memory_space<hbm>>
      tpu.enqueue_dma source(%dma_start3A_53 : memref<79x128xi32, #tpu.memory_space<hbm>>) target(%arg6 : memref<79x128xi32, #tpu.memory_space<vmem>>) target_semaphore(%run_scoped3A : memref<!tpu.dma_semaphore, #tpu.memory_space<semaphore_mem>>)
      %dma_wait3A = arith.constant 0 : i32
      %dma_wait3A_54 = tpu.memref_slice %arg3[%add3A, %dma_wait3A] : memref<2528x128xi32, #tpu.memory_space<hbm>> -> memref<79x128xi32, #tpu.memory_space<hbm>>
      %dma_wait3A_55 = arith.constant 0 : i32
      %dma_wait3A_56 = tpu.memref_slice %arg3[%add3A, %dma_wait3A_55] : memref<2528x128xi32, #tpu.memory_space<hbm>> -> memref<79x128xi32, #tpu.memory_space<hbm>>
      tpu.wait_dma2 semaphore(%run_scoped3A : memref<!tpu.dma_semaphore, #tpu.memory_space<semaphore_mem>>) src(%dma_wait3A_56 : memref<79x128xi32, #tpu.memory_space<hbm>>) dst(%arg6 : memref<79x128xi32, #tpu.memory_space<vmem>>)
      tpu.yield
    }) : () -> ()
    "tpu.region"() ({
      %run_scoped3A = tpu.sem_alloc : memref<!tpu.dma_semaphore, #tpu.memory_space<semaphore_mem>>
      %dma_start3A = arith.constant 0 : i32
      %dma_start3A_51 = tpu.memref_slice %arg4[%add3A, %dma_start3A] : memref<2528x128xi32, #tpu.memory_space<hbm>> -> memref<79x128xi32, #tpu.memory_space<hbm>>
      %dma_start3A_52 = arith.constant 0 : i32
      %dma_start3A_53 = tpu.memref_slice %arg4[%add3A, %dma_start3A_52] : memref<2528x128xi32, #tpu.memory_space<hbm>> -> memref<79x128xi32, #tpu.memory_space<hbm>>
      tpu.enqueue_dma source(%dma_start3A_53 : memref<79x128xi32, #tpu.memory_space<hbm>>) target(%arg7 : memref<79x128xi32, #tpu.memory_space<vmem>>) target_semaphore(%run_scoped3A : memref<!tpu.dma_semaphore, #tpu.memory_space<semaphore_mem>>)
      %dma_wait3A = arith.constant 0 : i32
      %dma_wait3A_54 = tpu.memref_slice %arg4[%add3A, %dma_wait3A] : memref<2528x128xi32, #tpu.memory_space<hbm>> -> memref<79x128xi32, #tpu.memory_space<hbm>>
      %dma_wait3A_55 = arith.constant 0 : i32
      %dma_wait3A_56 = tpu.memref_slice %arg4[%add3A, %dma_wait3A_55] : memref<2528x128xi32, #tpu.memory_space<hbm>> -> memref<79x128xi32, #tpu.memory_space<hbm>>
      tpu.wait_dma2 semaphore(%run_scoped3A : memref<!tpu.dma_semaphore, #tpu.memory_space<semaphore_mem>>) src(%dma_wait3A_56 : memref<79x128xi32, #tpu.memory_space<hbm>>) dst(%arg7 : memref<79x128xi32, #tpu.memory_space<vmem>>)
      tpu.yield
    }) : () -> ()
    %mul3A_3 = arith.constant 640 : i32
    %mul3A_4 = arith.muli %arg1, %mul3A_3 : i32
    %add3A_5 = arith.constant 0 : i32
    %add3A_6 = arith.addi %mul3A_4, %add3A_5 : i32
    "tpu.region"() ({
      %run_scoped3A = tpu.sem_alloc : memref<!tpu.dma_semaphore, #tpu.memory_space<semaphore_mem>>
      %dma_start3A = arith.constant 0 : i32
      %dma_start3A_51 = tpu.memref_slice %arg11[%add3A_6, %dma_start3A] : memref<10240x64xf32, #tpu.memory_space<vmem_shared>> -> memref<128x64xf32, #tpu.memory_space<vmem_shared>>
      %dma_start3A_52 = arith.constant 0 : i32
      %dma_start3A_53 = tpu.memref_slice %arg2[%add3A_6, %dma_start3A_52] : memref<10240x64xf32, #tpu.memory_space<hbm>> -> memref<128x64xf32, #tpu.memory_space<hbm>>
      tpu.enqueue_dma source(%dma_start3A_53 : memref<128x64xf32, #tpu.memory_space<hbm>>) target(%dma_start3A_51 : memref<128x64xf32, #tpu.memory_space<vmem_shared>>) target_semaphore(%run_scoped3A : memref<!tpu.dma_semaphore, #tpu.memory_space<semaphore_mem>>)
      %dma_wait3A = arith.constant 0 : i32
      %dma_wait3A_54 = tpu.memref_slice %arg11[%add3A_6, %dma_wait3A] : memref<10240x64xf32, #tpu.memory_space<vmem_shared>> -> memref<128x64xf32, #tpu.memory_space<vmem_shared>>
      %dma_wait3A_55 = arith.constant 0 : i32
      %dma_wait3A_56 = tpu.memref_slice %arg2[%add3A_6, %dma_wait3A_55] : memref<10240x64xf32, #tpu.memory_space<hbm>> -> memref<128x64xf32, #tpu.memory_space<hbm>>
      tpu.wait_dma2 semaphore(%run_scoped3A : memref<!tpu.dma_semaphore, #tpu.memory_space<semaphore_mem>>) src(%dma_wait3A_56 : memref<128x64xf32, #tpu.memory_space<hbm>>) dst(%dma_wait3A_54 : memref<128x64xf32, #tpu.memory_space<vmem_shared>>)
      tpu.yield
    }) : () -> ()
    %add3A_7 = arith.constant 128 : i32
    %add3A_8 = arith.addi %mul3A_4, %add3A_7 : i32
    "tpu.region"() ({
      %run_scoped3A = tpu.sem_alloc : memref<!tpu.dma_semaphore, #tpu.memory_space<semaphore_mem>>
      %dma_start3A = arith.constant 0 : i32
      %dma_start3A_51 = tpu.memref_slice %arg11[%add3A_8, %dma_start3A] : memref<10240x64xf32, #tpu.memory_space<vmem_shared>> -> memref<128x64xf32, #tpu.memory_space<vmem_shared>>
      %dma_start3A_52 = arith.constant 0 : i32
      %dma_start3A_53 = tpu.memref_slice %arg2[%add3A_8, %dma_start3A_52] : memref<10240x64xf32, #tpu.memory_space<hbm>> -> memref<128x64xf32, #tpu.memory_space<hbm>>
      tpu.enqueue_dma source(%dma_start3A_53 : memref<128x64xf32, #tpu.memory_space<hbm>>) target(%dma_start3A_51 : memref<128x64xf32, #tpu.memory_space<vmem_shared>>) target_semaphore(%run_scoped3A : memref<!tpu.dma_semaphore, #tpu.memory_space<semaphore_mem>>)
      %dma_wait3A = arith.constant 0 : i32
      %dma_wait3A_54 = tpu.memref_slice %arg11[%add3A_8, %dma_wait3A] : memref<10240x64xf32, #tpu.memory_space<vmem_shared>> -> memref<128x64xf32, #tpu.memory_space<vmem_shared>>
      %dma_wait3A_55 = arith.constant 0 : i32
      %dma_wait3A_56 = tpu.memref_slice %arg2[%add3A_8, %dma_wait3A_55] : memref<10240x64xf32, #tpu.memory_space<hbm>> -> memref<128x64xf32, #tpu.memory_space<hbm>>
      tpu.wait_dma2 semaphore(%run_scoped3A : memref<!tpu.dma_semaphore, #tpu.memory_space<semaphore_mem>>) src(%dma_wait3A_56 : memref<128x64xf32, #tpu.memory_space<hbm>>) dst(%dma_wait3A_54 : memref<128x64xf32, #tpu.memory_space<vmem_shared>>)
      tpu.yield
    }) : () -> ()
    %add3A_9 = arith.constant 256 : i32
    %add3A_10 = arith.addi %mul3A_4, %add3A_9 : i32
    "tpu.region"() ({
      %run_scoped3A = tpu.sem_alloc : memref<!tpu.dma_semaphore, #tpu.memory_space<semaphore_mem>>
      %dma_start3A = arith.constant 0 : i32
      %dma_start3A_51 = tpu.memref_slice %arg11[%add3A_10, %dma_start3A] : memref<10240x64xf32, #tpu.memory_space<vmem_shared>> -> memref<128x64xf32, #tpu.memory_space<vmem_shared>>
      %dma_start3A_52 = arith.constant 0 : i32
      %dma_start3A_53 = tpu.memref_slice %arg2[%add3A_10, %dma_start3A_52] : memref<10240x64xf32, #tpu.memory_space<hbm>> -> memref<128x64xf32, #tpu.memory_space<hbm>>
      tpu.enqueue_dma source(%dma_start3A_53 : memref<128x64xf32, #tpu.memory_space<hbm>>) target(%dma_start3A_51 : memref<128x64xf32, #tpu.memory_space<vmem_shared>>) target_semaphore(%run_scoped3A : memref<!tpu.dma_semaphore, #tpu.memory_space<semaphore_mem>>)
      %dma_wait3A = arith.constant 0 : i32
      %dma_wait3A_54 = tpu.memref_slice %arg11[%add3A_10, %dma_wait3A] : memref<10240x64xf32, #tpu.memory_space<vmem_shared>> -> memref<128x64xf32, #tpu.memory_space<vmem_shared>>
      %dma_wait3A_55 = arith.constant 0 : i32
      %dma_wait3A_56 = tpu.memref_slice %arg2[%add3A_10, %dma_wait3A_55] : memref<10240x64xf32, #tpu.memory_space<hbm>> -> memref<128x64xf32, #tpu.memory_space<hbm>>
      tpu.wait_dma2 semaphore(%run_scoped3A : memref<!tpu.dma_semaphore, #tpu.memory_space<semaphore_mem>>) src(%dma_wait3A_56 : memref<128x64xf32, #tpu.memory_space<hbm>>) dst(%dma_wait3A_54 : memref<128x64xf32, #tpu.memory_space<vmem_shared>>)
      tpu.yield
    }) : () -> ()
    %add3A_11 = arith.constant 384 : i32
    %add3A_12 = arith.addi %mul3A_4, %add3A_11 : i32
    "tpu.region"() ({
      %run_scoped3A = tpu.sem_alloc : memref<!tpu.dma_semaphore, #tpu.memory_space<semaphore_mem>>
      %dma_start3A = arith.constant 0 : i32
      %dma_start3A_51 = tpu.memref_slice %arg11[%add3A_12, %dma_start3A] : memref<10240x64xf32, #tpu.memory_space<vmem_shared>> -> memref<128x64xf32, #tpu.memory_space<vmem_shared>>
      %dma_start3A_52 = arith.constant 0 : i32
      %dma_start3A_53 = tpu.memref_slice %arg2[%add3A_12, %dma_start3A_52] : memref<10240x64xf32, #tpu.memory_space<hbm>> -> memref<128x64xf32, #tpu.memory_space<hbm>>
      tpu.enqueue_dma source(%dma_start3A_53 : memref<128x64xf32, #tpu.memory_space<hbm>>) target(%dma_start3A_51 : memref<128x64xf32, #tpu.memory_space<vmem_shared>>) target_semaphore(%run_scoped3A : memref<!tpu.dma_semaphore, #tpu.memory_space<semaphore_mem>>)
      %dma_wait3A = arith.constant 0 : i32
      %dma_wait3A_54 = tpu.memref_slice %arg11[%add3A_12, %dma_wait3A] : memref<10240x64xf32, #tpu.memory_space<vmem_shared>> -> memref<128x64xf32, #tpu.memory_space<vmem_shared>>
      %dma_wait3A_55 = arith.constant 0 : i32
      %dma_wait3A_56 = tpu.memref_slice %arg2[%add3A_12, %dma_wait3A_55] : memref<10240x64xf32, #tpu.memory_space<hbm>> -> memref<128x64xf32, #tpu.memory_space<hbm>>
      tpu.wait_dma2 semaphore(%run_scoped3A : memref<!tpu.dma_semaphore, #tpu.memory_space<semaphore_mem>>) src(%dma_wait3A_56 : memref<128x64xf32, #tpu.memory_space<hbm>>) dst(%dma_wait3A_54 : memref<128x64xf32, #tpu.memory_space<vmem_shared>>)
      tpu.yield
    }) : () -> ()
    %add3A_13 = arith.constant 512 : i32
    %add3A_14 = arith.addi %mul3A_4, %add3A_13 : i32
    "tpu.region"() ({
      %run_scoped3A = tpu.sem_alloc : memref<!tpu.dma_semaphore, #tpu.memory_space<semaphore_mem>>
      %dma_start3A = arith.constant 0 : i32
      %dma_start3A_51 = tpu.memref_slice %arg11[%add3A_14, %dma_start3A] : memref<10240x64xf32, #tpu.memory_space<vmem_shared>> -> memref<128x64xf32, #tpu.memory_space<vmem_shared>>
      %dma_start3A_52 = arith.constant 0 : i32
      %dma_start3A_53 = tpu.memref_slice %arg2[%add3A_14, %dma_start3A_52] : memref<10240x64xf32, #tpu.memory_space<hbm>> -> memref<128x64xf32, #tpu.memory_space<hbm>>
      tpu.enqueue_dma source(%dma_start3A_53 : memref<128x64xf32, #tpu.memory_space<hbm>>) target(%dma_start3A_51 : memref<128x64xf32, #tpu.memory_space<vmem_shared>>) target_semaphore(%run_scoped3A : memref<!tpu.dma_semaphore, #tpu.memory_space<semaphore_mem>>)
      %dma_wait3A = arith.constant 0 : i32
      %dma_wait3A_54 = tpu.memref_slice %arg11[%add3A_14, %dma_wait3A] : memref<10240x64xf32, #tpu.memory_space<vmem_shared>> -> memref<128x64xf32, #tpu.memory_space<vmem_shared>>
      %dma_wait3A_55 = arith.constant 0 : i32
      %dma_wait3A_56 = tpu.memref_slice %arg2[%add3A_14, %dma_wait3A_55] : memref<10240x64xf32, #tpu.memory_space<hbm>> -> memref<128x64xf32, #tpu.memory_space<hbm>>
      tpu.wait_dma2 semaphore(%run_scoped3A : memref<!tpu.dma_semaphore, #tpu.memory_space<semaphore_mem>>) src(%dma_wait3A_56 : memref<128x64xf32, #tpu.memory_space<hbm>>) dst(%dma_wait3A_54 : memref<128x64xf32, #tpu.memory_space<vmem_shared>>)
      tpu.yield
    }) : () -> ()
    %scan3A = arith.constant 0 : i32
    %scan3A_15 = arith.constant 0 : i32
    %scan3A_16 = arith.constant 128 : i32
    %scan3A_17 = arith.addi %scan3A_15, %scan3A_16 : i32
    %scan3A_18 = arith.constant 1 : i32
    %scan3A_19 = scf.for %scan3A_51 = %scan3A_15 to %scan3A_17 step %scan3A_18 iter_args(%scan3A_52 = %scan3A) -> (i32)  : i32 {
      %broadcast_in_dim3A = arith.constant 0.000000e+00 : f32
      %broadcast_in_dim3A_53 = vector.broadcast %broadcast_in_dim3A : f32 to vector<16xf32>
      %swap3A = arith.index_cast %scan3A_51 : i32 to index
      %swap3A_54 = arith.constant 0 : index
      %swap3A_55 = tpu.vector_load %arg9[%swap3A, %swap3A_54] {strides = array<i32>} : memref<128x64xf32, #tpu.memory_space<vmem>>, vector<1x16xf32>,
      %swap3A_56 = vector.shape_cast %swap3A_55 : vector<1x16xf32> to vector<16xf32>
      %swap3A_57 = vector.shape_cast %broadcast_in_dim3A_53 : vector<16xf32> to vector<1x16xf32>
      tpu.vector_store %arg9[%swap3A, %swap3A_54], %swap3A_57 {strides = array<i32>} : memref<128x64xf32, #tpu.memory_space<vmem>>, vector<1x16xf32>,
      %broadcast_in_dim3A_58 = arith.constant 0.000000e+00 : f32
      %broadcast_in_dim3A_59 = vector.broadcast %broadcast_in_dim3A_58 : f32 to vector<16xf32>
      %swap3A_60 = arith.index_cast %scan3A_51 : i32 to index
      %swap3A_61 = arith.constant 16 : index
      %swap3A_62 = tpu.vector_load %arg9[%swap3A_60, %swap3A_61] {strides = array<i32>} : memref<128x64xf32, #tpu.memory_space<vmem>>, vector<1x16xf32>,
      %swap3A_63 = vector.shape_cast %swap3A_62 : vector<1x16xf32> to vector<16xf32>
      %swap3A_64 = vector.shape_cast %broadcast_in_dim3A_59 : vector<16xf32> to vector<1x16xf32>
      tpu.vector_store %arg9[%swap3A_60, %swap3A_61], %swap3A_64 {strides = array<i32>} : memref<128x64xf32, #tpu.memory_space<vmem>>, vector<1x16xf32>,
      %broadcast_in_dim3A_65 = arith.constant 0.000000e+00 : f32
      %broadcast_in_dim3A_66 = vector.broadcast %broadcast_in_dim3A_65 : f32 to vector<16xf32>
      %swap3A_67 = arith.index_cast %scan3A_51 : i32 to index
      %swap3A_68 = arith.constant 32 : index
      %swap3A_69 = tpu.vector_load %arg9[%swap3A_67, %swap3A_68] {strides = array<i32>} : memref<128x64xf32, #tpu.memory_space<vmem>>, vector<1x16xf32>,
      %swap3A_70 = vector.shape_cast %swap3A_69 : vector<1x16xf32> to vector<16xf32>
      %swap3A_71 = vector.shape_cast %broadcast_in_dim3A_66 : vector<16xf32> to vector<1x16xf32>
      tpu.vector_store %arg9[%swap3A_67, %swap3A_68], %swap3A_71 {strides = array<i32>} : memref<128x64xf32, #tpu.memory_space<vmem>>, vector<1x16xf32>,
      %broadcast_in_dim3A_72 = arith.constant 0.000000e+00 : f32
      %broadcast_in_dim3A_73 = vector.broadcast %broadcast_in_dim3A_72 : f32 to vector<16xf32>
      %swap3A_74 = arith.index_cast %scan3A_51 : i32 to index
      %swap3A_75 = arith.constant 48 : index
      %swap3A_76 = tpu.vector_load %arg9[%swap3A_74, %swap3A_75] {strides = array<i32>} : memref<128x64xf32, #tpu.memory_space<vmem>>, vector<1x16xf32>,
      %swap3A_77 = vector.shape_cast %swap3A_76 : vector<1x16xf32> to vector<16xf32>
      %swap3A_78 = vector.shape_cast %broadcast_in_dim3A_73 : vector<16xf32> to vector<1x16xf32>
      tpu.vector_store %arg9[%swap3A_74, %swap3A_75], %swap3A_78 {strides = array<i32>} : memref<128x64xf32, #tpu.memory_space<vmem>>, vector<1x16xf32>,
      %scan3A_79 = arith.constant 0 : i32
      scf.yield %scan3A_79 : i32
    }
    %scan3A_20 = arith.constant 128 : i32
    %mul3A_21 = arith.constant 640 : i32
    %mul3A_22 = arith.muli %arg1, %mul3A_21 : i32
    %add3A_23 = arith.constant 0 : i32
    %add3A_24 = arith.addi %mul3A_22, %add3A_23 : i32
    "tpu.region"() ({
      %run_scoped3A = tpu.sem_alloc : memref<!tpu.dma_semaphore, #tpu.memory_space<semaphore_mem>>
      %dma_start3A = arith.constant 0 : i32
      %dma_start3A_51 = tpu.memref_slice %arg10[%add3A_24, %dma_start3A] : memref<10240x64xf32, #tpu.memory_space<vmem_shared>> -> memref<128x64xf32, #tpu.memory_space<vmem_shared>>
      %dma_start3A_52 = arith.constant 0 : i32
      %dma_start3A_53 = tpu.memref_slice %arg10[%add3A_24, %dma_start3A_52] : memref<10240x64xf32, #tpu.memory_space<vmem_shared>> -> memref<128x64xf32, #tpu.memory_space<vmem_shared>>
      tpu.enqueue_dma source(%arg9 : memref<128x64xf32, #tpu.memory_space<vmem>>) target(%dma_start3A_53 : memref<128x64xf32, #tpu.memory_space<vmem_shared>>) target_semaphore(%run_scoped3A : memref<!tpu.dma_semaphore, #tpu.memory_space<semaphore_mem>>)
      %dma_wait3A = arith.constant 0 : i32
      %dma_wait3A_54 = tpu.memref_slice %arg10[%add3A_24, %dma_wait3A] : memref<10240x64xf32, #tpu.memory_space<vmem_shared>> -> memref<128x64xf32, #tpu.memory_space<vmem_shared>>
      %dma_wait3A_55 = arith.constant 0 : i32
      %dma_wait3A_56 = tpu.memref_slice %arg10[%add3A_24, %dma_wait3A_55] : memref<10240x64xf32, #tpu.memory_space<vmem_shared>> -> memref<128x64xf32, #tpu.memory_space<vmem_shared>>
      tpu.wait_dma2 semaphore(%run_scoped3A : memref<!tpu.dma_semaphore, #tpu.memory_space<semaphore_mem>>) src(%arg9 : memref<128x64xf32, #tpu.memory_space<vmem>>) dst(%dma_wait3A_56 : memref<128x64xf32, #tpu.memory_space<vmem_shared>>)
      tpu.yield
    }) : () -> ()
    %add3A_25 = arith.constant 128 : i32
    %add3A_26 = arith.addi %mul3A_22, %add3A_25 : i32
    "tpu.region"() ({
      %run_scoped3A = tpu.sem_alloc : memref<!tpu.dma_semaphore, #tpu.memory_space<semaphore_mem>>
      %dma_start3A = arith.constant 0 : i32
      %dma_start3A_51 = tpu.memref_slice %arg10[%add3A_26, %dma_start3A] : memref<10240x64xf32, #tpu.memory_space<vmem_shared>> -> memref<128x64xf32, #tpu.memory_space<vmem_shared>>
      %dma_start3A_52 = arith.constant 0 : i32
      %dma_start3A_53 = tpu.memref_slice %arg10[%add3A_26, %dma_start3A_52] : memref<10240x64xf32, #tpu.memory_space<vmem_shared>> -> memref<128x64xf32, #tpu.memory_space<vmem_shared>>
      tpu.enqueue_dma source(%arg9 : memref<128x64xf32, #tpu.memory_space<vmem>>) target(%dma_start3A_53 : memref<128x64xf32, #tpu.memory_space<vmem_shared>>) target_semaphore(%run_scoped3A : memref<!tpu.dma_semaphore, #tpu.memory_space<semaphore_mem>>)
      %dma_wait3A = arith.constant 0 : i32
      %dma_wait3A_54 = tpu.memref_slice %arg10[%add3A_26, %dma_wait3A] : memref<10240x64xf32, #tpu.memory_space<vmem_shared>> -> memref<128x64xf32, #tpu.memory_space<vmem_shared>>
      %dma_wait3A_55 = arith.constant 0 : i32
      %dma_wait3A_56 = tpu.memref_slice %arg10[%add3A_26, %dma_wait3A_55] : memref<10240x64xf32, #tpu.memory_space<vmem_shared>> -> memref<128x64xf32, #tpu.memory_space<vmem_shared>>
      tpu.wait_dma2 semaphore(%run_scoped3A : memref<!tpu.dma_semaphore, #tpu.memory_space<semaphore_mem>>) src(%arg9 : memref<128x64xf32, #tpu.memory_space<vmem>>) dst(%dma_wait3A_56 : memref<128x64xf32, #tpu.memory_space<vmem_shared>>)
      tpu.yield
    }) : () -> ()
    %add3A_27 = arith.constant 256 : i32
    %add3A_28 = arith.addi %mul3A_22, %add3A_27 : i32
    "tpu.region"() ({
      %run_scoped3A = tpu.sem_alloc : memref<!tpu.dma_semaphore, #tpu.memory_space<semaphore_mem>>
      %dma_start3A = arith.constant 0 : i32
      %dma_start3A_51 = tpu.memref_slice %arg10[%add3A_28, %dma_start3A] : memref<10240x64xf32, #tpu.memory_space<vmem_shared>> -> memref<128x64xf32, #tpu.memory_space<vmem_shared>>
      %dma_start3A_52 = arith.constant 0 : i32
      %dma_start3A_53 = tpu.memref_slice %arg10[%add3A_28, %dma_start3A_52] : memref<10240x64xf32, #tpu.memory_space<vmem_shared>> -> memref<128x64xf32, #tpu.memory_space<vmem_shared>>
      tpu.enqueue_dma source(%arg9 : memref<128x64xf32, #tpu.memory_space<vmem>>) target(%dma_start3A_53 : memref<128x64xf32, #tpu.memory_space<vmem_shared>>) target_semaphore(%run_scoped3A : memref<!tpu.dma_semaphore, #tpu.memory_space<semaphore_mem>>)
      %dma_wait3A = arith.constant 0 : i32
      %dma_wait3A_54 = tpu.memref_slice %arg10[%add3A_28, %dma_wait3A] : memref<10240x64xf32, #tpu.memory_space<vmem_shared>> -> memref<128x64xf32, #tpu.memory_space<vmem_shared>>
      %dma_wait3A_55 = arith.constant 0 : i32
      %dma_wait3A_56 = tpu.memref_slice %arg10[%add3A_28, %dma_wait3A_55] : memref<10240x64xf32, #tpu.memory_space<vmem_shared>> -> memref<128x64xf32, #tpu.memory_space<vmem_shared>>
      tpu.wait_dma2 semaphore(%run_scoped3A : memref<!tpu.dma_semaphore, #tpu.memory_space<semaphore_mem>>) src(%arg9 : memref<128x64xf32, #tpu.memory_space<vmem>>) dst(%dma_wait3A_56 : memref<128x64xf32, #tpu.memory_space<vmem_shared>>)
      tpu.yield
    }) : () -> ()
    %add3A_29 = arith.constant 384 : i32
    %add3A_30 = arith.addi %mul3A_22, %add3A_29 : i32
    "tpu.region"() ({
      %run_scoped3A = tpu.sem_alloc : memref<!tpu.dma_semaphore, #tpu.memory_space<semaphore_mem>>
      %dma_start3A = arith.constant 0 : i32
      %dma_start3A_51 = tpu.memref_slice %arg10[%add3A_30, %dma_start3A] : memref<10240x64xf32, #tpu.memory_space<vmem_shared>> -> memref<128x64xf32, #tpu.memory_space<vmem_shared>>
      %dma_start3A_52 = arith.constant 0 : i32
      %dma_start3A_53 = tpu.memref_slice %arg10[%add3A_30, %dma_start3A_52] : memref<10240x64xf32, #tpu.memory_space<vmem_shared>> -> memref<128x64xf32, #tpu.memory_space<vmem_shared>>
      tpu.enqueue_dma source(%arg9 : memref<128x64xf32, #tpu.memory_space<vmem>>) target(%dma_start3A_53 : memref<128x64xf32, #tpu.memory_space<vmem_shared>>) target_semaphore(%run_scoped3A : memref<!tpu.dma_semaphore, #tpu.memory_space<semaphore_mem>>)
      %dma_wait3A = arith.constant 0 : i32
      %dma_wait3A_54 = tpu.memref_slice %arg10[%add3A_30, %dma_wait3A] : memref<10240x64xf32, #tpu.memory_space<vmem_shared>> -> memref<128x64xf32, #tpu.memory_space<vmem_shared>>
      %dma_wait3A_55 = arith.constant 0 : i32
      %dma_wait3A_56 = tpu.memref_slice %arg10[%add3A_30, %dma_wait3A_55] : memref<10240x64xf32, #tpu.memory_space<vmem_shared>> -> memref<128x64xf32, #tpu.memory_space<vmem_shared>>
      tpu.wait_dma2 semaphore(%run_scoped3A : memref<!tpu.dma_semaphore, #tpu.memory_space<semaphore_mem>>) src(%arg9 : memref<128x64xf32, #tpu.memory_space<vmem>>) dst(%dma_wait3A_56 : memref<128x64xf32, #tpu.memory_space<vmem_shared>>)
      tpu.yield
    }) : () -> ()
    %add3A_31 = arith.constant 512 : i32
    %add3A_32 = arith.addi %mul3A_22, %add3A_31 : i32
    "tpu.region"() ({
      %run_scoped3A = tpu.sem_alloc : memref<!tpu.dma_semaphore, #tpu.memory_space<semaphore_mem>>
      %dma_start3A = arith.constant 0 : i32
      %dma_start3A_51 = tpu.memref_slice %arg10[%add3A_32, %dma_start3A] : memref<10240x64xf32, #tpu.memory_space<vmem_shared>> -> memref<128x64xf32, #tpu.memory_space<vmem_shared>>
      %dma_start3A_52 = arith.constant 0 : i32
      %dma_start3A_53 = tpu.memref_slice %arg10[%add3A_32, %dma_start3A_52] : memref<10240x64xf32, #tpu.memory_space<vmem_shared>> -> memref<128x64xf32, #tpu.memory_space<vmem_shared>>
      tpu.enqueue_dma source(%arg9 : memref<128x64xf32, #tpu.memory_space<vmem>>) target(%dma_start3A_53 : memref<128x64xf32, #tpu.memory_space<vmem_shared>>) target_semaphore(%run_scoped3A : memref<!tpu.dma_semaphore, #tpu.memory_space<semaphore_mem>>)
      %dma_wait3A = arith.constant 0 : i32
      %dma_wait3A_54 = tpu.memref_slice %arg10[%add3A_32, %dma_wait3A] : memref<10240x64xf32, #tpu.memory_space<vmem_shared>> -> memref<128x64xf32, #tpu.memory_space<vmem_shared>>
      %dma_wait3A_55 = arith.constant 0 : i32
      %dma_wait3A_56 = tpu.memref_slice %arg10[%add3A_32, %dma_wait3A_55] : memref<10240x64xf32, #tpu.memory_space<vmem_shared>> -> memref<128x64xf32, #tpu.memory_space<vmem_shared>>
      tpu.wait_dma2 semaphore(%run_scoped3A : memref<!tpu.dma_semaphore, #tpu.memory_space<semaphore_mem>>) src(%arg9 : memref<128x64xf32, #tpu.memory_space<vmem>>) dst(%dma_wait3A_56 : memref<128x64xf32, #tpu.memory_space<vmem_shared>>)
      tpu.yield
    }) : () -> ()
    %barrier3A = arith.constant 0 : index
    tpu.barrier barrier_id(%barrier3A)
    %scan3A_33 = arith.constant 0 : i32
    %scan3A_34 = arith.constant 0 : i32
    %scan3A_35 = arith.constant 79 : i32
    %scan3A_36 = arith.addi %scan3A_34, %scan3A_35 : i32
    %scan3A_37 = arith.constant 1 : i32
    %scan3A_38 = scf.for %scan3A_51 = %scan3A_34 to %scan3A_36 step %scan3A_37 iter_args(%scan3A_52 = %scan3A_33) -> (i32)  : i32 {
      %dma_start3A = arith.constant 0 : i32
      %dma_start3A_53 = tpu.memref_slice %arg6[%scan3A_51, %dma_start3A] : memref<79x128xi32, #tpu.memory_space<vmem>> -> memref<1x128xi32, #tpu.memory_space<vmem>>
      %dma_start3A_54 = tpu.memref_squeeze %dma_start3A_53 : memref<1x128xi32, #tpu.memory_space<vmem>> -> memref<128xi32, #tpu.memory_space<vmem>>
      %dma_start3A_55 = arith.constant 0 : i32
      %dma_start3A_56 = arith.constant 0 : i32
      %dma_start3A_57 = tpu.memref_slice %arg11[%dma_start3A_55, %dma_start3A_56] : memref<10240x64xf32, #tpu.memory_space<vmem_shared>> -> memref<10240x64xf32, #tpu.memory_space<vmem_shared>>
      tpu.enqueue_indirect_dma source(%dma_start3A_57 : memref<10240x64xf32, #tpu.memory_space<vmem_shared>>) target(%arg8 : memref<128x64xf32, #tpu.memory_space<vmem>>) offsets(%dma_start3A_54 : memref<128xi32, #tpu.memory_space<vmem>>) semaphore(%arg12 : memref<!tpu.dma_semaphore, #tpu.memory_space<semaphore_mem>>)
      %dma_wait3A = arith.constant 0 : i32
      %dma_wait3A_58 = tpu.memref_slice %arg6[%scan3A_51, %dma_wait3A] : memref<79x128xi32, #tpu.memory_space<vmem>> -> memref<1x128xi32, #tpu.memory_space<vmem>>
      %dma_wait3A_59 = tpu.memref_squeeze %dma_wait3A_58 : memref<1x128xi32, #tpu.memory_space<vmem>> -> memref<128xi32, #tpu.memory_space<vmem>>
      %dma_wait3A_60 = arith.constant 0 : i32
      %dma_wait3A_61 = arith.constant 0 : i32
      %dma_wait3A_62 = tpu.memref_slice %arg11[%dma_wait3A_60, %dma_wait3A_61] : memref<10240x64xf32, #tpu.memory_space<vmem_shared>> -> memref<10240x64xf32, #tpu.memory_space<vmem_shared>>
      tpu.wait_indirect_dma semaphore(%arg12 : memref<!tpu.dma_semaphore, #tpu.memory_space<semaphore_mem>>) src(%dma_wait3A_62 : memref<10240x64xf32, #tpu.memory_space<vmem_shared>>) dst(%arg8 : memref<128x64xf32, #tpu.memory_space<vmem>>)
      %dma_start3A_63 = arith.constant 0 : i32
      %dma_start3A_64 = tpu.memref_slice %arg7[%scan3A_51, %dma_start3A_63] : memref<79x128xi32, #tpu.memory_space<vmem>> -> memref<1x128xi32, #tpu.memory_space<vmem>>
      %dma_start3A_65 = tpu.memref_squeeze %dma_start3A_64 : memref<1x128xi32, #tpu.memory_space<vmem>> -> memref<128xi32, #tpu.memory_space<vmem>>
      %dma_start3A_66 = arith.constant 0 : i32
      %dma_start3A_67 = arith.constant 0 : i32
      %dma_start3A_68 = tpu.memref_slice %arg10[%dma_start3A_66, %dma_start3A_67] : memref<10240x64xf32, #tpu.memory_space<vmem_shared>> -> memref<10240x64xf32, #tpu.memory_space<vmem_shared>>
      tpu.enqueue_indirect_dma source(%arg8 : memref<128x64xf32, #tpu.memory_space<vmem>>) target(%dma_start3A_68 : memref<10240x64xf32, #tpu.memory_space<vmem_shared>>) offsets(%dma_start3A_65 : memref<128xi32, #tpu.memory_space<vmem>>) semaphore(%arg12 : memref<!tpu.dma_semaphore, #tpu.memory_space<semaphore_mem>>) {add = true}
      %dma_wait3A_69 = arith.constant 0 : i32
      %dma_wait3A_70 = tpu.memref_slice %arg7[%scan3A_51, %dma_wait3A_69] : memref<79x128xi32, #tpu.memory_space<vmem>> -> memref<1x128xi32, #tpu.memory_space<vmem>>
      %dma_wait3A_71 = tpu.memref_squeeze %dma_wait3A_70 : memref<1x128xi32, #tpu.memory_space<vmem>> -> memref<128xi32, #tpu.memory_space<vmem>>
      %dma_wait3A_72 = arith.constant 0 : i32
      %dma_wait3A_73 = arith.constant 0 : i32
      %dma_wait3A_74 = tpu.memref_slice %arg10[%dma_wait3A_72, %dma_wait3A_73] : memref<10240x64xf32, #tpu.memory_space<vmem_shared>> -> memref<10240x64xf32, #tpu.memory_space<vmem_shared>>
      tpu.wait_indirect_dma semaphore(%arg12 : memref<!tpu.dma_semaphore, #tpu.memory_space<semaphore_mem>>) src(%arg8 : memref<128x64xf32, #tpu.memory_space<vmem>>) dst(%dma_wait3A_74 : memref<10240x64xf32, #tpu.memory_space<vmem_shared>>)
      %scan3A_75 = arith.constant 0 : i32
      scf.yield %scan3A_75 : i32
    }
    %scan3A_39 = arith.constant 79 : i32
    %barrier3A_40 = arith.constant 0 : index
    tpu.barrier barrier_id(%barrier3A_40)
    %add3A_41 = arith.constant 0 : i32
    %add3A_42 = arith.addi %mul3A_22, %add3A_41 : i32
    "tpu.region"() ({
      %run_scoped3A = tpu.sem_alloc : memref<!tpu.dma_semaphore, #tpu.memory_space<semaphore_mem>>
      %dma_start3A = arith.constant 0 : i32
      %dma_start3A_51 = tpu.memref_slice %arg10[%add3A_42, %dma_start3A] : memref<10240x64xf32, #tpu.memory_space<vmem_shared>> -> memref<128x64xf32, #tpu.memory_space<vmem_shared>>
      %dma_start3A_52 = arith.constant 0 : i32
      %dma_start3A_53 = tpu.memref_slice %arg10[%add3A_42, %dma_start3A_52] : memref<10240x64xf32, #tpu.memory_space<vmem_shared>> -> memref<128x64xf32, #tpu.memory_space<vmem_shared>>
      tpu.enqueue_dma source(%dma_start3A_53 : memref<128x64xf32, #tpu.memory_space<vmem_shared>>) target(%arg9 : memref<128x64xf32, #tpu.memory_space<vmem>>) target_semaphore(%run_scoped3A : memref<!tpu.dma_semaphore, #tpu.memory_space<semaphore_mem>>)
      %dma_wait3A = arith.constant 0 : i32
      %dma_wait3A_54 = tpu.memref_slice %arg10[%add3A_42, %dma_wait3A] : memref<10240x64xf32, #tpu.memory_space<vmem_shared>> -> memref<128x64xf32, #tpu.memory_space<vmem_shared>>
      %dma_wait3A_55 = arith.constant 0 : i32
      %dma_wait3A_56 = tpu.memref_slice %arg10[%add3A_42, %dma_wait3A_55] : memref<10240x64xf32, #tpu.memory_space<vmem_shared>> -> memref<128x64xf32, #tpu.memory_space<vmem_shared>>
      tpu.wait_dma2 semaphore(%run_scoped3A : memref<!tpu.dma_semaphore, #tpu.memory_space<semaphore_mem>>) src(%dma_wait3A_56 : memref<128x64xf32, #tpu.memory_space<vmem_shared>>) dst(%arg9 : memref<128x64xf32, #tpu.memory_space<vmem>>)
      tpu.yield
    }) : () -> ()
    "tpu.region"() ({
      %run_scoped3A = tpu.sem_alloc : memref<!tpu.dma_semaphore, #tpu.memory_space<semaphore_mem>>
      %dma_start3A = arith.constant 0 : i32
      %dma_start3A_51 = tpu.memref_slice %arg5[%arg0, %add3A_42, %dma_start3A] : memref<2x10240x64xf32, #tpu.memory_space<hbm>> -> memref<1x128x64xf32, #tpu.memory_space<hbm>>
      %dma_start3A_52 = tpu.memref_squeeze %dma_start3A_51 : memref<1x128x64xf32, #tpu.memory_space<hbm>> -> memref<128x64xf32, #tpu.memory_space<hbm>>
      %dma_start3A_53 = arith.constant 0 : i32
      %dma_start3A_54 = tpu.memref_slice %arg5[%arg0, %add3A_42, %dma_start3A_53] : memref<2x10240x64xf32, #tpu.memory_space<hbm>> -> memref<1x128x64xf32, #tpu.memory_space<hbm>>
      %dma_start3A_55 = tpu.memref_squeeze %dma_start3A_54 : memref<1x128x64xf32, #tpu.memory_space<hbm>> -> memref<128x64xf32, #tpu.memory_space<hbm>>
      tpu.enqueue_dma source(%arg9 : memref<128x64xf32, #tpu.memory_space<vmem>>) target(%dma_start3A_55 : memref<128x64xf32, #tpu.memory_space<hbm>>) target_semaphore(%run_scoped3A : memref<!tpu.dma_semaphore, #tpu.memory_space<semaphore_mem>>)
      %dma_wait3A = arith.constant 0 : i32
      %dma_wait3A_56 = tpu.memref_slice %arg5[%arg0, %add3A_42, %dma_wait3A] : memref<2x10240x64xf32, #tpu.memory_space<hbm>> -> memref<1x128x64xf32, #tpu.memory_space<hbm>>
      %dma_wait3A_57 = tpu.memref_squeeze %dma_wait3A_56 : memref<1x128x64xf32, #tpu.memory_space<hbm>> -> memref<128x64xf32, #tpu.memory_space<hbm>>
      %dma_wait3A_58 = arith.constant 0 : i32
      %dma_wait3A_59 = tpu.memref_slice %arg5[%arg0, %add3A_42, %dma_wait3A_58] : memref<2x10240x64xf32, #tpu.memory_space<hbm>> -> memref<1x128x64xf32, #tpu.memory_space<hbm>>
      %dma_wait3A_60 = tpu.memref_squeeze %dma_wait3A_59 : memref<1x128x64xf32, #tpu.memory_space<hbm>> -> memref<128x64xf32, #tpu.memory_space<hbm>>
      tpu.wait_dma2 semaphore(%run_scoped3A : memref<!tpu.dma_semaphore, #tpu.memory_space<semaphore_mem>>) src(%arg9 : memref<128x64xf32, #tpu.memory_space<vmem>>) dst(%dma_wait3A_60 : memref<128x64xf32, #tpu.memory_space<hbm>>)
      tpu.yield
    }) : () -> ()
    %add3A_43 = arith.constant 128 : i32
    %add3A_44 = arith.addi %mul3A_22, %add3A_43 : i32
    "tpu.region"() ({
      %run_scoped3A = tpu.sem_alloc : memref<!tpu.dma_semaphore, #tpu.memory_space<semaphore_mem>>
      %dma_start3A = arith.constant 0 : i32
      %dma_start3A_51 = tpu.memref_slice %arg10[%add3A_44, %dma_start3A] : memref<10240x64xf32, #tpu.memory_space<vmem_shared>> -> memref<128x64xf32, #tpu.memory_space<vmem_shared>>
      %dma_start3A_52 = arith.constant 0 : i32
      %dma_start3A_53 = tpu.memref_slice %arg10[%add3A_44, %dma_start3A_52] : memref<10240x64xf32, #tpu.memory_space<vmem_shared>> -> memref<128x64xf32, #tpu.memory_space<vmem_shared>>
      tpu.enqueue_dma source(%dma_start3A_53 : memref<128x64xf32, #tpu.memory_space<vmem_shared>>) target(%arg9 : memref<128x64xf32, #tpu.memory_space<vmem>>) target_semaphore(%run_scoped3A : memref<!tpu.dma_semaphore, #tpu.memory_space<semaphore_mem>>)
      %dma_wait3A = arith.constant 0 : i32
      %dma_wait3A_54 = tpu.memref_slice %arg10[%add3A_44, %dma_wait3A] : memref<10240x64xf32, #tpu.memory_space<vmem_shared>> -> memref<128x64xf32, #tpu.memory_space<vmem_shared>>
      %dma_wait3A_55 = arith.constant 0 : i32
      %dma_wait3A_56 = tpu.memref_slice %arg10[%add3A_44, %dma_wait3A_55] : memref<10240x64xf32, #tpu.memory_space<vmem_shared>> -> memref<128x64xf32, #tpu.memory_space<vmem_shared>>
      tpu.wait_dma2 semaphore(%run_scoped3A : memref<!tpu.dma_semaphore, #tpu.memory_space<semaphore_mem>>) src(%dma_wait3A_56 : memref<128x64xf32, #tpu.memory_space<vmem_shared>>) dst(%arg9 : memref<128x64xf32, #tpu.memory_space<vmem>>)
      tpu.yield
    }) : () -> ()
    "tpu.region"() ({
      %run_scoped3A = tpu.sem_alloc : memref<!tpu.dma_semaphore, #tpu.memory_space<semaphore_mem>>
      %dma_start3A = arith.constant 0 : i32
      %dma_start3A_51 = tpu.memref_slice %arg5[%arg0, %add3A_44, %dma_start3A] : memref<2x10240x64xf32, #tpu.memory_space<hbm>> -> memref<1x128x64xf32, #tpu.memory_space<hbm>>
      %dma_start3A_52 = tpu.memref_squeeze %dma_start3A_51 : memref<1x128x64xf32, #tpu.memory_space<hbm>> -> memref<128x64xf32, #tpu.memory_space<hbm>>
      %dma_start3A_53 = arith.constant 0 : i32
      %dma_start3A_54 = tpu.memref_slice %arg5[%arg0, %add3A_44, %dma_start3A_53] : memref<2x10240x64xf32, #tpu.memory_space<hbm>> -> memref<1x128x64xf32, #tpu.memory_space<hbm>>
      %dma_start3A_55 = tpu.memref_squeeze %dma_start3A_54 : memref<1x128x64xf32, #tpu.memory_space<hbm>> -> memref<128x64xf32, #tpu.memory_space<hbm>>
      tpu.enqueue_dma source(%arg9 : memref<128x64xf32, #tpu.memory_space<vmem>>) target(%dma_start3A_55 : memref<128x64xf32, #tpu.memory_space<hbm>>) target_semaphore(%run_scoped3A : memref<!tpu.dma_semaphore, #tpu.memory_space<semaphore_mem>>)
      %dma_wait3A = arith.constant 0 : i32
      %dma_wait3A_56 = tpu.memref_slice %arg5[%arg0, %add3A_44, %dma_wait3A] : memref<2x10240x64xf32, #tpu.memory_space<hbm>> -> memref<1x128x64xf32, #tpu.memory_space<hbm>>
      %dma_wait3A_57 = tpu.memref_squeeze %dma_wait3A_56 : memref<1x128x64xf32, #tpu.memory_space<hbm>> -> memref<128x64xf32, #tpu.memory_space<hbm>>
      %dma_wait3A_58 = arith.constant 0 : i32
      %dma_wait3A_59 = tpu.memref_slice %arg5[%arg0, %add3A_44, %dma_wait3A_58] : memref<2x10240x64xf32, #tpu.memory_space<hbm>> -> memref<1x128x64xf32, #tpu.memory_space<hbm>>
      %dma_wait3A_60 = tpu.memref_squeeze %dma_wait3A_59 : memref<1x128x64xf32, #tpu.memory_space<hbm>> -> memref<128x64xf32, #tpu.memory_space<hbm>>
      tpu.wait_dma2 semaphore(%run_scoped3A : memref<!tpu.dma_semaphore, #tpu.memory_space<semaphore_mem>>) src(%arg9 : memref<128x64xf32, #tpu.memory_space<vmem>>) dst(%dma_wait3A_60 : memref<128x64xf32, #tpu.memory_space<hbm>>)
      tpu.yield
    }) : () -> ()
    %add3A_45 = arith.constant 256 : i32
    %add3A_46 = arith.addi %mul3A_22, %add3A_45 : i32
    "tpu.region"() ({
      %run_scoped3A = tpu.sem_alloc : memref<!tpu.dma_semaphore, #tpu.memory_space<semaphore_mem>>
      %dma_start3A = arith.constant 0 : i32
      %dma_start3A_51 = tpu.memref_slice %arg10[%add3A_46, %dma_start3A] : memref<10240x64xf32, #tpu.memory_space<vmem_shared>> -> memref<128x64xf32, #tpu.memory_space<vmem_shared>>
      %dma_start3A_52 = arith.constant 0 : i32
      %dma_start3A_53 = tpu.memref_slice %arg10[%add3A_46, %dma_start3A_52] : memref<10240x64xf32, #tpu.memory_space<vmem_shared>> -> memref<128x64xf32, #tpu.memory_space<vmem_shared>>
      tpu.enqueue_dma source(%dma_start3A_53 : memref<128x64xf32, #tpu.memory_space<vmem_shared>>) target(%arg9 : memref<128x64xf32, #tpu.memory_space<vmem>>) target_semaphore(%run_scoped3A : memref<!tpu.dma_semaphore, #tpu.memory_space<semaphore_mem>>)
      %dma_wait3A = arith.constant 0 : i32
      %dma_wait3A_54 = tpu.memref_slice %arg10[%add3A_46, %dma_wait3A] : memref<10240x64xf32, #tpu.memory_space<vmem_shared>> -> memref<128x64xf32, #tpu.memory_space<vmem_shared>>
      %dma_wait3A_55 = arith.constant 0 : i32
      %dma_wait3A_56 = tpu.memref_slice %arg10[%add3A_46, %dma_wait3A_55] : memref<10240x64xf32, #tpu.memory_space<vmem_shared>> -> memref<128x64xf32, #tpu.memory_space<vmem_shared>>
      tpu.wait_dma2 semaphore(%run_scoped3A : memref<!tpu.dma_semaphore, #tpu.memory_space<semaphore_mem>>) src(%dma_wait3A_56 : memref<128x64xf32, #tpu.memory_space<vmem_shared>>) dst(%arg9 : memref<128x64xf32, #tpu.memory_space<vmem>>)
      tpu.yield
    }) : () -> ()
    "tpu.region"() ({
      %run_scoped3A = tpu.sem_alloc : memref<!tpu.dma_semaphore, #tpu.memory_space<semaphore_mem>>
      %dma_start3A = arith.constant 0 : i32
      %dma_start3A_51 = tpu.memref_slice %arg5[%arg0, %add3A_46, %dma_start3A] : memref<2x10240x64xf32, #tpu.memory_space<hbm>> -> memref<1x128x64xf32, #tpu.memory_space<hbm>>
      %dma_start3A_52 = tpu.memref_squeeze %dma_start3A_51 : memref<1x128x64xf32, #tpu.memory_space<hbm>> -> memref<128x64xf32, #tpu.memory_space<hbm>>
      %dma_start3A_53 = arith.constant 0 : i32
      %dma_start3A_54 = tpu.memref_slice %arg5[%arg0, %add3A_46, %dma_start3A_53] : memref<2x10240x64xf32, #tpu.memory_space<hbm>> -> memref<1x128x64xf32, #tpu.memory_space<hbm>>
      %dma_start3A_55 = tpu.memref_squeeze %dma_start3A_54 : memref<1x128x64xf32, #tpu.memory_space<hbm>> -> memref<128x64xf32, #tpu.memory_space<hbm>>
      tpu.enqueue_dma source(%arg9 : memref<128x64xf32, #tpu.memory_space<vmem>>) target(%dma_start3A_55 : memref<128x64xf32, #tpu.memory_space<hbm>>) target_semaphore(%run_scoped3A : memref<!tpu.dma_semaphore, #tpu.memory_space<semaphore_mem>>)
      %dma_wait3A = arith.constant 0 : i32
      %dma_wait3A_56 = tpu.memref_slice %arg5[%arg0, %add3A_46, %dma_wait3A] : memref<2x10240x64xf32, #tpu.memory_space<hbm>> -> memref<1x128x64xf32, #tpu.memory_space<hbm>>
      %dma_wait3A_57 = tpu.memref_squeeze %dma_wait3A_56 : memref<1x128x64xf32, #tpu.memory_space<hbm>> -> memref<128x64xf32, #tpu.memory_space<hbm>>
      %dma_wait3A_58 = arith.constant 0 : i32
      %dma_wait3A_59 = tpu.memref_slice %arg5[%arg0, %add3A_46, %dma_wait3A_58] : memref<2x10240x64xf32, #tpu.memory_space<hbm>> -> memref<1x128x64xf32, #tpu.memory_space<hbm>>
      %dma_wait3A_60 = tpu.memref_squeeze %dma_wait3A_59 : memref<1x128x64xf32, #tpu.memory_space<hbm>> -> memref<128x64xf32, #tpu.memory_space<hbm>>
      tpu.wait_dma2 semaphore(%run_scoped3A : memref<!tpu.dma_semaphore, #tpu.memory_space<semaphore_mem>>) src(%arg9 : memref<128x64xf32, #tpu.memory_space<vmem>>) dst(%dma_wait3A_60 : memref<128x64xf32, #tpu.memory_space<hbm>>)
      tpu.yield
    }) : () -> ()
    %add3A_47 = arith.constant 384 : i32
    %add3A_48 = arith.addi %mul3A_22, %add3A_47 : i32
    "tpu.region"() ({
      %run_scoped3A = tpu.sem_alloc : memref<!tpu.dma_semaphore, #tpu.memory_space<semaphore_mem>>
      %dma_start3A = arith.constant 0 : i32
      %dma_start3A_51 = tpu.memref_slice %arg10[%add3A_48, %dma_start3A] : memref<10240x64xf32, #tpu.memory_space<vmem_shared>> -> memref<128x64xf32, #tpu.memory_space<vmem_shared>>
      %dma_start3A_52 = arith.constant 0 : i32
      %dma_start3A_53 = tpu.memref_slice %arg10[%add3A_48, %dma_start3A_52] : memref<10240x64xf32, #tpu.memory_space<vmem_shared>> -> memref<128x64xf32, #tpu.memory_space<vmem_shared>>
      tpu.enqueue_dma source(%dma_start3A_53 : memref<128x64xf32, #tpu.memory_space<vmem_shared>>) target(%arg9 : memref<128x64xf32, #tpu.memory_space<vmem>>) target_semaphore(%run_scoped3A : memref<!tpu.dma_semaphore, #tpu.memory_space<semaphore_mem>>)
      %dma_wait3A = arith.constant 0 : i32
      %dma_wait3A_54 = tpu.memref_slice %arg10[%add3A_48, %dma_wait3A] : memref<10240x64xf32, #tpu.memory_space<vmem_shared>> -> memref<128x64xf32, #tpu.memory_space<vmem_shared>>
      %dma_wait3A_55 = arith.constant 0 : i32
      %dma_wait3A_56 = tpu.memref_slice %arg10[%add3A_48, %dma_wait3A_55] : memref<10240x64xf32, #tpu.memory_space<vmem_shared>> -> memref<128x64xf32, #tpu.memory_space<vmem_shared>>
      tpu.wait_dma2 semaphore(%run_scoped3A : memref<!tpu.dma_semaphore, #tpu.memory_space<semaphore_mem>>) src(%dma_wait3A_56 : memref<128x64xf32, #tpu.memory_space<vmem_shared>>) dst(%arg9 : memref<128x64xf32, #tpu.memory_space<vmem>>)
      tpu.yield
    }) : () -> ()
    "tpu.region"() ({
      %run_scoped3A = tpu.sem_alloc : memref<!tpu.dma_semaphore, #tpu.memory_space<semaphore_mem>>
      %dma_start3A = arith.constant 0 : i32
      %dma_start3A_51 = tpu.memref_slice %arg5[%arg0, %add3A_48, %dma_start3A] : memref<2x10240x64xf32, #tpu.memory_space<hbm>> -> memref<1x128x64xf32, #tpu.memory_space<hbm>>
      %dma_start3A_52 = tpu.memref_squeeze %dma_start3A_51 : memref<1x128x64xf32, #tpu.memory_space<hbm>> -> memref<128x64xf32, #tpu.memory_space<hbm>>
      %dma_start3A_53 = arith.constant 0 : i32
      %dma_start3A_54 = tpu.memref_slice %arg5[%arg0, %add3A_48, %dma_start3A_53] : memref<2x10240x64xf32, #tpu.memory_space<hbm>> -> memref<1x128x64xf32, #tpu.memory_space<hbm>>
      %dma_start3A_55 = tpu.memref_squeeze %dma_start3A_54 : memref<1x128x64xf32, #tpu.memory_space<hbm>> -> memref<128x64xf32, #tpu.memory_space<hbm>>
      tpu.enqueue_dma source(%arg9 : memref<128x64xf32, #tpu.memory_space<vmem>>) target(%dma_start3A_55 : memref<128x64xf32, #tpu.memory_space<hbm>>) target_semaphore(%run_scoped3A : memref<!tpu.dma_semaphore, #tpu.memory_space<semaphore_mem>>)
      %dma_wait3A = arith.constant 0 : i32
      %dma_wait3A_56 = tpu.memref_slice %arg5[%arg0, %add3A_48, %dma_wait3A] : memref<2x10240x64xf32, #tpu.memory_space<hbm>> -> memref<1x128x64xf32, #tpu.memory_space<hbm>>
      %dma_wait3A_57 = tpu.memref_squeeze %dma_wait3A_56 : memref<1x128x64xf32, #tpu.memory_space<hbm>> -> memref<128x64xf32, #tpu.memory_space<hbm>>
      %dma_wait3A_58 = arith.constant 0 : i32
      %dma_wait3A_59 = tpu.memref_slice %arg5[%arg0, %add3A_48, %dma_wait3A_58] : memref<2x10240x64xf32, #tpu.memory_space<hbm>> -> memref<1x128x64xf32, #tpu.memory_space<hbm>>
      %dma_wait3A_60 = tpu.memref_squeeze %dma_wait3A_59 : memref<1x128x64xf32, #tpu.memory_space<hbm>> -> memref<128x64xf32, #tpu.memory_space<hbm>>
      tpu.wait_dma2 semaphore(%run_scoped3A : memref<!tpu.dma_semaphore, #tpu.memory_space<semaphore_mem>>) src(%arg9 : memref<128x64xf32, #tpu.memory_space<vmem>>) dst(%dma_wait3A_60 : memref<128x64xf32, #tpu.memory_space<hbm>>)
      tpu.yield
    }) : () -> ()
    %add3A_49 = arith.constant 512 : i32
    %add3A_50 = arith.addi %mul3A_22, %add3A_49 : i32
    "tpu.region"() ({
      %run_scoped3A = tpu.sem_alloc : memref<!tpu.dma_semaphore, #tpu.memory_space<semaphore_mem>>
      %dma_start3A = arith.constant 0 : i32
      %dma_start3A_51 = tpu.memref_slice %arg10[%add3A_50, %dma_start3A] : memref<10240x64xf32, #tpu.memory_space<vmem_shared>> -> memref<128x64xf32, #tpu.memory_space<vmem_shared>>
      %dma_start3A_52 = arith.constant 0 : i32
      %dma_start3A_53 = tpu.memref_slice %arg10[%add3A_50, %dma_start3A_52] : memref<10240x64xf32, #tpu.memory_space<vmem_shared>> -> memref<128x64xf32, #tpu.memory_space<vmem_shared>>
      tpu.enqueue_dma source(%dma_start3A_53 : memref<128x64xf32, #tpu.memory_space<vmem_shared>>) target(%arg9 : memref<128x64xf32, #tpu.memory_space<vmem>>) target_semaphore(%run_scoped3A : memref<!tpu.dma_semaphore, #tpu.memory_space<semaphore_mem>>)
      %dma_wait3A = arith.constant 0 : i32
      %dma_wait3A_54 = tpu.memref_slice %arg10[%add3A_50, %dma_wait3A] : memref<10240x64xf32, #tpu.memory_space<vmem_shared>> -> memref<128x64xf32, #tpu.memory_space<vmem_shared>>
      %dma_wait3A_55 = arith.constant 0 : i32
      %dma_wait3A_56 = tpu.memref_slice %arg10[%add3A_50, %dma_wait3A_55] : memref<10240x64xf32, #tpu.memory_space<vmem_shared>> -> memref<128x64xf32, #tpu.memory_space<vmem_shared>>
      tpu.wait_dma2 semaphore(%run_scoped3A : memref<!tpu.dma_semaphore, #tpu.memory_space<semaphore_mem>>) src(%dma_wait3A_56 : memref<128x64xf32, #tpu.memory_space<vmem_shared>>) dst(%arg9 : memref<128x64xf32, #tpu.memory_space<vmem>>)
      tpu.yield
    }) : () -> ()
    "tpu.region"() ({
      %run_scoped3A = tpu.sem_alloc : memref<!tpu.dma_semaphore, #tpu.memory_space<semaphore_mem>>
      %dma_start3A = arith.constant 0 : i32
      %dma_start3A_51 = tpu.memref_slice %arg5[%arg0, %add3A_50, %dma_start3A] : memref<2x10240x64xf32, #tpu.memory_space<hbm>> -> memref<1x128x64xf32, #tpu.memory_space<hbm>>
      %dma_start3A_52 = tpu.memref_squeeze %dma_start3A_51 : memref<1x128x64xf32, #tpu.memory_space<hbm>> -> memref<128x64xf32, #tpu.memory_space<hbm>>
      %dma_start3A_53 = arith.constant 0 : i32
      %dma_start3A_54 = tpu.memref_slice %arg5[%arg0, %add3A_50, %dma_start3A_53] : memref<2x10240x64xf32, #tpu.memory_space<hbm>> -> memref<1x128x64xf32, #tpu.memory_space<hbm>>
      %dma_start3A_55 = tpu.memref_squeeze %dma_start3A_54 : memref<1x128x64xf32, #tpu.memory_space<hbm>> -> memref<128x64xf32, #tpu.memory_space<hbm>>
      tpu.enqueue_dma source(%arg9 : memref<128x64xf32, #tpu.memory_space<vmem>>) target(%dma_start3A_55 : memref<128x64xf32, #tpu.memory_space<hbm>>) target_semaphore(%run_scoped3A : memref<!tpu.dma_semaphore, #tpu.memory_space<semaphore_mem>>)
      %dma_wait3A = arith.constant 0 : i32
      %dma_wait3A_56 = tpu.memref_slice %arg5[%arg0, %add3A_50, %dma_wait3A] : memref<2x10240x64xf32, #tpu.memory_space<hbm>> -> memref<1x128x64xf32, #tpu.memory_space<hbm>>
      %dma_wait3A_57 = tpu.memref_squeeze %dma_wait3A_56 : memref<1x128x64xf32, #tpu.memory_space<hbm>> -> memref<128x64xf32, #tpu.memory_space<hbm>>
      %dma_wait3A_58 = arith.constant 0 : i32
      %dma_wait3A_59 = tpu.memref_slice %arg5[%arg0, %add3A_50, %dma_wait3A_58] : memref<2x10240x64xf32, #tpu.memory_space<hbm>> -> memref<1x128x64xf32, #tpu.memory_space<hbm>>
      %dma_wait3A_60 = tpu.memref_squeeze %dma_wait3A_59 : memref<1x128x64xf32, #tpu.memory_space<hbm>> -> memref<128x64xf32, #tpu.memory_space<hbm>>
      tpu.wait_dma2 semaphore(%run_scoped3A : memref<!tpu.dma_semaphore, #tpu.memory_space<semaphore_mem>>) src(%arg9 : memref<128x64xf32, #tpu.memory_space<vmem>>) dst(%dma_wait3A_60 : memref<128x64xf32, #tpu.memory_space<hbm>>)
      tpu.yield
    }) : () -> ()
    return
  }
}

module attributes {stable_mosaic.version = 14 : i64} {
  func.func @_tc1_body(%arg0: i32, %arg1: memref<2048x128xf32, #tpu.memory_space<vmem>>, %arg2: memref<128x32xf32, #tpu.memory_space<vmem>>, %arg3: memref<2x2048x16xf32, #tpu.memory_space<vmem>>, %arg4: memref<2048x32xf32, #tpu.memory_space<vmem>>, %arg5: memref<2048x1xf32, #tpu.memory_space<vmem>>) attributes {dimension_semantics = [#tpu.dimension_semantics<arbitrary>], iteration_bounds = array<i64: 5>, scalar_prefetch = 0 : i64, scratch_operands = 0 : i64, tpu.core_type = #tpu.core_type<tc>, window_params = [{transform_indices = @transform_0, window_bounds = array<i64: 2048, 128>}, {pipeline_mode = #tpu.pipeline_mode<synchronous>, transform_indices = @transform_1, window_bounds = array<i64: 128, 32>}, {transform_indices = @transform_2, window_bounds = array<i64: 2, 2048, 16>}, {transform_indices = @transform_3, window_bounds = array<i64: 2048, 32>}, {transform_indices = @transform_4, window_bounds = array<i64: 2048, 1>}]} {
    %get3A = arith.constant 0 : index
    %get3A_0 = arith.constant 0 : index
    %get3A_1 = arith.constant 0 : index
    %get3A_2 = vector.load %arg3[%get3A, %get3A_0, %get3A_1] : memref<2x2048x16xf32, #tpu.memory_space<vmem>>, vector<1x2048x1xf32>
    %get3A_3 = vector.shape_cast %get3A_2 : vector<1x2048x1xf32> to vector<2048xf32>
    %add3A = arith.constant 1.000000e+00 : f32
    %add3A_4 = vector.broadcast %add3A : f32 to vector<2048xf32>
    %add3A_5 = arith.addf %add3A_4, %get3A_3 : vector<2048xf32>
    %get3A_6 = arith.constant 1 : index
    %get3A_7 = arith.constant 0 : index
    %get3A_8 = arith.constant 0 : index
    %get3A_9 = vector.load %arg3[%get3A_6, %get3A_7, %get3A_8] : memref<2x2048x16xf32, #tpu.memory_space<vmem>>, vector<1x2048x1xf32>
    %get3A_10 = vector.shape_cast %get3A_9 : vector<1x2048x1xf32> to vector<2048xf32>
    %add3A_11 = arith.addf %add3A_5, %get3A_10 : vector<2048xf32>
    %rsqrt3A = math.rsqrt %add3A_11 : vector<2048xf32>
    %get3A_12 = arith.constant 0 : index
    %get3A_13 = arith.constant 0 : index
    %get3A_14 = vector.load %arg1[%get3A_12, %get3A_13] : memref<2048x128xf32, #tpu.memory_space<vmem>>, vector<2048x128xf32>
    %get3A_15 = arith.constant 0 : index
    %get3A_16 = arith.constant 0 : index
    %get3A_17 = vector.load %arg2[%get3A_15, %get3A_16] : memref<128x32xf32, #tpu.memory_space<vmem>>, vector<128x32xf32>
    %dot_general3A = arith.constant dense<0.000000e+00> : vector<2048x32xf32>
    %dot_general3A_18 = tpu.matmul %get3A_14, %get3A_17, %dot_general3A {dimension_numbers = #tpu.dot_dimension_numbers<[1], [0], [0], [1], [0, 0, 1, 1], [], []>, transpose_lhs_hint = false} : vector<2048x128xf32>, vector<128x32xf32>, vector<2048x32xf32> -> vector<2048x32xf32>
    %broadcast_in_dim3A = vector.shape_cast %rsqrt3A : vector<2048xf32> to vector<2048x1xf32>
    %mul3A = vector.broadcast %broadcast_in_dim3A : vector<2048x1xf32> to vector<2048x32xf32>
    %mul3A_19 = arith.mulf %dot_general3A_18, %mul3A : vector<2048x32xf32>
    %swap3A = arith.constant 0 : index
    %swap3A_20 = arith.constant 0 : index
    %swap3A_21 = vector.load %arg4[%swap3A, %swap3A_20] : memref<2048x32xf32, #tpu.memory_space<vmem>>, vector<2048x32xf32>
    tpu.vector_store %arg4[%swap3A, %swap3A_20], %mul3A_19 {strides = array<i32>} : memref<2048x32xf32, #tpu.memory_space<vmem>>, vector<2048x32xf32>,
    %broadcast_in_dim3A_22 = vector.shape_cast %rsqrt3A : vector<2048xf32> to vector<2048x1xf32>
    %swap3A_23 = arith.constant 0 : index
    %swap3A_24 = arith.constant 0 : index
    %swap3A_25 = vector.load %arg5[%swap3A_23, %swap3A_24] : memref<2048x1xf32, #tpu.memory_space<vmem>>, vector<2048x1xf32>
    tpu.vector_store %arg5[%swap3A_23, %swap3A_24], %broadcast_in_dim3A_22 {strides = array<i32>} : memref<2048x1xf32, #tpu.memory_space<vmem>>, vector<2048x1xf32>,
    return
  }
  func.func @transform_0(%arg0: i32) -> (i32, i32) {
    %c0_i32 = arith.constant 0 : i32
    %c0_i32_0 = arith.constant 0 : i32
    return %arg0, %c0_i32 : i32, i32
  }
  func.func @transform_1(%arg0: i32) -> (i32, i32) {
    %c0_i32 = arith.constant 0 : i32
    %c0_i32_0 = arith.constant 0 : i32
    %c0_i32_1 = arith.constant 0 : i32
    return %c0_i32, %c0_i32_0 : i32, i32
  }
  func.func @transform_2(%arg0: i32) -> (i32, i32, i32) {
    %c0_i32 = arith.constant 0 : i32
    %c0_i32_0 = arith.constant 0 : i32
    %c0_i32_1 = arith.constant 0 : i32
    return %c0_i32, %arg0, %c0_i32_0 : i32, i32, i32
  }
  func.func @transform_3(%arg0: i32) -> (i32, i32) {
    %c0_i32 = arith.constant 0 : i32
    %c0_i32_0 = arith.constant 0 : i32
    return %arg0, %c0_i32 : i32, i32
  }
  func.func @transform_4(%arg0: i32) -> (i32, i32) {
    %c0_i32 = arith.constant 0 : i32
    %c0_i32_0 = arith.constant 0 : i32
    return %arg0, %c0_i32 : i32, i32
  }
}

module attributes {stable_mosaic.version = 14 : i64} {
  func.func @_tc_mid_body(%arg0: i32, %arg1: memref<2x2048x32xf32, #tpu.memory_space<vmem>>, %arg2: memref<2048x32xf32, #tpu.memory_space<vmem>>, %arg3: memref<2048x1xf32, #tpu.memory_space<vmem>>, %arg4: memref<32xf32, #tpu.memory_space<vmem>>, %arg5: memref<32x64xf32, #tpu.memory_space<vmem>>, %arg6: memref<2048x64xf32, #tpu.memory_space<vmem>>) attributes {dimension_semantics = [#tpu.dimension_semantics<arbitrary>], iteration_bounds = array<i64: 5>, scalar_prefetch = 0 : i64, scratch_operands = 0 : i64, tpu.core_type = #tpu.core_type<tc>, window_params = [{transform_indices = @transform_0, window_bounds = array<i64: 2, 2048, 32>}, {transform_indices = @transform_1, window_bounds = array<i64: 2048, 32>}, {transform_indices = @transform_2, window_bounds = array<i64: 2048, 1>}, {pipeline_mode = #tpu.pipeline_mode<synchronous>, transform_indices = @transform_3, window_bounds = array<i64: 32>}, {pipeline_mode = #tpu.pipeline_mode<synchronous>, transform_indices = @transform_4, window_bounds = array<i64: 32, 64>}, {transform_indices = @transform_5, window_bounds = array<i64: 2048, 64>}]} {
    %get3A = arith.constant 0 : index
    %get3A_0 = arith.constant 0 : index
    %get3A_1 = vector.load %arg3[%get3A, %get3A_0] : memref<2048x1xf32, #tpu.memory_space<vmem>>, vector<2048x1xf32>
    %get3A_2 = arith.constant 0 : index
    %get3A_3 = arith.constant 0 : index
    %get3A_4 = arith.constant 0 : index
    %get3A_5 = vector.load %arg1[%get3A_2, %get3A_3, %get3A_4] : memref<2x2048x32xf32, #tpu.memory_space<vmem>>, vector<1x2048x32xf32>
    %get3A_6 = vector.shape_cast %get3A_5 : vector<1x2048x32xf32> to vector<2048x32xf32>
    %get3A_7 = arith.constant 1 : index
    %get3A_8 = arith.constant 0 : index
    %get3A_9 = arith.constant 0 : index
    %get3A_10 = vector.load %arg1[%get3A_7, %get3A_8, %get3A_9] : memref<2x2048x32xf32, #tpu.memory_space<vmem>>, vector<1x2048x32xf32>
    %get3A_11 = vector.shape_cast %get3A_10 : vector<1x2048x32xf32> to vector<2048x32xf32>
    %add3A = arith.addf %get3A_6, %get3A_11 : vector<2048x32xf32>
    %get3A_12 = arith.constant 0 : index
    %get3A_13 = arith.constant 0 : index
    %get3A_14 = vector.load %arg2[%get3A_12, %get3A_13] : memref<2048x32xf32, #tpu.memory_space<vmem>>, vector<2048x32xf32>
    %add3A_15 = arith.addf %add3A, %get3A_14 : vector<2048x32xf32>
    %mul3A = vector.broadcast %get3A_1 : vector<2048x1xf32> to vector<2048x32xf32>
    %mul3A_16 = arith.mulf %add3A_15, %mul3A : vector<2048x32xf32>
    %get3A_17 = arith.constant 0 : index
    %get3A_18 = vector.load %arg4[%get3A_17] : memref<32xf32, #tpu.memory_space<vmem>>, vector<32xf32>
    %broadcast_in_dim3A = vector.shape_cast %get3A_18 : vector<32xf32> to vector<1x32xf32>
    %add3A_19 = vector.broadcast %broadcast_in_dim3A : vector<1x32xf32> to vector<2048x32xf32>
    %add3A_20 = arith.addf %mul3A_16, %add3A_19 : vector<2048x32xf32>
    %ge3A = arith.constant 0.000000e+00 : f32
    %ge3A_21 = vector.broadcast %ge3A : f32 to vector<2048x32xf32>
    %ge3A_22 = arith.cmpf oge, %add3A_20, %ge3A_21 : vector<2048x32xf32>
    %mul3A_23 = arith.constant 0.00999999977 : f32
    %mul3A_24 = vector.broadcast %mul3A_23 : f32 to vector<2048x32xf32>
    %mul3A_25 = arith.mulf %mul3A_24, %add3A_20 : vector<2048x32xf32>
    %select_n3A = arith.select %ge3A_22, %add3A_20, %mul3A_25 : vector<2048x32xi1>, vector<2048x32xf32>
    %get3A_26 = arith.constant 0 : index
    %get3A_27 = arith.constant 0 : index
    %get3A_28 = vector.load %arg5[%get3A_26, %get3A_27] : memref<32x64xf32, #tpu.memory_space<vmem>>, vector<32x64xf32>
    %dot_general3A = arith.constant dense<0.000000e+00> : vector<2048x64xf32>
    %dot_general3A_29 = tpu.matmul %select_n3A, %get3A_28, %dot_general3A {dimension_numbers = #tpu.dot_dimension_numbers<[1], [0], [0], [1], [0, 0, 1, 1], [], []>, transpose_lhs_hint = false} : vector<2048x32xf32>, vector<32x64xf32>, vector<2048x64xf32> -> vector<2048x64xf32>
    %mul3A_30 = vector.broadcast %get3A_1 : vector<2048x1xf32> to vector<2048x64xf32>
    %mul3A_31 = arith.mulf %dot_general3A_29, %mul3A_30 : vector<2048x64xf32>
    %swap3A = arith.constant 0 : index
    %swap3A_32 = arith.constant 0 : index
    %swap3A_33 = vector.load %arg6[%swap3A, %swap3A_32] : memref<2048x64xf32, #tpu.memory_space<vmem>>, vector<2048x64xf32>
    tpu.vector_store %arg6[%swap3A, %swap3A_32], %mul3A_31 {strides = array<i32>} : memref<2048x64xf32, #tpu.memory_space<vmem>>, vector<2048x64xf32>,
    return
  }
  func.func @transform_0(%arg0: i32) -> (i32, i32, i32) {
    %c0_i32 = arith.constant 0 : i32
    %c0_i32_0 = arith.constant 0 : i32
    %c0_i32_1 = arith.constant 0 : i32
    return %c0_i32, %arg0, %c0_i32_0 : i32, i32, i32
  }
  func.func @transform_1(%arg0: i32) -> (i32, i32) {
    %c0_i32 = arith.constant 0 : i32
    %c0_i32_0 = arith.constant 0 : i32
    return %arg0, %c0_i32 : i32, i32
  }
  func.func @transform_2(%arg0: i32) -> (i32, i32) {
    %c0_i32 = arith.constant 0 : i32
    %c0_i32_0 = arith.constant 0 : i32
    return %arg0, %c0_i32 : i32, i32
  }
  func.func @transform_3(%arg0: i32) -> i32 {
    %c0_i32 = arith.constant 0 : i32
    %c0_i32_0 = arith.constant 0 : i32
    return %c0_i32 : i32
  }
  func.func @transform_4(%arg0: i32) -> (i32, i32) {
    %c0_i32 = arith.constant 0 : i32
    %c0_i32_0 = arith.constant 0 : i32
    %c0_i32_1 = arith.constant 0 : i32
    return %c0_i32, %c0_i32_0 : i32, i32
  }
  func.func @transform_5(%arg0: i32) -> (i32, i32) {
    %c0_i32 = arith.constant 0 : i32
    %c0_i32_0 = arith.constant 0 : i32
    return %arg0, %c0_i32 : i32, i32
  }
}

module attributes {stable_mosaic.version = 14 : i64} {
  func.func @_tc_mid_body(%arg0: i32, %arg1: memref<2x2048x64xf32, #tpu.memory_space<vmem>>, %arg2: memref<2048x64xf32, #tpu.memory_space<vmem>>, %arg3: memref<2048x1xf32, #tpu.memory_space<vmem>>, %arg4: memref<64xf32, #tpu.memory_space<vmem>>, %arg5: memref<64x32xf32, #tpu.memory_space<vmem>>, %arg6: memref<2048x32xf32, #tpu.memory_space<vmem>>) attributes {dimension_semantics = [#tpu.dimension_semantics<arbitrary>], iteration_bounds = array<i64: 5>, scalar_prefetch = 0 : i64, scratch_operands = 0 : i64, tpu.core_type = #tpu.core_type<tc>, window_params = [{transform_indices = @transform_0, window_bounds = array<i64: 2, 2048, 64>}, {transform_indices = @transform_1, window_bounds = array<i64: 2048, 64>}, {transform_indices = @transform_2, window_bounds = array<i64: 2048, 1>}, {pipeline_mode = #tpu.pipeline_mode<synchronous>, transform_indices = @transform_3, window_bounds = array<i64: 64>}, {pipeline_mode = #tpu.pipeline_mode<synchronous>, transform_indices = @transform_4, window_bounds = array<i64: 64, 32>}, {transform_indices = @transform_5, window_bounds = array<i64: 2048, 32>}]} {
    %get3A = arith.constant 0 : index
    %get3A_0 = arith.constant 0 : index
    %get3A_1 = vector.load %arg3[%get3A, %get3A_0] : memref<2048x1xf32, #tpu.memory_space<vmem>>, vector<2048x1xf32>
    %get3A_2 = arith.constant 0 : index
    %get3A_3 = arith.constant 0 : index
    %get3A_4 = arith.constant 0 : index
    %get3A_5 = vector.load %arg1[%get3A_2, %get3A_3, %get3A_4] : memref<2x2048x64xf32, #tpu.memory_space<vmem>>, vector<1x2048x64xf32>
    %get3A_6 = vector.shape_cast %get3A_5 : vector<1x2048x64xf32> to vector<2048x64xf32>
    %get3A_7 = arith.constant 1 : index
    %get3A_8 = arith.constant 0 : index
    %get3A_9 = arith.constant 0 : index
    %get3A_10 = vector.load %arg1[%get3A_7, %get3A_8, %get3A_9] : memref<2x2048x64xf32, #tpu.memory_space<vmem>>, vector<1x2048x64xf32>
    %get3A_11 = vector.shape_cast %get3A_10 : vector<1x2048x64xf32> to vector<2048x64xf32>
    %add3A = arith.addf %get3A_6, %get3A_11 : vector<2048x64xf32>
    %get3A_12 = arith.constant 0 : index
    %get3A_13 = arith.constant 0 : index
    %get3A_14 = vector.load %arg2[%get3A_12, %get3A_13] : memref<2048x64xf32, #tpu.memory_space<vmem>>, vector<2048x64xf32>
    %add3A_15 = arith.addf %add3A, %get3A_14 : vector<2048x64xf32>
    %mul3A = vector.broadcast %get3A_1 : vector<2048x1xf32> to vector<2048x64xf32>
    %mul3A_16 = arith.mulf %add3A_15, %mul3A : vector<2048x64xf32>
    %get3A_17 = arith.constant 0 : index
    %get3A_18 = vector.load %arg4[%get3A_17] : memref<64xf32, #tpu.memory_space<vmem>>, vector<64xf32>
    %broadcast_in_dim3A = vector.shape_cast %get3A_18 : vector<64xf32> to vector<1x64xf32>
    %add3A_19 = vector.broadcast %broadcast_in_dim3A : vector<1x64xf32> to vector<2048x64xf32>
    %add3A_20 = arith.addf %mul3A_16, %add3A_19 : vector<2048x64xf32>
    %ge3A = arith.constant 0.000000e+00 : f32
    %ge3A_21 = vector.broadcast %ge3A : f32 to vector<2048x64xf32>
    %ge3A_22 = arith.cmpf oge, %add3A_20, %ge3A_21 : vector<2048x64xf32>
    %mul3A_23 = arith.constant 0.00999999977 : f32
    %mul3A_24 = vector.broadcast %mul3A_23 : f32 to vector<2048x64xf32>
    %mul3A_25 = arith.mulf %mul3A_24, %add3A_20 : vector<2048x64xf32>
    %select_n3A = arith.select %ge3A_22, %add3A_20, %mul3A_25 : vector<2048x64xi1>, vector<2048x64xf32>
    %get3A_26 = arith.constant 0 : index
    %get3A_27 = arith.constant 0 : index
    %get3A_28 = vector.load %arg5[%get3A_26, %get3A_27] : memref<64x32xf32, #tpu.memory_space<vmem>>, vector<64x32xf32>
    %dot_general3A = arith.constant dense<0.000000e+00> : vector<2048x32xf32>
    %dot_general3A_29 = tpu.matmul %select_n3A, %get3A_28, %dot_general3A {dimension_numbers = #tpu.dot_dimension_numbers<[1], [0], [0], [1], [0, 0, 1, 1], [], []>, transpose_lhs_hint = false} : vector<2048x64xf32>, vector<64x32xf32>, vector<2048x32xf32> -> vector<2048x32xf32>
    %mul3A_30 = vector.broadcast %get3A_1 : vector<2048x1xf32> to vector<2048x32xf32>
    %mul3A_31 = arith.mulf %dot_general3A_29, %mul3A_30 : vector<2048x32xf32>
    %swap3A = arith.constant 0 : index
    %swap3A_32 = arith.constant 0 : index
    %swap3A_33 = vector.load %arg6[%swap3A, %swap3A_32] : memref<2048x32xf32, #tpu.memory_space<vmem>>, vector<2048x32xf32>
    tpu.vector_store %arg6[%swap3A, %swap3A_32], %mul3A_31 {strides = array<i32>} : memref<2048x32xf32, #tpu.memory_space<vmem>>, vector<2048x32xf32>,
    return
  }
  func.func @transform_0(%arg0: i32) -> (i32, i32, i32) {
    %c0_i32 = arith.constant 0 : i32
    %c0_i32_0 = arith.constant 0 : i32
    %c0_i32_1 = arith.constant 0 : i32
    return %c0_i32, %arg0, %c0_i32_0 : i32, i32, i32
  }
  func.func @transform_1(%arg0: i32) -> (i32, i32) {
    %c0_i32 = arith.constant 0 : i32
    %c0_i32_0 = arith.constant 0 : i32
    return %arg0, %c0_i32 : i32, i32
  }
  func.func @transform_2(%arg0: i32) -> (i32, i32) {
    %c0_i32 = arith.constant 0 : i32
    %c0_i32_0 = arith.constant 0 : i32
    return %arg0, %c0_i32 : i32, i32
  }
  func.func @transform_3(%arg0: i32) -> i32 {
    %c0_i32 = arith.constant 0 : i32
    %c0_i32_0 = arith.constant 0 : i32
    return %c0_i32 : i32
  }
  func.func @transform_4(%arg0: i32) -> (i32, i32) {
    %c0_i32 = arith.constant 0 : i32
    %c0_i32_0 = arith.constant 0 : i32
    %c0_i32_1 = arith.constant 0 : i32
    return %c0_i32, %c0_i32_0 : i32, i32
  }
  func.func @transform_5(%arg0: i32) -> (i32, i32) {
    %c0_i32 = arith.constant 0 : i32
    %c0_i32_0 = arith.constant 0 : i32
    return %arg0, %c0_i32 : i32, i32
  }
}

module attributes {stable_mosaic.version = 14 : i64} {
  func.func @_tc_fin_body(%arg0: i32, %arg1: memref<2x2000x32xf32, #tpu.memory_space<vmem>>, %arg2: memref<2000x32xf32, #tpu.memory_space<vmem>>, %arg3: memref<2000x1xf32, #tpu.memory_space<vmem>>, %arg4: memref<32xf32, #tpu.memory_space<vmem>>, %arg5: memref<32x40xf32, #tpu.memory_space<vmem>>, %arg6: memref<40xf32, #tpu.memory_space<vmem>>, %arg7: memref<2000x40xf32, #tpu.memory_space<vmem>>) attributes {dimension_semantics = [#tpu.dimension_semantics<arbitrary>], iteration_bounds = array<i64: 5>, scalar_prefetch = 0 : i64, scratch_operands = 0 : i64, tpu.core_type = #tpu.core_type<tc>, window_params = [{transform_indices = @transform_0, window_bounds = array<i64: 2, 2000, 32>}, {transform_indices = @transform_1, window_bounds = array<i64: 2000, 32>}, {transform_indices = @transform_2, window_bounds = array<i64: 2000, 1>}, {pipeline_mode = #tpu.pipeline_mode<synchronous>, transform_indices = @transform_3, window_bounds = array<i64: 32>}, {pipeline_mode = #tpu.pipeline_mode<synchronous>, transform_indices = @transform_4, window_bounds = array<i64: 32, 40>}, {pipeline_mode = #tpu.pipeline_mode<synchronous>, transform_indices = @transform_5, window_bounds = array<i64: 40>}, {transform_indices = @transform_6, window_bounds = array<i64: 2000, 40>}]} {
    %get3A = arith.constant 0 : index
    %get3A_0 = arith.constant 0 : index
    %get3A_1 = vector.load %arg3[%get3A, %get3A_0] : memref<2000x1xf32, #tpu.memory_space<vmem>>, vector<2000x1xf32>
    %get3A_2 = arith.constant 0 : index
    %get3A_3 = arith.constant 0 : index
    %get3A_4 = arith.constant 0 : index
    %get3A_5 = vector.load %arg1[%get3A_2, %get3A_3, %get3A_4] : memref<2x2000x32xf32, #tpu.memory_space<vmem>>, vector<1x2000x32xf32>
    %get3A_6 = vector.shape_cast %get3A_5 : vector<1x2000x32xf32> to vector<2000x32xf32>
    %get3A_7 = arith.constant 1 : index
    %get3A_8 = arith.constant 0 : index
    %get3A_9 = arith.constant 0 : index
    %get3A_10 = vector.load %arg1[%get3A_7, %get3A_8, %get3A_9] : memref<2x2000x32xf32, #tpu.memory_space<vmem>>, vector<1x2000x32xf32>
    %get3A_11 = vector.shape_cast %get3A_10 : vector<1x2000x32xf32> to vector<2000x32xf32>
    %add3A = arith.addf %get3A_6, %get3A_11 : vector<2000x32xf32>
    %get3A_12 = arith.constant 0 : index
    %get3A_13 = arith.constant 0 : index
    %get3A_14 = vector.load %arg2[%get3A_12, %get3A_13] : memref<2000x32xf32, #tpu.memory_space<vmem>>, vector<2000x32xf32>
    %add3A_15 = arith.addf %add3A, %get3A_14 : vector<2000x32xf32>
    %mul3A = vector.broadcast %get3A_1 : vector<2000x1xf32> to vector<2000x32xf32>
    %mul3A_16 = arith.mulf %add3A_15, %mul3A : vector<2000x32xf32>
    %get3A_17 = arith.constant 0 : index
    %get3A_18 = vector.load %arg4[%get3A_17] : memref<32xf32, #tpu.memory_space<vmem>>, vector<32xf32>
    %broadcast_in_dim3A = vector.shape_cast %get3A_18 : vector<32xf32> to vector<1x32xf32>
    %add3A_19 = vector.broadcast %broadcast_in_dim3A : vector<1x32xf32> to vector<2000x32xf32>
    %add3A_20 = arith.addf %mul3A_16, %add3A_19 : vector<2000x32xf32>
    %ge3A = arith.constant 0.000000e+00 : f32
    %ge3A_21 = vector.broadcast %ge3A : f32 to vector<2000x32xf32>
    %ge3A_22 = arith.cmpf oge, %add3A_20, %ge3A_21 : vector<2000x32xf32>
    %mul3A_23 = arith.constant 0.00999999977 : f32
    %mul3A_24 = vector.broadcast %mul3A_23 : f32 to vector<2000x32xf32>
    %mul3A_25 = arith.mulf %mul3A_24, %add3A_20 : vector<2000x32xf32>
    %select_n3A = arith.select %ge3A_22, %add3A_20, %mul3A_25 : vector<2000x32xi1>, vector<2000x32xf32>
    %get3A_26 = arith.constant 0 : index
    %get3A_27 = arith.constant 0 : index
    %get3A_28 = vector.load %arg5[%get3A_26, %get3A_27] : memref<32x40xf32, #tpu.memory_space<vmem>>, vector<32x40xf32>
    %dot_general3A = arith.constant dense<0.000000e+00> : vector<2000x40xf32>
    %dot_general3A_29 = tpu.matmul %select_n3A, %get3A_28, %dot_general3A {dimension_numbers = #tpu.dot_dimension_numbers<[1], [0], [0], [1], [0, 0, 1, 1], [], []>, transpose_lhs_hint = false} : vector<2000x32xf32>, vector<32x40xf32>, vector<2000x40xf32> -> vector<2000x40xf32>
    %get3A_30 = arith.constant 0 : index
    %get3A_31 = vector.load %arg6[%get3A_30] : memref<40xf32, #tpu.memory_space<vmem>>, vector<40xf32>
    %broadcast_in_dim3A_32 = vector.shape_cast %get3A_31 : vector<40xf32> to vector<1x40xf32>
    %add3A_33 = vector.broadcast %broadcast_in_dim3A_32 : vector<1x40xf32> to vector<2000x40xf32>
    %add3A_34 = arith.addf %dot_general3A_29, %add3A_33 : vector<2000x40xf32>
    %swap3A = arith.constant 0 : index
    %swap3A_35 = arith.constant 0 : index
    %swap3A_36 = vector.load %arg7[%swap3A, %swap3A_35] : memref<2000x40xf32, #tpu.memory_space<vmem>>, vector<2000x40xf32>
    tpu.vector_store %arg7[%swap3A, %swap3A_35], %add3A_34 {strides = array<i32>} : memref<2000x40xf32, #tpu.memory_space<vmem>>, vector<2000x40xf32>,
    return
  }
  func.func @transform_0(%arg0: i32) -> (i32, i32, i32) {
    %c0_i32 = arith.constant 0 : i32
    %c0_i32_0 = arith.constant 0 : i32
    %c0_i32_1 = arith.constant 0 : i32
    return %c0_i32, %arg0, %c0_i32_0 : i32, i32, i32
  }
  func.func @transform_1(%arg0: i32) -> (i32, i32) {
    %c0_i32 = arith.constant 0 : i32
    %c0_i32_0 = arith.constant 0 : i32
    return %arg0, %c0_i32 : i32, i32
  }
  func.func @transform_2(%arg0: i32) -> (i32, i32) {
    %c0_i32 = arith.constant 0 : i32
    %c0_i32_0 = arith.constant 0 : i32
    return %arg0, %c0_i32 : i32, i32
  }
  func.func @transform_3(%arg0: i32) -> i32 {
    %c0_i32 = arith.constant 0 : i32
    %c0_i32_0 = arith.constant 0 : i32
    return %c0_i32 : i32
  }
  func.func @transform_4(%arg0: i32) -> (i32, i32) {
    %c0_i32 = arith.constant 0 : i32
    %c0_i32_0 = arith.constant 0 : i32
    %c0_i32_1 = arith.constant 0 : i32
    return %c0_i32, %c0_i32_0 : i32, i32
  }
  func.func @transform_5(%arg0: i32) -> i32 {
    %c0_i32 = arith.constant 0 : i32
    %c0_i32_0 = arith.constant 0 : i32
    return %c0_i32 : i32
  }
  func.func @transform_6(%arg0: i32) -> (i32, i32) {
    %c0_i32 = arith.constant 0 : i32
    %c0_i32_0 = arith.constant 0 : i32
    return %arg0, %c0_i32 : i32, i32
  }
}

</mosaic_0001>

<sc_bundles>
// kernel: kernel.10.cloned.1.call-start
scs
__scs_entry_jumppad:
0x0: {  	(pc) =	sbr.rel $0x88, $3  }
0x1: {  	(tag) =	ssettag $0x0;
	lr =	simm.s32 $0x1  }
0x2: {  	[smem:$0x3F97] =	sst lr;
	_ =	strace $0xD0000000  }
0x3: {  	_ = 	snop  }
0x4: {  	_ = 	snop  }
0x5: {  	_ = 	snop  }
0x6: {  	_ = 	snop  }
0x7: {  	_ = 	snop  }
__scs_overlays_trampoline_lowered:
0x8: {  	[smem:$0x3FA6] =	sst s0  }
0x9: {  	[smem:$0x3FA7] =	sst s1  }
0xa: {  	[smem:$0x3FA8] =	sst s2  }
0xb: {  	[smem:$0x3FA9] =	sst s3  }
0xc: {  	[smem:$0x3FAA] =	sst s4  }
0xd: {  	[smem:$0x3FAB] =	sst s5  }
0xe: {  	[smem:$0x3FAC] =	sst s6  }
0xf: {  	[smem:$0x3FAD] =	sst s7  }
0x10: {  	[smem:$0x3FAE] =	sst s8  }
0x11: {  	[smem:$0x3FAF] =	sst s9;
	s0 =	simm.s32 @!p0 $0x0  }
0x12: {  	s1 =	sld [smem:$0x3F95];
	s0 =	simm.s32 @p0 $0x1  }
0x13: {  	[smem:$0x3FB0] =	sst s0;
	s0 =	simm.s32 @!p1 $0x0  }
0x14: {  	s2 =	sld [smem:$0x3F94];
	s0 =	simm.s32 @p1 $0x1  }
0x15: {  	[smem:$0x3FB1] =	sst s0;
	s0 =	simm.s32 @!p2 $0x0  }
0x16: {  	s3 =	sld [smem:$0x3FDB];
	s0 =	simm.s32 @p2 $0x1  }
0x17: {  	s4 =	simm.s32 $0x1BF5;
	[smem:$0x3FB3] =	sst s0  }
0x18: {  	s0 =	sld [smem:$0x3F96];
	_ =	swait.ge [sflag:s4], $0x0  }
0x19: {  	s7 =	sld [smem:$0x3F97]  }
0x1a: {  	s8 =	sadd.s32 $0xFFFFE003, lr  }
0x1b: {  	s9 =	sadd.s32 $0xFFFFFEF7, lr;
	s5 =	simm.s32 $0xFFFFFFFF;
	p2 =	slt.u32 s8, $0xFFFFF086  }
0x1c: {  	p1 =	slt.u32 s9, $0xF7A;
	s5 =	simm.s32 @!p2 $0x0  }
0x1d: {  	s5 =	simm.s32 @p1 $0x1;
	p0 =	seq.s32 s7, s2  }
0x1e: {  	s7 =	smul.u32 @!p0 $0xF7A, s2;
	p2 =	seq.s32 @!p0 s5, $0x0  }
0x1f: {  	s9 =	smul.u32 $0xF7A, s1;
	s8 =	simm.s32 @!p0 $0x1BF5;
	p2 =	por !p2, p0  }
0x20: {  	[sflag:s8] =	ssyncset.s32 @!p0 $0xFFFFF086;
	s6 =	sadd.s32 @!p0 s3, s7;
	s7 =	simm.s32 @!p0 $0x108  }
0x21: {  	s3 =	sadd.s32 s3, s9;
	s6 =	sadd.s32 @!p0 $0x88, s6;
	s7 =	simm.s32 @p2 $0x1082  }
0x22: {  	[simem:s7], [sflag:s8] =	dma.local @!p0 [hbm:s6], $0xF7A  }
0x23: {  	s9 =	sor.u32 $0xD0000000, s2;
	s6 =	simm.s32 $0x108;
	_ =	swait.ge @!p0 [sflag:s8], $0x0  }
0x24: {  	s3 =	sadd.s32 $0x88, s3;
	s6 =	simm.s32 @!p1 $0x1082;
	[sflag:s4] =	ssyncset.s32 $0xFFFFF086  }
0x25: {  	[simem:s6], [sflag:s4] =	dma.local [hbm:s3], $0xF7A  }
0x26: {  	[smem:$0x3F97] =	sst s1;
	(tag) =	ssettag s2;
	_ =	strace s9  }
0x27: {  	s1 =	sld [smem:$0x3FA7]  }
0x28: {  	s2 =	sld [smem:$0x3FA8]  }
0x29: {  	s4 =	sld [smem:$0x3FAA]  }
0x2a: {  	p0 =	seq.s32 s5, $0x0;
	s5 =	sld [smem:$0x3FAB]  }
0x2b: {  	s6 =	sld [smem:$0x3FAC]  }
0x2c: {  	s7 =	sld [smem:$0x3FAD]  }
0x2d: {  	s3 =	simm.s32 $0x108;
	s8 =	sld [smem:$0x3FAE]  }
0x2e: {  	s3 =	simm.s32 @!p0 $0x1082;
	s9 =	sld [smem:$0x3FAF]  }
0x2f: {  	lr =	sadd.s32 s0, s3;
	s0 =	sld [smem:$0x3FA6]  }
0x30: {  	s3 =	sld [smem:$0x3FA9]  }
0x31: {  	[smem:$0x3FB2] =	sst s10  }
0x32: {  	s10 =	sld [smem:$0x3FB0];
	_ =	sdelay $0x3  }
0x33: {  	p0 =	seq.s32 s10, $0x1;
	s10 =	sld [smem:$0x3FB2];
	_ =	sdelay $0x3  }
0x34: {  	[smem:$0x3FB2] =	sst s10  }
0x35: {  	s10 =	sld [smem:$0x3FB1];
	_ =	sdelay $0x3  }
0x36: {  	p1 =	seq.s32 s10, $0x1;
	s10 =	sld [smem:$0x3FB2];
	_ =	sdelay $0x3  }
0x37: {  	[smem:$0x3FB2] =	sst s10  }
0x38: {  	s10 =	sld [smem:$0x3FB3]  }
0x39: {  	_ = 	snop;
	(pc) =	sbr.ind lr, $3  }
0x3a: {  	_ = 	snop  }
0x3b: {  	_ = 	snop  }
0x3c: {  	p2 =	seq.s32 s10, $0x1;
	s10 =	sld [smem:$0x3FB2]  }
0x3d: {  	_ =	shalt  }
0x3e: {  	_ =	shalt  }
0x3f: {  	_ =	shalt  }
0x40: {  	_ =	shalt  }
0x41: {  	_ =	shalt  }
0x42: {  	_ =	shalt  }
0x43: {  	_ =	shalt  }
0x44: {  	_ =	shalt  }
0x45: {  	_ =	shalt  }
0x46: {  	_ =	shalt  }
0x47: {  	_ =	shalt  }
0x48: {  	_ =	shalt  }
0x49: {  	_ =	shalt  }
0x4a: {  	_ =	shalt  }
0x4b: {  	_ =	shalt  }
0x4c: {  	_ =	shalt  }
0x4d: {  	_ =	shalt  }
0x4e: {  	_ =	shalt  }
0x4f: {  	_ =	shalt  }
0x50: {  	_ =	shalt  }
0x51: {  	_ =	shalt  }
0x52: {  	_ =	shalt  }
0x53: {  	_ =	shalt  }
0x54: {  	_ =	shalt  }
0x55: {  	_ =	shalt  }
0x56: {  	_ =	shalt  }
0x57: {  	_ =	shalt  }
0x58: {  	_ =	shalt  }
0x59: {  	_ =	shalt  }
0x5a: {  	_ =	shalt  }
0x5b: {  	_ =	shalt  }
0x5c: {  	_ =	shalt  }
0x5d: {  	_ =	shalt  }
0x5e: {  	_ =	shalt  }
0x5f: {  	_ =	shalt  }
0x60: {  	_ =	shalt  }
0x61: {  	_ =	shalt  }
0x62: {  	_ =	shalt  }
0x63: {  	_ =	shalt  }
0x64: {  	_ =	shalt  }
0x65: {  	_ =	shalt  }
0x66: {  	_ =	shalt  }
0x67: {  	_ =	shalt  }
0x68: {  	_ =	shalt  }
0x69: {  	_ =	shalt  }
0x6a: {  	_ =	shalt  }
0x6b: {  	_ =	shalt  }
0x6c: {  	_ =	shalt  }
0x6d: {  	_ =	shalt  }
0x6e: {  	_ =	shalt  }
0x6f: {  	_ =	shalt  }
0x70: {  	_ =	shalt  }
0x71: {  	_ =	shalt  }
0x72: {  	_ =	shalt  }
0x73: {  	_ =	shalt  }
0x74: {  	_ =	shalt  }
0x75: {  	_ =	shalt  }
0x76: {  	_ =	shalt  }
0x77: {  	_ =	shalt  }
0x78: {  	_ =	shalt  }
0x79: {  	_ =	shalt  }
0x7a: {  	_ =	shalt  }
0x7b: {  	_ =	shalt  }
0x7c: {  	_ =	shalt  }
0x7d: {  	_ =	shalt  }
0x7e: {  	_ =	shalt  }
0x7f: {  	_ =	shalt  }
0x80: {  	_ =	shalt  }
0x81: {  	_ =	shalt  }
0x82: {  	_ =	shalt  }
0x83: {  	_ =	shalt  }
0x84: {  	_ =	shalt  }
0x85: {  	_ =	shalt  }
0x86: {  	_ =	shalt  }
0x87: {  	_ =	shalt  }
.Lfunc_end0:
.L_simem_size_0:
called_computation_lowered:
.L_overlay_start_0:
0x88: {  	s2 =	sld [smem:$0x3FD9]  }
0x89: {  	s3 =	sld [smem:$0x3FFE];
	_ =	sdelay $0x1  }
0x8a: {  	s1 =	srdreg.scid  }
0x8b: {  	s0 =	sand.u32 $0x1, s1  }
0x8c: {  	s17 =	sshll.u32 s0, $0xA;
	s2 =	sadd.s32 s3, s2  }
0x8d: {  	s2 =	sadd.s32 s2, s17  }
0x8e: {  	[smem:$0x3FBE] =	sst s2  }
0x8f: {  	_ = 	snop  }
0x90: {  	s2 =	sld [smem:$0x3FD0];
	(tm) =	ssettm $0x1  }
0x91: {  	s18 =	sld [smem:$0x3FFB];
	_ =	sdelay $0x3  }
0x92: {  	_ =	strace s18  }
0x93: {  	s3 =	sld [smem:$0x3FFC];
	_ =	sdelay $0x3  }
0x94: {  	_ =	strace s3  }
0x95: {  	s3 =	sld [smem:$0x3FFD];
	_ =	sdelay $0x3  }
0x96: {  	_ =	strace s3  }
0x97: {  	_ =	strace $0x8FFFFFFF  }
0x98: {  	s19 =	sld [smem:$0x3FDB];
	_ =	sdelay $0x1  }
0x99: {  	s4 =	simm.s32 $_scs_section_size  }
0x9a: {  	s5 =	simm.s32 $_size__tile_overlayer_lowered;
	s6 =	simm.s32 $_tile_overlayer_lowered  }
0x9b: {  	s22 =	simm.s32 $0x1BFF;
	s21 =	sshll.u32 s6, $0x1;
	s3 =	sadd.s32 s4, s19  }
0x9c: {  	s7 =	simm.s32 $0x0;
	s20 =	sshll.u32 s5, $0x1;
	s5 =	sadd.s32 s21, s3  }
0x9d: {  	[timem:s7], [sflag:s22] =	dma.local [hbm:s5], s20  }
0x9e: {  	_ =	swait.ge [sflag:s22], s20  }
0x9f: {  	s4 =	ssub.s32 $0x0, s20;
	[sflag:s22] =	ssyncset.done $0x0  }
0xa0: {  	[sflag:s22] =	ssyncadd.s32 s4;
	_ =	sdelay $0x1  }
0xa1: {  	s23 =	simm.s32 $0x1B8B  }
0xa2: {  	_ =	swait.ge [sflag:s23], $0x1  }
0xa3: {  	[sflag:s23] =	ssyncset.done $0x0  }
0xa4: {  	s25 =	simm.s32 $0x1B8E;
	s24 =	sld [smem:$0x3FFE];
	[sflag:s23] =	ssyncadd.s32 $0xFFFFFFFF  }
0xa5: {  	s26 =	simm.s32 $execute0_lowered;
	[smem:$0x3FD2] =	sst s25  }
0xa6: {  	s5 =	sshll.u32 s26, $0x1;
	_ =	strace $0x80000046;
	[dreg:$0x1] =	wrdreg $0xFFFFFFFF  }
0xa7: {  	s28 =	simm.s32 $_size_execute0_lowered;
	s3 =	sadd.s32 s3, s5;
	[dreg:$0x0] =	wrdreg $0x0  }
0xa8: {  	s5 =	sshll.u32 s28, $0x1;
	[dreg:$0x2] =	wrdreg s3  }
0xa9: {  	[dreg:$0x3] =	wrdreg s5  }
0xaa: {  	[dreg:$0x4] =	wrdreg $0xC0  }
0xab: {  	_ =	task [dreg:s7], $0x5FFFF  }
0xac: {  	[dreg:$0x1] =	wrdreg $0xFFFFFFFF  }
0xad: {  	[dreg:$0x0] =	wrdreg $0x60  }
0xae: {  	[dreg:$0x2] =	wrdreg s24  }
0xaf: {  	[dreg:$0x3] =	wrdreg s2  }
0xb0: {  	[dreg:$0x4] =	wrdreg $0x37800  }
0xb1: {  	[dreg:$0x5] =	wrdreg $0x9  }
0xb2: {  	_ =	task.clear_ibuf [dreg:s7], $0x6FFFF;
	_ =	strace $0x90000046  }
0xb3: {  	s29 =	simm.s32 $0x9;
	_ =	strace $0x80000048  }
0xb4: {  	_ =	swait.ge [sflag:s29], $0x1  }
0xb5: {  	[sflag:s29] =	ssyncadd.s32 $0xFFFFFFFF  }
0xb6: {  	_ =	strace $0x90000048  }
0xb7: {  	_ =	sfence  }
0xb8: {  	s30 =	sld [smem:$0x0];
	_ =	sdelay $0x2  }
0xb9: {  	s31 =	sshll.u32 s1, $0xD;
	s1 =	sshrl.u32 s1, $0x2  }
0xba: {  	s3 =	sand.u32 $0x4000, s31;
	s1 =	sadd.s32 s1, s30  }
0xbb: {  	s0 =	sor.u32 s3, s0;
	s1 =	sshll.u32 s1, $0x11  }
0xbc: {  	s0 =	sor.u32 s1, s0  }
0xbd: {  	s0 =	sadd.s32 $0x8F2B, s0  }
0xbe: {  	[sflag:s0] =	ssyncadd.remote.s32 $0x1  }
0xbf: {  	_ =	sfence.sel $0xFFFF  }
0xc0: {  	[dreg:$0x0] =	wrdreg $0xFFFFFFFF;
	(pc) =	sbr.abs _section_cstart, $3  }
0xc1: {  	[dreg:$0x1] =	wrdreg $0xFFFFFFFF  }
0xc2: {  	_ =	task.clear_ibuf [dreg:s7], $0x2FFFF;
	_ =	strace $0x9FFFFFFF  }
0xc3: {  	(tm) =	ssettm $0x7FFFFFFF  }
tec
execute0_lowered:
.L_overlay_start_1:
0x0: {  	(tag) =	ssettag $0x1  }
0x1: {  	s4 =	rddreg [dreg:$0x0]  }
0x2: {  	s14 =	rddreg [dreg:$0x1];
	s0 =	srdreg.scid  }
0x3: {  	s2 =	rddreg [dreg:$0x2];
	s1 =	stileid.u32  }
0x4: {  	s3 =	simm.s32 $0x0;
	s19 =	simm.s32 $0x2780;
	s7 =	smul.u32 $0x4F0, s1  }
0x5: {  	s6 =	sand.u32 $0x1, s0;
	s0 =	rddreg [dreg:$0x3];
	s9 =	smul.u32 $0x2800, s1  }
0x6: {  	s20 =	simm.s32 $0x0;
	[smem:$0x7FF] =	sst s3;
	s5 =	smul.u32 $0x4F00, s6  }
0x7: {  	s30 =	ssub.s32 $0x2, s6;
	_ =	strace $0x80000047;
	s13 =	smul.u32 $0x28000, s6  }
0x8: {  	s31 =	sshrl.u32 s30, $0x1;
	s10 =	sadd.s32 $0x800, s9;
	s12 =	sadd.s32 $0x1000, s9  }
0x9: {  	s16 =	sadd.s32 $0x1800, s9;
	s17 =	sadd.s32 $0x2000, s9;
	s5 =	sadd.s32 s7, s5  }
0xa: {  	s15 =	ssub.s32 s30, s31;
	s6 =	sadd.s32 s10, s2;
	s7 =	sadd.s32 s12, s2  }
0xb: {  	s8 =	sadd.s32 s16, s2;
	s11 =	sadd.s32 s9, s13;
	s10 =	sadd.s32 s13, s10  }
0xc: {  	s12 =	sadd.s32 s13, s12;
	s16 =	sadd.s32 s13, s16;
	s13 =	sadd.s32 s13, s17  }
0xd: {  	s4 =	sadd.s32 s5, s4;
	s5 =	sadd.s32 s9, s2;
	s11 =	sshrl.u32 s11, $0x3  }
0xe: {  	s18 =	sshrl.u32 s10, $0x3;
	s9 =	sadd.s32 s17, s2;
	s12 =	sshrl.u32 s12, $0x3  }
0xf: {  	s16 =	sshrl.u32 s16, $0x3;
	s17 =	sshrl.u32 s13, $0x3;
	s15 =	smax.u32 s15, $0x1  }
0x10: {  	s4 =	sadd.s32 $0x2200, s4;
	s10 =	sadd.s32 s14, s11;
	s11 =	sadd.s32 s14, s18  }
0x11: {  	s12 =	sadd.s32 s14, s12;
	s13 =	sadd.s32 s14, s16;
	s14 =	sadd.s32 s14, s17  }
0x12: {  	v0 =	vimm.f32 $1.000000000e+00;
	v1 =	vimm.f32 $0.0e+00;
	s16 =	simm.s32 $0x1;
	s17 =	simm.s32 $0x2F80;
	s18 =	simm.s32 $0x80  }
.LBB2_1:
0x13: {  	[tilespmem:s3], [sflag:$0x1] =	stream.linear.gather [hbm4b:s4+s3], $0x2780, $0x38;
	[tilespmem:$0x5F80] =	vst v63  }
0x14: {  	_ =	swait.ge [sflag:s16], $0x2780  }
0x15: {  	[sflag:s16] =	ssyncset.done $0x0  }
0x16: {  	s21 =	simm.s32 $0x40;
	s22 =	simm.s32 $0x0;
	[sflag:s16] =	ssyncadd.s32 $0xFFFFD880  }
.LBB2_2:
0x17: {  	p0 =	sne.s32 s21, $0x1FC0;
	[tilespmem:s22+$0x2780] =	vst v0;
	s23 =	smov.u32 s21;
	s21 =	sadd.s32 $0x40, s21  }
.Ltmp0:
0x18: {  	[tilespmem:s22+$0x2F80] =	vst v1;
	(pc) =	sbr.rel @p0 .LBB2_2-.Ltmp0, $2  }
0x19: {  	_ =	sdelay $0x2  }
0x1a: {  	s22 =	sshra.s32 s23, $0x2  }
0x1b: {  	[tilespmem:s22+$0x2780] =	vst v0  }
0x1c: {  	[tilespmem:s22+$0x2F80] =	vst v1  }
0x1d: {  	[spmem:s5] =	stream.linear.scatter [tilespmem:s17], [sflag:$0x1], $0x800, $0x38;
	[tilespmem:$0x5F80] =	vst v63  }
0x1e: {  	_ =	swait.ge [sflag:s16], $0x800  }
0x1f: {  	[sflag:s16] =	ssyncset.done $0x0  }
0x20: {  	[sflag:s16] =	ssyncadd.s32 $0xFFFFF800  }
0x21: {  	[spmem:s6] =	stream.linear.scatter [tilespmem:s17], [sflag:$0x1], $0x800, $0x38;
	[tilespmem:$0x5F80] =	vst v63  }
0x22: {  	_ =	swait.ge [sflag:s16], $0x800  }
0x23: {  	[sflag:s16] =	ssyncset.done $0x0  }
0x24: {  	[sflag:s16] =	ssyncadd.s32 $0xFFFFF800  }
0x25: {  	[spmem:s7] =	stream.linear.scatter [tilespmem:s17], [sflag:$0x1], $0x800, $0x38;
	[tilespmem:$0x5F80] =	vst v63  }
0x26: {  	_ =	swait.ge [sflag:s16], $0x800  }
0x27: {  	[sflag:s16] =	ssyncset.done $0x0  }
0x28: {  	[sflag:s16] =	ssyncadd.s32 $0xFFFFF800  }
0x29: {  	[spmem:s8] =	stream.linear.scatter [tilespmem:s17], [sflag:$0x1], $0x800, $0x38;
	[tilespmem:$0x5F80] =	vst v63  }
0x2a: {  	_ =	swait.ge [sflag:s16], $0x800  }
0x2b: {  	[sflag:s16] =	ssyncset.done $0x0  }
0x2c: {  	[sflag:s16] =	ssyncadd.s32 $0xFFFFF800  }
0x2d: {  	[spmem:s9] =	stream.linear.scatter [tilespmem:s17], [sflag:$0x1], $0x800, $0x38;
	[tilespmem:$0x5F80] =	vst v63  }
0x2e: {  	_ =	swait.ge [sflag:s16], $0x800  }
0x2f: {  	[sflag:s16] =	ssyncset.done $0x0  }
0x30: {  	[sflag:s16] =	ssyncadd.s32 $0xFFFFF800  }
0x31: {  	s21 =	simm.s32 $0x0;
	[bflag:$0x0] =	sbarrier.arrive $0xFFFF  }
0x32: {  	[spmem:s2] =	stream.indirect.scatter.add.f32 [tilespmem:s19], [sflag:$0x1], $0x10, s21, s18, $0xb8;
	[tilespmem:$0x5F80] =	vst v63  }
0x33: {  	_ =	swait.ge [sflag:s16], $0x800  }
0x34: {  	s21 =	simm.s32 $0x200;
	[sflag:s16] =	ssyncset.done $0x0  }
.LBB2_4:
0x35: {  	s22 =	sshra.s32 s21, $0x2;
	[sflag:s16] =	ssyncadd.s32 $0xFFFFF800;
	p0 =	sne.s32 s21, $0x9C00  }
0x36: {  	[spmem:s2] =	stream.indirect.scatter.add.f32 [tilespmem:s19], [sflag:$0x1], $0x10, s22, s18, $0xb8;
	[tilespmem:$0x5F80] =	vst v63  }
.Ltmp1:
0x37: {  	_ = 	snop;
	(pc) =	sbr.rel @p0 .LBB2_4-.Ltmp1, $4  }
0x38: {  	_ = 	snop  }
0x39: {  	s21 =	sadd.s32 $0x200, s21  }
0x3a: {  	_ =	swait.ge [sflag:s16], $0x800  }
0x3b: {  	[sflag:s16] =	ssyncset.done $0x0  }
0x3c: {  	[sflag:s16] =	ssyncadd.s32 $0xFFFFF800  }
0x3d: {  	[bflag:$0x0] =	sbarrier.arrive $0xFFFF  }
0x3e: {  	[tilespmem:s17], [sflag:$0x1] =	stream.linear.gather [spmem:s5], $0x800, $0x38;
	[tilespmem:$0x5F80] =	vst v63  }
0x3f: {  	_ =	swait.ge [sflag:s16], $0x800  }
0x40: {  	[sflag:s16] =	ssyncset.done $0x0  }
0x41: {  	[sflag:s16] =	ssyncadd.s32 $0xFFFFF800  }
0x42: {  	[hbm4b:s10+s3] =	stream.linear.scatter [tilespmem:s17], [sflag:$0x1], $0x800, $0x38;
	[tilespmem:$0x5F80] =	vst v63  }
0x43: {  	_ =	swait.ge [sflag:s16], $0x800  }
0x44: {  	[sflag:s16] =	ssyncset.done $0x0  }
0x45: {  	[sflag:s16] =	ssyncadd.s32 $0xFFFFF800  }
0x46: {  	[tilespmem:s17], [sflag:$0x1] =	stream.linear.gather [spmem:s6], $0x800, $0x38;
	[tilespmem:$0x5F80] =	vst v63  }
0x47: {  	_ =	swait.ge [sflag:s16], $0x800  }
0x48: {  	[sflag:s16] =	ssyncset.done $0x0  }
0x49: {  	[sflag:s16] =	ssyncadd.s32 $0xFFFFF800  }
0x4a: {  	[hbm4b:s11+s3] =	stream.linear.scatter [tilespmem:s17], [sflag:$0x1], $0x800, $0x38;
	[tilespmem:$0x5F80] =	vst v63  }
0x4b: {  	_ =	swait.ge [sflag:s16], $0x800  }
0x4c: {  	[sflag:s16] =	ssyncset.done $0x0  }
0x4d: {  	[sflag:s16] =	ssyncadd.s32 $0xFFFFF800  }
0x4e: {  	[tilespmem:s17], [sflag:$0x1] =	stream.linear.gather [spmem:s7], $0x800, $0x38;
	[tilespmem:$0x5F80] =	vst v63  }
0x4f: {  	_ =	swait.ge [sflag:s16], $0x800  }
0x50: {  	[sflag:s16] =	ssyncset.done $0x0  }
0x51: {  	[sflag:s16] =	ssyncadd.s32 $0xFFFFF800  }
0x52: {  	[hbm4b:s12+s3] =	stream.linear.scatter [tilespmem:s17], [sflag:$0x1], $0x800, $0x38;
	[tilespmem:$0x5F80] =	vst v63  }
0x53: {  	_ =	swait.ge [sflag:s16], $0x800  }
0x54: {  	[sflag:s16] =	ssyncset.done $0x0  }
0x55: {  	[sflag:s16] =	ssyncadd.s32 $0xFFFFF800  }
0x56: {  	[tilespmem:s17], [sflag:$0x1] =	stream.linear.gather [spmem:s8], $0x800, $0x38;
	[tilespmem:$0x5F80] =	vst v63  }
0x57: {  	_ =	swait.ge [sflag:s16], $0x800  }
0x58: {  	[sflag:s16] =	ssyncset.done $0x0  }
0x59: {  	[sflag:s16] =	ssyncadd.s32 $0xFFFFF800  }
0x5a: {  	[hbm4b:s13+s3] =	stream.linear.scatter [tilespmem:s17], [sflag:$0x1], $0x800, $0x38;
	[tilespmem:$0x5F80] =	vst v63  }
0x5b: {  	_ =	swait.ge [sflag:s16], $0x800  }
0x5c: {  	[sflag:s16] =	ssyncset.done $0x0  }
0x5d: {  	[sflag:s16] =	ssyncadd.s32 $0xFFFFF800  }
0x5e: {  	[tilespmem:s17], [sflag:$0x1] =	stream.linear.gather [spmem:s9], $0x800, $0x38;
	[tilespmem:$0x5F80] =	vst v63  }
0x5f: {  	s20 =	sadd.s32 $0x1, s20;
	_ =	swait.ge [sflag:s16], $0x800  }
0x60: {  	p0 =	sne.s32 s20, s15;
	[sflag:s16] =	ssyncset.done $0x0  }
.Ltmp2:
0x61: {  	[sflag:s16] =	ssyncadd.s32 $0xFFFFF800;
	(pc) =	sbr.rel @p0 .LBB2_1-.Ltmp2, $4  }
0x62: {  	[hbm4b:s14+s3] =	stream.linear.scatter [tilespmem:s17], [sflag:$0x1], $0x800, $0x38;
	[tilespmem:$0x5F80] =	vst v63  }
0x63: {  	_ =	swait.ge [sflag:s16], $0x800  }
0x64: {  	[sflag:s16] =	ssyncset.done $0x0  }
0x65: {  	[sflag:s16] =	ssyncadd.s32 $0xFFFFF800  }
0x66: {  	_ =	sfence.sel $0x180000  }
0x67: {  	[bflag:$0x0] =	sbarrier.arrive $0xFFFF  }
0x68: {  	p0 =	sne.s32 s1, $0x0;
	_ =	strace $0x90000047  }
0x69: {  	s0 =	sadd.s32 @!p0 $0x100000, s0;
	[bflag:$0x2] =	sbarrier.arrive $0xFFFF  }
0x6a: {  	[sflag:s0] =	ssyncadd.tile.s32 @!p0 $0x1;
	_ =	shalt  }
.Lfunc_end2:
_tile_overlayer_lowered:
.L_overlay_start_2:
0x6b: {  	(tag) =	ssettag $0x2  }
0x6c: {  	s0 =	rddreg [dreg:$0x0];
	s2 =	stileid.u32  }
0x6d: {  	s1 =	rddreg [dreg:$0x1];
	p0 =	sne.s32 s2, $0x0  }
0x6e: {  	s3 =	rddreg [dreg:$0x2];
	[bflag:$0x3] =	sbarrier.arrive $0xFFFF;
	s2 =	simm.s32 @!p0 $0x1C01  }
0x6f: {  	[timem:s3], [sflag:s2] =	dma.local @!p0 [hbm:s0], s1  }
0x70: {  	s0 =	simm.s32 @!p0 $0x1  }
0x71: {  	_ =	swait.ge @!p0 [sflag:s0], s1  }
0x72: {  	s1 =	ssub.s32 @!p0 $0x0, s1;
	[sflag:s0] =	ssyncset.done @!p0 $0x0  }
0x73: {  	[sflag:s0] =	ssyncadd.s32 @!p0 s1  }
0x74: {  	[bflag:$0x3] =	sbarrier.arrive $0xFFFF  }
0x75: {  	_ =	shalt  }

// kernel: kernel.13.cloned.1.call-start
scs
__scs_entry_jumppad:
0x0: {  	(pc) =	sbr.rel $0x88, $3  }
0x1: {  	(tag) =	ssettag $0x0;
	lr =	simm.s32 $0x1  }
0x2: {  	[smem:$0x3F97] =	sst lr;
	_ =	strace $0xD0000000  }
0x3: {  	_ = 	snop  }
0x4: {  	_ = 	snop  }
0x5: {  	_ = 	snop  }
0x6: {  	_ = 	snop  }
0x7: {  	_ = 	snop  }
__scs_overlays_trampoline_lowered:
0x8: {  	[smem:$0x3FA6] =	sst s0  }
0x9: {  	[smem:$0x3FA7] =	sst s1  }
0xa: {  	[smem:$0x3FA8] =	sst s2  }
0xb: {  	[smem:$0x3FA9] =	sst s3  }
0xc: {  	[smem:$0x3FAA] =	sst s4  }
0xd: {  	[smem:$0x3FAB] =	sst s5  }
0xe: {  	[smem:$0x3FAC] =	sst s6  }
0xf: {  	[smem:$0x3FAD] =	sst s7  }
0x10: {  	[smem:$0x3FAE] =	sst s8  }
0x11: {  	[smem:$0x3FAF] =	sst s9;
	s0 =	simm.s32 @!p0 $0x0  }
0x12: {  	s1 =	sld [smem:$0x3F95];
	s0 =	simm.s32 @p0 $0x1  }
0x13: {  	[smem:$0x3FB0] =	sst s0;
	s0 =	simm.s32 @!p1 $0x0  }
0x14: {  	s2 =	sld [smem:$0x3F94];
	s0 =	simm.s32 @p1 $0x1  }
0x15: {  	[smem:$0x3FB1] =	sst s0;
	s0 =	simm.s32 @!p2 $0x0  }
0x16: {  	s3 =	sld [smem:$0x3FDB];
	s0 =	simm.s32 @p2 $0x1  }
0x17: {  	s4 =	simm.s32 $0x1BF5;
	[smem:$0x3FB3] =	sst s0  }
0x18: {  	s0 =	sld [smem:$0x3F96];
	_ =	swait.ge [sflag:s4], $0x0  }
0x19: {  	s7 =	sld [smem:$0x3F97]  }
0x1a: {  	s8 =	sadd.s32 $0xFFFFE003, lr  }
0x1b: {  	s9 =	sadd.s32 $0xFFFFFEF7, lr;
	s5 =	simm.s32 $0xFFFFFFFF;
	p2 =	slt.u32 s8, $0xFFFFF086  }
0x1c: {  	p1 =	slt.u32 s9, $0xF7A;
	s5 =	simm.s32 @!p2 $0x0  }
0x1d: {  	s5 =	simm.s32 @p1 $0x1;
	p0 =	seq.s32 s7, s2  }
0x1e: {  	s7 =	smul.u32 @!p0 $0xF7A, s2;
	p2 =	seq.s32 @!p0 s5, $0x0  }
0x1f: {  	s9 =	smul.u32 $0xF7A, s1;
	s8 =	simm.s32 @!p0 $0x1BF5;
	p2 =	por !p2, p0  }
0x20: {  	[sflag:s8] =	ssyncset.s32 @!p0 $0xFFFFF086;
	s6 =	sadd.s32 @!p0 s3, s7;
	s7 =	simm.s32 @!p0 $0x108  }
0x21: {  	s3 =	sadd.s32 s3, s9;
	s6 =	sadd.s32 @!p0 $0x88, s6;
	s7 =	simm.s32 @p2 $0x1082  }
0x22: {  	[simem:s7], [sflag:s8] =	dma.local @!p0 [hbm:s6], $0xF7A  }
0x23: {  	s9 =	sor.u32 $0xD0000000, s2;
	s6 =	simm.s32 $0x108;
	_ =	swait.ge @!p0 [sflag:s8], $0x0  }
0x24: {  	s3 =	sadd.s32 $0x88, s3;
	s6 =	simm.s32 @!p1 $0x1082;
	[sflag:s4] =	ssyncset.s32 $0xFFFFF086  }
0x25: {  	[simem:s6], [sflag:s4] =	dma.local [hbm:s3], $0xF7A  }
0x26: {  	[smem:$0x3F97] =	sst s1;
	(tag) =	ssettag s2;
	_ =	strace s9  }
0x27: {  	s1 =	sld [smem:$0x3FA7]  }
0x28: {  	s2 =	sld [smem:$0x3FA8]  }
0x29: {  	s4 =	sld [smem:$0x3FAA]  }
0x2a: {  	p0 =	seq.s32 s5, $0x0;
	s5 =	sld [smem:$0x3FAB]  }
0x2b: {  	s6 =	sld [smem:$0x3FAC]  }
0x2c: {  	s7 =	sld [smem:$0x3FAD]  }
0x2d: {  	s3 =	simm.s32 $0x108;
	s8 =	sld [smem:$0x3FAE]  }
0x2e: {  	s3 =	simm.s32 @!p0 $0x1082;
	s9 =	sld [smem:$0x3FAF]  }
0x2f: {  	lr =	sadd.s32 s0, s3;
	s0 =	sld [smem:$0x3FA6]  }
0x30: {  	s3 =	sld [smem:$0x3FA9]  }
0x31: {  	[smem:$0x3FB2] =	sst s10  }
0x32: {  	s10 =	sld [smem:$0x3FB0];
	_ =	sdelay $0x3  }
0x33: {  	p0 =	seq.s32 s10, $0x1;
	s10 =	sld [smem:$0x3FB2];
	_ =	sdelay $0x3  }
0x34: {  	[smem:$0x3FB2] =	sst s10  }
0x35: {  	s10 =	sld [smem:$0x3FB1];
	_ =	sdelay $0x3  }
0x36: {  	p1 =	seq.s32 s10, $0x1;
	s10 =	sld [smem:$0x3FB2];
	_ =	sdelay $0x3  }
0x37: {  	[smem:$0x3FB2] =	sst s10  }
0x38: {  	s10 =	sld [smem:$0x3FB3]  }
0x39: {  	_ = 	snop;
	(pc) =	sbr.ind lr, $3  }
0x3a: {  	_ = 	snop  }
0x3b: {  	_ = 	snop  }
0x3c: {  	p2 =	seq.s32 s10, $0x1;
	s10 =	sld [smem:$0x3FB2]  }
0x3d: {  	_ =	shalt  }
0x3e: {  	_ =	shalt  }
0x3f: {  	_ =	shalt  }
0x40: {  	_ =	shalt  }
0x41: {  	_ =	shalt  }
0x42: {  	_ =	shalt  }
0x43: {  	_ =	shalt  }
0x44: {  	_ =	shalt  }
0x45: {  	_ =	shalt  }
0x46: {  	_ =	shalt  }
0x47: {  	_ =	shalt  }
0x48: {  	_ =	shalt  }
0x49: {  	_ =	shalt  }
0x4a: {  	_ =	shalt  }
0x4b: {  	_ =	shalt  }
0x4c: {  	_ =	shalt  }
0x4d: {  	_ =	shalt  }
0x4e: {  	_ =	shalt  }
0x4f: {  	_ =	shalt  }
0x50: {  	_ =	shalt  }
0x51: {  	_ =	shalt  }
0x52: {  	_ =	shalt  }
0x53: {  	_ =	shalt  }
0x54: {  	_ =	shalt  }
0x55: {  	_ =	shalt  }
0x56: {  	_ =	shalt  }
0x57: {  	_ =	shalt  }
0x58: {  	_ =	shalt  }
0x59: {  	_ =	shalt  }
0x5a: {  	_ =	shalt  }
0x5b: {  	_ =	shalt  }
0x5c: {  	_ =	shalt  }
0x5d: {  	_ =	shalt  }
0x5e: {  	_ =	shalt  }
0x5f: {  	_ =	shalt  }
0x60: {  	_ =	shalt  }
0x61: {  	_ =	shalt  }
0x62: {  	_ =	shalt  }
0x63: {  	_ =	shalt  }
0x64: {  	_ =	shalt  }
0x65: {  	_ =	shalt  }
0x66: {  	_ =	shalt  }
0x67: {  	_ =	shalt  }
0x68: {  	_ =	shalt  }
0x69: {  	_ =	shalt  }
0x6a: {  	_ =	shalt  }
0x6b: {  	_ =	shalt  }
0x6c: {  	_ =	shalt  }
0x6d: {  	_ =	shalt  }
0x6e: {  	_ =	shalt  }
0x6f: {  	_ =	shalt  }
0x70: {  	_ =	shalt  }
0x71: {  	_ =	shalt  }
0x72: {  	_ =	shalt  }
0x73: {  	_ =	shalt  }
0x74: {  	_ =	shalt  }
0x75: {  	_ =	shalt  }
0x76: {  	_ =	shalt  }
0x77: {  	_ =	shalt  }
0x78: {  	_ =	shalt  }
0x79: {  	_ =	shalt  }
0x7a: {  	_ =	shalt  }
0x7b: {  	_ =	shalt  }
0x7c: {  	_ =	shalt  }
0x7d: {  	_ =	shalt  }
0x7e: {  	_ =	shalt  }
0x7f: {  	_ =	shalt  }
0x80: {  	_ =	shalt  }
0x81: {  	_ =	shalt  }
0x82: {  	_ =	shalt  }
0x83: {  	_ =	shalt  }
0x84: {  	_ =	shalt  }
0x85: {  	_ =	shalt  }
0x86: {  	_ =	shalt  }
0x87: {  	_ =	shalt  }
.Lfunc_end0:
.L_simem_size_0:
called_computation.1_lowered:
.L_overlay_start_0:
0x88: {  	s2 =	sld [smem:$0x3FD9]  }
0x89: {  	s3 =	sld [smem:$0x3FFE];
	_ =	sdelay $0x1  }
0x8a: {  	s1 =	srdreg.scid  }
0x8b: {  	s0 =	sand.u32 $0x1, s1  }
0x8c: {  	s17 =	sshll.u32 s0, $0xA;
	s2 =	sadd.s32 s3, s2  }
0x8d: {  	s2 =	sadd.s32 s2, s17  }
0x8e: {  	[smem:$0x3FBE] =	sst s2  }
0x8f: {  	_ = 	snop  }
0x90: {  	s2 =	sld [smem:$0x3FD0];
	(tm) =	ssettm $0x1  }
0x91: {  	s18 =	sld [smem:$0x3FFB];
	_ =	sdelay $0x3  }
0x92: {  	_ =	strace s18  }
0x93: {  	s3 =	sld [smem:$0x3FFC];
	_ =	sdelay $0x3  }
0x94: {  	_ =	strace s3  }
0x95: {  	s3 =	sld [smem:$0x3FFD];
	_ =	sdelay $0x3  }
0x96: {  	_ =	strace s3  }
0x97: {  	_ =	strace $0x8FFFFFFF  }
0x98: {  	s19 =	sld [smem:$0x3FDB];
	_ =	sdelay $0x1  }
0x99: {  	s4 =	simm.s32 $_scs_section_size  }
0x9a: {  	s5 =	simm.s32 $_size__tile_overlayer_lowered;
	s6 =	simm.s32 $_tile_overlayer_lowered  }
0x9b: {  	s22 =	simm.s32 $0x1BFF;
	s21 =	sshll.u32 s6, $0x1;
	s3 =	sadd.s32 s4, s19  }
0x9c: {  	s7 =	simm.s32 $0x0;
	s20 =	sshll.u32 s5, $0x1;
	s5 =	sadd.s32 s21, s3  }
0x9d: {  	[timem:s7], [sflag:s22] =	dma.local [hbm:s5], s20  }
0x9e: {  	_ =	swait.ge [sflag:s22], s20  }
0x9f: {  	s4 =	ssub.s32 $0x0, s20;
	[sflag:s22] =	ssyncset.done $0x0  }
0xa0: {  	[sflag:s22] =	ssyncadd.s32 s4;
	_ =	sdelay $0x1  }
0xa1: {  	s23 =	simm.s32 $0x1B8B  }
0xa2: {  	_ =	swait.ge [sflag:s23], $0x1  }
0xa3: {  	[sflag:s23] =	ssyncset.done $0x0  }
0xa4: {  	s25 =	simm.s32 $0x1B8E;
	s24 =	sld [smem:$0x3FFE];
	[sflag:s23] =	ssyncadd.s32 $0xFFFFFFFF  }
0xa5: {  	s26 =	simm.s32 $execute0_lowered;
	[smem:$0x3FD2] =	sst s25  }
0xa6: {  	s5 =	sshll.u32 s26, $0x1;
	_ =	strace $0x80000049;
	[dreg:$0x1] =	wrdreg $0xFFFFFFFF  }
0xa7: {  	s28 =	simm.s32 $_size_execute0_lowered;
	s3 =	sadd.s32 s3, s5;
	[dreg:$0x0] =	wrdreg $0x0  }
0xa8: {  	s5 =	sshll.u32 s28, $0x1;
	[dreg:$0x2] =	wrdreg s3  }
0xa9: {  	[dreg:$0x3] =	wrdreg s5  }
0xaa: {  	[dreg:$0x4] =	wrdreg $0xC0  }
0xab: {  	_ =	task [dreg:s7], $0x5FFFF  }
0xac: {  	[dreg:$0x1] =	wrdreg $0xFFFFFFFF  }
0xad: {  	[dreg:$0x0] =	wrdreg $0x60  }
0xae: {  	[dreg:$0x2] =	wrdreg s2  }
0xaf: {  	[dreg:$0x3] =	wrdreg s24  }
0xb0: {  	[dreg:$0x4] =	wrdreg $0xBF000  }
0xb1: {  	[dreg:$0x5] =	wrdreg $0x6F000  }
0xb2: {  	[dreg:$0x6] =	wrdreg $0x9  }
0xb3: {  	_ =	task.clear_ibuf [dreg:s7], $0x7FFFF;
	_ =	strace $0x90000049  }
0xb4: {  	s29 =	simm.s32 $0x9;
	_ =	strace $0x8000004B  }
0xb5: {  	_ =	swait.ge [sflag:s29], $0x1  }
0xb6: {  	[sflag:s29] =	ssyncadd.s32 $0xFFFFFFFF  }
0xb7: {  	_ =	strace $0x9000004B  }
0xb8: {  	_ =	sfence  }
0xb9: {  	s30 =	sld [smem:$0x0];
	_ =	sdelay $0x2  }
0xba: {  	s31 =	sshll.u32 s1, $0xD;
	s1 =	sshrl.u32 s1, $0x2  }
0xbb: {  	s3 =	sand.u32 $0x4000, s31;
	s1 =	sadd.s32 s1, s30  }
0xbc: {  	s0 =	sor.u32 s3, s0;
	s1 =	sshll.u32 s1, $0x11  }
0xbd: {  	s0 =	sor.u32 s1, s0  }
0xbe: {  	s0 =	sadd.s32 $0x8F2B, s0  }
0xbf: {  	[sflag:s0] =	ssyncadd.remote.s32 $0x1  }
0xc0: {  	_ =	sfence.sel $0xFFFF  }
0xc1: {  	[dreg:$0x0] =	wrdreg $0xFFFFFFFF;
	(pc) =	sbr.abs _section_cstart, $3  }
0xc2: {  	[dreg:$0x1] =	wrdreg $0xFFFFFFFF  }
0xc3: {  	_ =	task.clear_ibuf [dreg:s7], $0x2FFFF;
	_ =	strace $0x9FFFFFFF  }
0xc4: {  	(tm) =	ssettm $0x7FFFFFFF  }
0xc5: {  	_ =	shalt  }
tec
execute0_lowered:
.L_overlay_start_1:
0x0: {  	(tag) =	ssettag $0x1  }
0x1: {  	s0 =	rddreg [dreg:$0x0]  }
0x2: {  	s1 =	rddreg [dreg:$0x1]  }
0x3: {  	s3 =	srdreg.scid;
	s2 =	rddreg [dreg:$0x2]  }
0x4: {  	s9 =	stileid.u32;
	s4 =	simm.s32 $0x0;
	s29 =	simm.s32 $0x2  }
0x5: {  	s31 =	simm.s32 $0x5F00;
	s30 =	simm.s32 $0x1;
	s7 =	smul.u32 $0x4F, s9  }
0x6: {  	s5 =	sand.u32 $0x1, s3;
	s3 =	rddreg [dreg:$0x3];
	s17 =	smul.u32 $0x5000, s9  }
0x7: {  	[smem:$0x7FF] =	sst s4;
	s6 =	smul.u32 $0x4F0, s5;
	s13 =	ssub.s32 $0x2, s5  }
0x8: {  	_ =	strace $0x8000004A;
	s5 =	smul.u32 $0x50000, s5;
	s8 =	sshrl.u32 s13, $0x1  }
0x9: {  	s15 =	sshrl.u32 s17, $0x3;
	s18 =	sadd.s32 $0x1000, s17;
	s23 =	sadd.s32 s17, s2  }
0xa: {  	s19 =	sadd.s32 $0x2000, s17;
	s20 =	sadd.s32 $0x3000, s17;
	s6 =	sadd.s32 s7, s6  }
0xb: {  	s7 =	ssub.s32 s13, s8;
	s16 =	sshrl.u32 s18, $0x3;
	s21 =	sshrl.u32 s19, $0x3  }
0xc: {  	s10 =	sshrl.u32 s20, $0x3;
	s11 =	sadd.s32 s17, s5;
	s12 =	sadd.s32 s5, s18  }
0xd: {  	s24 =	sadd.s32 s5, s19;
	s25 =	sadd.s32 s5, s20;
	s23 =	sshrl.u32 s23, $0x3  }
0xe: {  	s6 =	sshll.u32 s6, $0x4;
	s8 =	sadd.s32 s0, s16;
	s22 =	sadd.s32 s0, s21  }
0xf: {  	s10 =	sadd.s32 s0, s10;
	s21 =	sadd.s32 $0x4000, s17;
	s26 =	sshrl.u32 s25, $0x3  }
0x10: {  	s17 =	sadd.s32 s17, s3;
	s6 =	sadd.s32 s6, s1;
	[dreg:$0x8] =	wrdreg s8  }
0x11: {  	s1 =	sadd.s32 $0x15E00, s1;
	[dreg:$0x9] =	wrdreg s22;
	s13 =	sshrl.u32 s21, $0x3  }
0x12: {  	s5 =	sadd.s32 s5, s21;
	s8 =	sadd.s32 s20, s2;
	s20 =	sadd.s32 s20, s3  }
0x13: {  	s9 =	sadd.s32 s21, s2;
	s21 =	sadd.s32 s21, s3;
	s14 =	sadd.s32 $0xC000, s6  }
0x14: {  	s22 =	smax.u32 s7, $0x1;
	s6 =	sadd.s32 $0x2200, s6;
	[dreg:$0x5] =	wrdreg s14  }
0x15: {  	s5 =	sshrl.u32 s5, $0x3;
	s28 =	sshrl.u32 s9, $0x3;
	[dreg:$0x6] =	wrdreg s6  }
0x16: {  	s6 =	sadd.s32 s0, s15;
	s14 =	sshrl.u32 s11, $0x3;
	s15 =	sshrl.u32 s12, $0x3  }
0x17: {  	s11 =	sadd.s32 s0, s13;
	s0 =	sshrl.u32 s24, $0x3;
	s16 =	sadd.s32 s1, s5  }
0x18: {  	s5 =	sadd.s32 s19, s2;
	s19 =	sadd.s32 s19, s3;
	[dreg:$0x7] =	wrdreg s6  }
0x19: {  	s6 =	sadd.s32 s18, s2;
	s12 =	sadd.s32 s1, s14;
	s13 =	sadd.s32 s1, s15  }
0x1a: {  	s14 =	sadd.s32 s1, s0;
	s15 =	sadd.s32 s1, s26;
	s18 =	sadd.s32 s18, s3  }
0x1b: {  	s25 =	sshrl.u32 s5, $0x3;
	s26 =	sshrl.u32 s8, $0x3;
	s1 =	simm.s32 $0x80  }
0x1c: {  	v0 =	vimm.f32 $0.0e+00;
	s0 =	simm.s32 $0x4F00;
	s5 =	simm.s32 $0x0;
	s24 =	sshrl.u32 s6, $0x3  }
.LBB2_1:
0x1d: {  	s6 =	rddreg [dreg:$0x5]  }
0x1e: {  	[tilespmem:s4], [sflag:$0x2] =	stream.linear.gather [hbm4b:s6+s4], $0x2780, $0x38;
	[tilespmem:$0x10F00] =	vst v63  }
0x1f: {  	_ =	swait.ge [sflag:s29], $0x2780  }
0x20: {  	[sflag:s29] =	ssyncset.done $0x0  }
0x21: {  	s7 =	simm.s32 $0x2780;
	s9 =	rddreg [dreg:$0x6];
	[sflag:s29] =	ssyncadd.s32 $0xFFFFD880  }
0x22: {  	[tilespmem:s7], [sflag:$0x2] =	stream.linear.gather [hbm4b:s9+s4], $0x2780, $0x38;
	[tilespmem:$0x10F00] =	vst v63  }
0x23: {  	s8 =	stileid.u32;
	_ =	swait.ge [sflag:s29], $0x2780  }
0x24: {  	s6 =	sshll.u32 s8, $0x6;
	[sflag:s29] =	ssyncset.done $0x0  }
0x25: {  	s6 =	sor.u32 $0x1C02, s6;
	s9 =	rddreg [dreg:$0x7];
	[sflag:s29] =	ssyncadd.s32 $0xFFFFD880  }
0x26: {  	[spmem:s23], [sflag:s6] =	dma.local [hbm:s9], $0x200  }
0x27: {  	_ =	swait.ge [sflag:s29], $0x200  }
0x28: {  	[sflag:s29] =	ssyncset.done $0x0  }
0x29: {  	s8 =	rddreg [dreg:$0x8];
	[sflag:s29] =	ssyncadd.s32 $0xFFFFFE00  }
0x2a: {  	[spmem:s24], [sflag:s6] =	dma.local [hbm:s8], $0x200  }
0x2b: {  	_ =	swait.ge [sflag:s29], $0x200  }
0x2c: {  	[sflag:s29] =	ssyncset.done $0x0  }
0x2d: {  	s9 =	rddreg [dreg:$0x9];
	[sflag:s29] =	ssyncadd.s32 $0xFFFFFE00  }
0x2e: {  	[spmem:s25], [sflag:s6] =	dma.local [hbm:s9], $0x200  }
0x2f: {  	_ =	swait.ge [sflag:s29], $0x200  }
0x30: {  	[sflag:s29] =	ssyncset.done $0x0  }
0x31: {  	[sflag:s29] =	ssyncadd.s32 $0xFFFFFE00  }
0x32: {  	[spmem:s26], [sflag:s6] =	dma.local [hbm:s10], $0x200  }
0x33: {  	_ =	swait.ge [sflag:s29], $0x200  }
0x34: {  	[sflag:s29] =	ssyncset.done $0x0  }
0x35: {  	[sflag:s29] =	ssyncadd.s32 $0xFFFFFE00  }
0x36: {  	[spmem:s28], [sflag:s6] =	dma.local [hbm:s11], $0x200  }
0x37: {  	_ =	swait.ge [sflag:s29], $0x200  }
0x38: {  	[sflag:s29] =	ssyncset.done $0x0  }
0x39: {  	s7 =	simm.s32 $0x0;
	s6 =	simm.s32 $0x80;
	[sflag:s29] =	ssyncadd.s32 $0xFFFFFE00  }
.LBB2_2:
0x3a: {  	p0 =	sne.s32 s6, $0x3F80;
	[tilespmem:s7+$0x5F00] =	vst v0;
	s8 =	smov.u32 s6;
	s6 =	sadd.s32 $0x80, s6  }
.Ltmp0:
0x3b: {  	[tilespmem:s7+$0x5F10] =	vst v0;
	(pc) =	sbr.rel @p0 .LBB2_2-.Ltmp0, $2  }
0x3c: {  	_ =	sdelay $0x2  }
0x3d: {  	s7 =	sshra.s32 s8, $0x2  }
0x3e: {  	[tilespmem:s7+$0x5F00] =	vst v0  }
0x3f: {  	[tilespmem:s7+$0x5F10] =	vst v0  }
0x40: {  	[spmem:s17] =	stream.linear.scatter [tilespmem:s31], [sflag:$0x2], $0x1000, $0x38;
	[tilespmem:$0x10F00] =	vst v63  }
0x41: {  	_ =	swait.ge [sflag:s29], $0x1000  }
0x42: {  	[sflag:s29] =	ssyncset.done $0x0  }
0x43: {  	[sflag:s29] =	ssyncadd.s32 $0xFFFFF000  }
0x44: {  	[spmem:s18] =	stream.linear.scatter [tilespmem:s31], [sflag:$0x2], $0x1000, $0x38;
	[tilespmem:$0x10F00] =	vst v63  }
0x45: {  	_ =	swait.ge [sflag:s29], $0x1000  }
0x46: {  	[sflag:s29] =	ssyncset.done $0x0  }
0x47: {  	[sflag:s29] =	ssyncadd.s32 $0xFFFFF000  }
0x48: {  	[spmem:s19] =	stream.linear.scatter [tilespmem:s31], [sflag:$0x2], $0x1000, $0x38;
	[tilespmem:$0x10F00] =	vst v63  }
0x49: {  	_ =	swait.ge [sflag:s29], $0x1000  }
0x4a: {  	[sflag:s29] =	ssyncset.done $0x0  }
0x4b: {  	[sflag:s29] =	ssyncadd.s32 $0xFFFFF000  }
0x4c: {  	[spmem:s20] =	stream.linear.scatter [tilespmem:s31], [sflag:$0x2], $0x1000, $0x38;
	[tilespmem:$0x10F00] =	vst v63  }
0x4d: {  	_ =	swait.ge [sflag:s29], $0x1000  }
0x4e: {  	[sflag:s29] =	ssyncset.done $0x0  }
0x4f: {  	[sflag:s29] =	ssyncadd.s32 $0xFFFFF000  }
0x50: {  	[spmem:s21] =	stream.linear.scatter [tilespmem:s31], [sflag:$0x2], $0x1000, $0x38;
	[tilespmem:$0x10F00] =	vst v63  }
0x51: {  	_ =	swait.ge [sflag:s29], $0x1000  }
0x52: {  	[sflag:s29] =	ssyncset.done $0x0  }
0x53: {  	[sflag:s29] =	ssyncadd.s32 $0xFFFFF000  }
0x54: {  	s6 =	simm.s32 $0x0;
	[bflag:$0x0] =	sbarrier.arrive $0xFFFF  }
0x55: {  	[tilespmem:s0], [sflag:$0x1] =	stream.indirect.gather [spmem:s2], $0x20, s6, s1, $0xb8;
	[tilespmem:$0x10F00] =	vst v63  }
0x56: {  	_ =	swait.ge [sflag:s30], $0x1000  }
0x57: {  	[sflag:s30] =	ssyncset.done $0x0  }
0x58: {  	s9 =	simm.s32 $0x2780;
	[sflag:s30] =	ssyncadd.s32 $0xFFFFF000  }
0x59: {  	[spmem:s3] =	stream.indirect.scatter.add.f32 [tilespmem:s0], [sflag:$0x1], $0x20, s9, s1, $0xb8;
	[tilespmem:$0x10F00] =	vst v63  }
0x5a: {  	_ =	swait.ge [sflag:s30], $0x1000  }
0x5b: {  	s7 =	simm.s32 $0x400;
	s6 =	simm.s32 $0x200;
	[sflag:s30] =	ssyncset.done $0x0  }
.LBB2_4:
0x5c: {  	s8 =	sshra.s32 s6, $0x2  }
0x5d: {  	[sflag:s30] =	ssyncadd.s32 $0xFFFFF000;
	s6 =	smov.u32 s7;
	s9 =	sadd.s32 $0x200, s7  }
0x5e: {  	[tilespmem:s0], [sflag:$0x1] =	stream.indirect.gather [spmem:s2], $0x20, s8, s1, $0xb8;
	[tilespmem:$0x10F00] =	vst v63  }
0x5f: {  	p0 =	sne.s32 s7, $0x9C00;
	_ =	swait.ge [sflag:s30], $0x1000  }
.Ltmp1:
0x60: {  	[sflag:s30] =	ssyncset.done $0x0;
	(pc) =	sbr.rel @p0 .LBB2_4-.Ltmp1, $4  }
0x61: {  	s7 =	sadd.s32 $0x2780, s8;
	[sflag:s30] =	ssyncadd.s32 $0xFFFFF000  }
0x62: {  	[spmem:s3] =	stream.indirect.scatter.add.f32 [tilespmem:s0], [sflag:$0x1], $0x20, s7, s1, $0xb8;
	[tilespmem:$0x10F00] =	vst v63  }
0x63: {  	_ =	swait.ge [sflag:s30], $0x1000  }
0x64: {  	s7 =	smov.u32 s9;
	[sflag:s30] =	ssyncset.done $0x0  }
0x65: {  	s6 =	sshra.s32 s6, $0x2;
	[sflag:s30] =	ssyncadd.s32 $0xFFFFF000  }
0x66: {  	[tilespmem:s0], [sflag:$0x1] =	stream.indirect.gather [spmem:s2], $0x20, s6, s1, $0xb8;
	[tilespmem:$0x10F00] =	vst v63  }
0x67: {  	_ =	swait.ge [sflag:s30], $0x1000  }
0x68: {  	[sflag:s30] =	ssyncset.done $0x0  }
0x69: {  	s6 =	sadd.s32 $0x2780, s6;
	[sflag:s30] =	ssyncadd.s32 $0xFFFFF000  }
0x6a: {  	[spmem:s3] =	stream.indirect.scatter.add.f32 [tilespmem:s0], [sflag:$0x1], $0x20, s6, s1, $0xb8;
	[tilespmem:$0x10F00] =	vst v63  }
0x6b: {  	_ =	swait.ge [sflag:s30], $0x1000  }
0x6c: {  	[sflag:s30] =	ssyncset.done $0x0  }
0x6d: {  	[sflag:s30] =	ssyncadd.s32 $0xFFFFF000  }
0x6e: {  	[bflag:$0x0] =	sbarrier.arrive $0xFFFF  }
0x6f: {  	[tilespmem:s31], [sflag:$0x2] =	stream.linear.gather [spmem:s17], $0x1000, $0x38;
	[tilespmem:$0x10F00] =	vst v63  }
0x70: {  	_ =	swait.ge [sflag:s29], $0x1000  }
0x71: {  	[sflag:s29] =	ssyncset.done $0x0  }
0x72: {  	[sflag:s29] =	ssyncadd.s32 $0xFFFFF000  }
0x73: {  	[hbm4b:s12+s4] =	stream.linear.scatter [tilespmem:s31], [sflag:$0x2], $0x1000, $0x38;
	[tilespmem:$0x10F00] =	vst v63  }
0x74: {  	_ =	swait.ge [sflag:s29], $0x1000  }
0x75: {  	[sflag:s29] =	ssyncset.done $0x0  }
0x76: {  	[sflag:s29] =	ssyncadd.s32 $0xFFFFF000  }
0x77: {  	[tilespmem:s31], [sflag:$0x2] =	stream.linear.gather [spmem:s18], $0x1000, $0x38;
	[tilespmem:$0x10F00] =	vst v63  }
0x78: {  	_ =	swait.ge [sflag:s29], $0x1000  }
0x79: {  	[sflag:s29] =	ssyncset.done $0x0  }
0x7a: {  	[sflag:s29] =	ssyncadd.s32 $0xFFFFF000  }
0x7b: {  	[hbm4b:s13+s4] =	stream.linear.scatter [tilespmem:s31], [sflag:$0x2], $0x1000, $0x38;
	[tilespmem:$0x10F00] =	vst v63  }
0x7c: {  	_ =	swait.ge [sflag:s29], $0x1000  }
0x7d: {  	[sflag:s29] =	ssyncset.done $0x0  }
0x7e: {  	[sflag:s29] =	ssyncadd.s32 $0xFFFFF000  }
0x7f: {  	[tilespmem:s31], [sflag:$0x2] =	stream.linear.gather [spmem:s19], $0x1000, $0x38;
	[tilespmem:$0x10F00] =	vst v63  }
0x80: {  	_ =	swait.ge [sflag:s29], $0x1000  }
0x81: {  	[sflag:s29] =	ssyncset.done $0x0  }
0x82: {  	[sflag:s29] =	ssyncadd.s32 $0xFFFFF000  }
0x83: {  	[hbm4b:s14+s4] =	stream.linear.scatter [tilespmem:s31], [sflag:$0x2], $0x1000, $0x38;
	[tilespmem:$0x10F00] =	vst v63  }
0x84: {  	_ =	swait.ge [sflag:s29], $0x1000  }
0x85: {  	[sflag:s29] =	ssyncset.done $0x0  }
0x86: {  	[sflag:s29] =	ssyncadd.s32 $0xFFFFF000  }
0x87: {  	[tilespmem:s31], [sflag:$0x2] =	stream.linear.gather [spmem:s20], $0x1000, $0x38;
	[tilespmem:$0x10F00] =	vst v63  }
0x88: {  	_ =	swait.ge [sflag:s29], $0x1000  }
0x89: {  	[sflag:s29] =	ssyncset.done $0x0  }
0x8a: {  	[sflag:s29] =	ssyncadd.s32 $0xFFFFF000  }
0x8b: {  	[hbm4b:s15+s4] =	stream.linear.scatter [tilespmem:s31], [sflag:$0x2], $0x1000, $0x38;
	[tilespmem:$0x10F00] =	vst v63  }
0x8c: {  	_ =	swait.ge [sflag:s29], $0x1000  }
0x8d: {  	[sflag:s29] =	ssyncset.done $0x0  }
0x8e: {  	[sflag:s29] =	ssyncadd.s32 $0xFFFFF000  }
0x8f: {  	[tilespmem:s31], [sflag:$0x2] =	stream.linear.gather [spmem:s21], $0x1000, $0x38;
	[tilespmem:$0x10F00] =	vst v63  }
0x90: {  	s5 =	sadd.s32 $0x1, s5;
	_ =	swait.ge [sflag:s29], $0x1000  }
0x91: {  	p0 =	sne.s32 s5, s22;
	[sflag:s29] =	ssyncset.done $0x0  }
.Ltmp2:
0x92: {  	[sflag:s29] =	ssyncadd.s32 $0xFFFFF000;
	(pc) =	sbr.rel @p0 .LBB2_1-.Ltmp2, $4  }
0x93: {  	[hbm4b:s16+s4] =	stream.linear.scatter [tilespmem:s31], [sflag:$0x2], $0x1000, $0x38;
	[tilespmem:$0x10F00] =	vst v63  }
0x94: {  	_ =	swait.ge [sflag:s29], $0x1000  }
0x95: {  	[sflag:s29] =	ssyncset.done $0x0  }
0x96: {  	[sflag:s29] =	ssyncadd.s32 $0xFFFFF000  }
0x97: {  	_ =	sfence.sel $0x180000  }
0x98: {  	[bflag:$0x0] =	sbarrier.arrive $0xFFFF  }
0x99: {  	_ =	strace $0x9000004A  }
0x9a: {  	s0 =	stileid.u32;
	[bflag:$0x2] =	sbarrier.arrive $0xFFFF  }
0x9b: {  	p0 =	sne.s32 s0, $0x0;
	s0 =	rddreg [dreg:$0x4]  }
0x9c: {  	s0 =	sadd.s32 @!p0 $0x100000, s0  }
0x9d: {  	[sflag:s0] =	ssyncadd.tile.s32 @!p0 $0x1;
	_ =	shalt  }
.Lfunc_end2:
_tile_overlayer_lowered:
.L_overlay_start_2:
0x9e: {  	(tag) =	ssettag $0x2  }
0x9f: {  	s0 =	rddreg [dreg:$0x0];
	s2 =	stileid.u32  }
0xa0: {  	s1 =	rddreg [dreg:$0x1];
	p0 =	sne.s32 s2, $0x0  }
0xa1: {  	s3 =	rddreg [dreg:$0x2];
	[bflag:$0x3] =	sbarrier.arrive $0xFFFF;
	s2 =	simm.s32 @!p0 $0x1C02  }
0xa2: {  	[timem:s3], [sflag:s2] =	dma.local @!p0 [hbm:s0], s1  }
0xa3: {  	s0 =	simm.s32 @!p0 $0x2  }
0xa4: {  	_ =	swait.ge @!p0 [sflag:s0], s1  }
0xa5: {  	s1 =	ssub.s32 @!p0 $0x0, s1;
	[sflag:s0] =	ssyncset.done @!p0 $0x0  }
0xa6: {  	[sflag:s0] =	ssyncadd.s32 @!p0 s1  }
0xa7: {  	[bflag:$0x3] =	sbarrier.arrive $0xFFFF  }
0xa8: {  	_ =	shalt  }

// kernel: kernel.16.cloned.1.call-start
scs
__scs_entry_jumppad:
0x0: {  	(pc) =	sbr.rel $0x88, $3  }
0x1: {  	(tag) =	ssettag $0x0;
	lr =	simm.s32 $0x1  }
0x2: {  	[smem:$0x3F97] =	sst lr;
	_ =	strace $0xD0000000  }
0x3: {  	_ = 	snop  }
0x4: {  	_ = 	snop  }
0x5: {  	_ = 	snop  }
0x6: {  	_ = 	snop  }
0x7: {  	_ = 	snop  }
__scs_overlays_trampoline_lowered:
0x8: {  	[smem:$0x3FA6] =	sst s0  }
0x9: {  	[smem:$0x3FA7] =	sst s1  }
0xa: {  	[smem:$0x3FA8] =	sst s2  }
0xb: {  	[smem:$0x3FA9] =	sst s3  }
0xc: {  	[smem:$0x3FAA] =	sst s4  }
0xd: {  	[smem:$0x3FAB] =	sst s5  }
0xe: {  	[smem:$0x3FAC] =	sst s6  }
0xf: {  	[smem:$0x3FAD] =	sst s7  }
0x10: {  	[smem:$0x3FAE] =	sst s8  }
0x11: {  	[smem:$0x3FAF] =	sst s9;
	s0 =	simm.s32 @!p0 $0x0  }
0x12: {  	s1 =	sld [smem:$0x3F95];
	s0 =	simm.s32 @p0 $0x1  }
0x13: {  	[smem:$0x3FB0] =	sst s0;
	s0 =	simm.s32 @!p1 $0x0  }
0x14: {  	s2 =	sld [smem:$0x3F94];
	s0 =	simm.s32 @p1 $0x1  }
0x15: {  	[smem:$0x3FB1] =	sst s0;
	s0 =	simm.s32 @!p2 $0x0  }
0x16: {  	s3 =	sld [smem:$0x3FDB];
	s0 =	simm.s32 @p2 $0x1  }
0x17: {  	s4 =	simm.s32 $0x1BF5;
	[smem:$0x3FB3] =	sst s0  }
0x18: {  	s0 =	sld [smem:$0x3F96];
	_ =	swait.ge [sflag:s4], $0x0  }
0x19: {  	s7 =	sld [smem:$0x3F97]  }
0x1a: {  	s8 =	sadd.s32 $0xFFFFE003, lr  }
0x1b: {  	s9 =	sadd.s32 $0xFFFFFEF7, lr;
	s5 =	simm.s32 $0xFFFFFFFF;
	p2 =	slt.u32 s8, $0xFFFFF086  }
0x1c: {  	p1 =	slt.u32 s9, $0xF7A;
	s5 =	simm.s32 @!p2 $0x0  }
0x1d: {  	s5 =	simm.s32 @p1 $0x1;
	p0 =	seq.s32 s7, s2  }
0x1e: {  	s7 =	smul.u32 @!p0 $0xF7A, s2;
	p2 =	seq.s32 @!p0 s5, $0x0  }
0x1f: {  	s9 =	smul.u32 $0xF7A, s1;
	s8 =	simm.s32 @!p0 $0x1BF5;
	p2 =	por !p2, p0  }
0x20: {  	[sflag:s8] =	ssyncset.s32 @!p0 $0xFFFFF086;
	s6 =	sadd.s32 @!p0 s3, s7;
	s7 =	simm.s32 @!p0 $0x108  }
0x21: {  	s3 =	sadd.s32 s3, s9;
	s6 =	sadd.s32 @!p0 $0x88, s6;
	s7 =	simm.s32 @p2 $0x1082  }
0x22: {  	[simem:s7], [sflag:s8] =	dma.local @!p0 [hbm:s6], $0xF7A  }
0x23: {  	s9 =	sor.u32 $0xD0000000, s2;
	s6 =	simm.s32 $0x108;
	_ =	swait.ge @!p0 [sflag:s8], $0x0  }
0x24: {  	s3 =	sadd.s32 $0x88, s3;
	s6 =	simm.s32 @!p1 $0x1082;
	[sflag:s4] =	ssyncset.s32 $0xFFFFF086  }
0x25: {  	[simem:s6], [sflag:s4] =	dma.local [hbm:s3], $0xF7A  }
0x26: {  	[smem:$0x3F97] =	sst s1;
	(tag) =	ssettag s2;
	_ =	strace s9  }
0x27: {  	s1 =	sld [smem:$0x3FA7]  }
0x28: {  	s2 =	sld [smem:$0x3FA8]  }
0x29: {  	s4 =	sld [smem:$0x3FAA]  }
0x2a: {  	p0 =	seq.s32 s5, $0x0;
	s5 =	sld [smem:$0x3FAB]  }
0x2b: {  	s6 =	sld [smem:$0x3FAC]  }
0x2c: {  	s7 =	sld [smem:$0x3FAD]  }
0x2d: {  	s3 =	simm.s32 $0x108;
	s8 =	sld [smem:$0x3FAE]  }
0x2e: {  	s3 =	simm.s32 @!p0 $0x1082;
	s9 =	sld [smem:$0x3FAF]  }
0x2f: {  	lr =	sadd.s32 s0, s3;
	s0 =	sld [smem:$0x3FA6]  }
0x30: {  	s3 =	sld [smem:$0x3FA9]  }
0x31: {  	[smem:$0x3FB2] =	sst s10  }
0x32: {  	s10 =	sld [smem:$0x3FB0];
	_ =	sdelay $0x3  }
0x33: {  	p0 =	seq.s32 s10, $0x1;
	s10 =	sld [smem:$0x3FB2];
	_ =	sdelay $0x3  }
0x34: {  	[smem:$0x3FB2] =	sst s10  }
0x35: {  	s10 =	sld [smem:$0x3FB1];
	_ =	sdelay $0x3  }
0x36: {  	p1 =	seq.s32 s10, $0x1;
	s10 =	sld [smem:$0x3FB2];
	_ =	sdelay $0x3  }
0x37: {  	[smem:$0x3FB2] =	sst s10  }
0x38: {  	s10 =	sld [smem:$0x3FB3]  }
0x39: {  	_ = 	snop;
	(pc) =	sbr.ind lr, $3  }
0x3a: {  	_ = 	snop  }
0x3b: {  	_ = 	snop  }
0x3c: {  	p2 =	seq.s32 s10, $0x1;
	s10 =	sld [smem:$0x3FB2]  }
0x3d: {  	_ =	shalt  }
0x3e: {  	_ =	shalt  }
0x3f: {  	_ =	shalt  }
0x40: {  	_ =	shalt  }
0x41: {  	_ =	shalt  }
0x42: {  	_ =	shalt  }
0x43: {  	_ =	shalt  }
0x44: {  	_ =	shalt  }
0x45: {  	_ =	shalt  }
0x46: {  	_ =	shalt  }
0x47: {  	_ =	shalt  }
0x48: {  	_ =	shalt  }
0x49: {  	_ =	shalt  }
0x4a: {  	_ =	shalt  }
0x4b: {  	_ =	shalt  }
0x4c: {  	_ =	shalt  }
0x4d: {  	_ =	shalt  }
0x4e: {  	_ =	shalt  }
0x4f: {  	_ =	shalt  }
0x50: {  	_ =	shalt  }
0x51: {  	_ =	shalt  }
0x52: {  	_ =	shalt  }
0x53: {  	_ =	shalt  }
0x54: {  	_ =	shalt  }
0x55: {  	_ =	shalt  }
0x56: {  	_ =	shalt  }
0x57: {  	_ =	shalt  }
0x58: {  	_ =	shalt  }
0x59: {  	_ =	shalt  }
0x5a: {  	_ =	shalt  }
0x5b: {  	_ =	shalt  }
0x5c: {  	_ =	shalt  }
0x5d: {  	_ =	shalt  }
0x5e: {  	_ =	shalt  }
0x5f: {  	_ =	shalt  }
0x60: {  	_ =	shalt  }
0x61: {  	_ =	shalt  }
0x62: {  	_ =	shalt  }
0x63: {  	_ =	shalt  }
0x64: {  	_ =	shalt  }
0x65: {  	_ =	shalt  }
0x66: {  	_ =	shalt  }
0x67: {  	_ =	shalt  }
0x68: {  	_ =	shalt  }
0x69: {  	_ =	shalt  }
0x6a: {  	_ =	shalt  }
0x6b: {  	_ =	shalt  }
0x6c: {  	_ =	shalt  }
0x6d: {  	_ =	shalt  }
0x6e: {  	_ =	shalt  }
0x6f: {  	_ =	shalt  }
0x70: {  	_ =	shalt  }
0x71: {  	_ =	shalt  }
0x72: {  	_ =	shalt  }
0x73: {  	_ =	shalt  }
0x74: {  	_ =	shalt  }
0x75: {  	_ =	shalt  }
0x76: {  	_ =	shalt  }
0x77: {  	_ =	shalt  }
0x78: {  	_ =	shalt  }
0x79: {  	_ =	shalt  }
0x7a: {  	_ =	shalt  }
0x7b: {  	_ =	shalt  }
0x7c: {  	_ =	shalt  }
0x7d: {  	_ =	shalt  }
0x7e: {  	_ =	shalt  }
0x7f: {  	_ =	shalt  }
0x80: {  	_ =	shalt  }
0x81: {  	_ =	shalt  }
0x82: {  	_ =	shalt  }
0x83: {  	_ =	shalt  }
0x84: {  	_ =	shalt  }
0x85: {  	_ =	shalt  }
0x86: {  	_ =	shalt  }
0x87: {  	_ =	shalt  }
.Lfunc_end0:
.L_simem_size_0:
called_computation.2_lowered:
.L_overlay_start_0:
0x88: {  	s2 =	sld [smem:$0x3FD9]  }
0x89: {  	s3 =	sld [smem:$0x3FFE];
	_ =	sdelay $0x1  }
0x8a: {  	s1 =	srdreg.scid  }
0x8b: {  	s0 =	sand.u32 $0x1, s1  }
0x8c: {  	s16 =	sshll.u32 s0, $0xA;
	s2 =	sadd.s32 s3, s2  }
0x8d: {  	s2 =	sadd.s32 s2, s16  }
0x8e: {  	[smem:$0x3FBE] =	sst s2  }
0x8f: {  	_ = 	snop  }
0x90: {  	(tm) =	ssettm $0x1  }
0x91: {  	s17 =	sld [smem:$0x3FFB];
	_ =	sdelay $0x3  }
0x92: {  	_ =	strace s17  }
0x93: {  	s2 =	sld [smem:$0x3FFC];
	_ =	sdelay $0x3  }
0x94: {  	_ =	strace s2  }
0x95: {  	s2 =	sld [smem:$0x3FFD];
	_ =	sdelay $0x3  }
0x96: {  	_ =	strace s2  }
0x97: {  	_ =	strace $0x8FFFFFFF  }
0x98: {  	s18 =	sld [smem:$0x3FDB];
	_ =	sdelay $0x1  }
0x99: {  	s19 =	simm.s32 $_scs_section_size  }
0x9a: {  	s4 =	simm.s32 $_size__tile_overlayer_lowered;
	s5 =	simm.s32 $_tile_overlayer_lowered  }
0x9b: {  	s22 =	simm.s32 $0x1BFF;
	s21 =	sshll.u32 s5, $0x1;
	s2 =	sadd.s32 s19, s18  }
0x9c: {  	s6 =	simm.s32 $0x0;
	s20 =	sshll.u32 s4, $0x1;
	s4 =	sadd.s32 s21, s2  }
0x9d: {  	[timem:s6], [sflag:s22] =	dma.local [hbm:s4], s20  }
0x9e: {  	_ =	swait.ge [sflag:s22], s20  }
0x9f: {  	s3 =	ssub.s32 $0x0, s20;
	[sflag:s22] =	ssyncset.done $0x0  }
0xa0: {  	[sflag:s22] =	ssyncadd.s32 s3;
	_ =	sdelay $0x1  }
0xa1: {  	s23 =	simm.s32 $0x1B8B  }
0xa2: {  	_ =	swait.ge [sflag:s23], $0x1  }
0xa3: {  	[sflag:s23] =	ssyncset.done $0x0  }
0xa4: {  	s25 =	simm.s32 $0x1B8E;
	s24 =	sld [smem:$0x3FFE];
	[sflag:s23] =	ssyncadd.s32 $0xFFFFFFFF  }
0xa5: {  	s26 =	simm.s32 $execute0_lowered;
	[smem:$0x3FD2] =	sst s25  }
0xa6: {  	s4 =	sshll.u32 s26, $0x1;
	_ =	strace $0x8000004C;
	[dreg:$0x1] =	wrdreg $0xFFFFFFFF  }
0xa7: {  	s28 =	simm.s32 $_size_execute0_lowered;
	s2 =	sadd.s32 s2, s4;
	[dreg:$0x0] =	wrdreg $0x0  }
0xa8: {  	s4 =	sshll.u32 s28, $0x1;
	[dreg:$0x2] =	wrdreg s2  }
0xa9: {  	[dreg:$0x3] =	wrdreg s4  }
0xaa: {  	[dreg:$0x4] =	wrdreg $0xC0  }
0xab: {  	_ =	task [dreg:s6], $0x5FFFF  }
0xac: {  	[dreg:$0x1] =	wrdreg $0xFFFFFFFF  }
0xad: {  	[dreg:$0x0] =	wrdreg $0x60  }
0xae: {  	[dreg:$0x2] =	wrdreg s24  }
0xaf: {  	[dreg:$0x3] =	wrdreg $0x12F000  }
0xb0: {  	[dreg:$0x4] =	wrdreg $0x8F000  }
0xb1: {  	[dreg:$0x5] =	wrdreg $0x9  }
0xb2: {  	_ =	task.clear_ibuf [dreg:s6], $0x6FFFF;
	_ =	strace $0x9000004C  }
0xb3: {  	s29 =	simm.s32 $0x9;
	_ =	strace $0x8000004E  }
0xb4: {  	_ =	swait.ge [sflag:s29], $0x1  }
0xb5: {  	[sflag:s29] =	ssyncadd.s32 $0xFFFFFFFF  }
0xb6: {  	_ =	strace $0x9000004E  }
0xb7: {  	_ =	sfence  }
0xb8: {  	s30 =	sld [smem:$0x0];
	_ =	sdelay $0x2  }
0xb9: {  	s31 =	sshll.u32 s1, $0xD;
	s1 =	sshrl.u32 s1, $0x2  }
0xba: {  	s3 =	sand.u32 $0x4000, s31;
	s1 =	sadd.s32 s1, s30  }
0xbb: {  	s0 =	sor.u32 s3, s0;
	s1 =	sshll.u32 s1, $0x11  }
0xbc: {  	s0 =	sor.u32 s1, s0  }
0xbd: {  	s0 =	sadd.s32 $0x8F2B, s0  }
0xbe: {  	[sflag:s0] =	ssyncadd.remote.s32 $0x1  }
0xbf: {  	_ =	sfence.sel $0xFFFF  }
0xc0: {  	[dreg:$0x0] =	wrdreg $0xFFFFFFFF;
	(pc) =	sbr.abs _section_cstart, $3  }
0xc1: {  	[dreg:$0x1] =	wrdreg $0xFFFFFFFF  }
0xc2: {  	_ =	task.clear_ibuf [dreg:s6], $0x2FFFF;
	_ =	strace $0x9FFFFFFF  }
0xc3: {  	(tm) =	ssettm $0x7FFFFFFF  }
tec
execute0_lowered:
.L_overlay_start_1:
0x0: {  	(tag) =	ssettag $0x1  }
0x1: {  	s0 =	rddreg [dreg:$0x0]  }
0x2: {  	s2 =	rddreg [dreg:$0x1]  }
0x3: {  	s1 =	srdreg.scid;
	s3 =	rddreg [dreg:$0x2]  }
0x4: {  	s9 =	stileid.u32;
	s4 =	simm.s32 $0x0;
	s29 =	simm.s32 $0x2  }
0x5: {  	s31 =	simm.s32 $0x6F00;
	s30 =	simm.s32 $0x1;
	s6 =	smul.u32 $0x4F, s9  }
0x6: {  	s1 =	sand.u32 $0x1, s1;
	[smem:$0x7FF] =	sst s4;
	s17 =	smul.u32 $0xA000, s9  }
0x7: {  	s26 =	sadd.s32 $0x15E00, s0;
	s5 =	smul.u32 $0x4F0, s1;
	s7 =	ssub.s32 $0x2, s1  }
0x8: {  	_ =	strace $0x8000004D;
	s1 =	smul.u32 $0xA0000, s1;
	s8 =	sshrl.u32 s7, $0x1  }
0x9: {  	s15 =	sshrl.u32 s17, $0x3;
	s18 =	sadd.s32 $0x2000, s17;
	s23 =	sadd.s32 s17, s2  }
0xa: {  	s19 =	sadd.s32 $0x4000, s17;
	s20 =	sadd.s32 $0x6000, s17;
	s5 =	sadd.s32 s6, s5  }
0xb: {  	s7 =	ssub.s32 s7, s8;
	s16 =	sshrl.u32 s18, $0x3;
	s21 =	sshrl.u32 s19, $0x3  }
0xc: {  	s10 =	sshrl.u32 s20, $0x3;
	s11 =	sadd.s32 s17, s1;
	s12 =	sadd.s32 s1, s18  }
0xd: {  	s24 =	sadd.s32 s1, s19;
	s25 =	sadd.s32 s1, s20;
	s23 =	sshrl.u32 s23, $0x3  }
0xe: {  	s5 =	sshll.u32 s5, $0x4;
	s8 =	sadd.s32 s26, s16;
	s22 =	sadd.s32 s26, s21  }
0xf: {  	s10 =	sadd.s32 s26, s10;
	s21 =	sadd.s32 $0x8000, s17;
	s6 =	sshrl.u32 s24, $0x3  }
0x10: {  	s17 =	sadd.s32 s17, s3;
	s5 =	sadd.s32 s5, s0;
	[dreg:$0x7] =	wrdreg s8  }
0x11: {  	s0 =	sadd.s32 $0x29E00, s0;
	[dreg:$0x8] =	wrdreg s22;
	s13 =	sshrl.u32 s21, $0x3  }
0x12: {  	s1 =	sadd.s32 s1, s21;
	s8 =	sadd.s32 s20, s2;
	s20 =	sadd.s32 s20, s3  }
0x13: {  	s9 =	sadd.s32 s21, s2;
	s21 =	sadd.s32 s21, s3;
	s14 =	sadd.s32 $0xC000, s5  }
0x14: {  	s22 =	smax.u32 s7, $0x1;
	s5 =	sadd.s32 $0x2200, s5;
	[dreg:$0x4] =	wrdreg s14  }
0x15: {  	s1 =	sshrl.u32 s1, $0x3;
	s28 =	sshrl.u32 s9, $0x3;
	[dreg:$0x5] =	wrdreg s5  }
0x16: {  	s5 =	sadd.s32 s26, s15;
	s14 =	sshrl.u32 s11, $0x3;
	s15 =	sshrl.u32 s12, $0x3  }
0x17: {  	s11 =	sadd.s32 s26, s13;
	s26 =	sshrl.u32 s25, $0x3;
	s16 =	sadd.s32 s0, s1  }
0x18: {  	s1 =	simm.s32 $0x4F00;
	[dreg:$0x6] =	wrdreg s5;
	s5 =	sadd.s32 s18, s2  }
0x19: {  	s12 =	sadd.s32 s0, s14;
	s13 =	sadd.s32 s0, s15;
	s14 =	sadd.s32 s0, s6  }
0x1a: {  	s15 =	sadd.s32 s0, s26;
	s6 =	sadd.s32 s19, s2;
	s18 =	sadd.s32 s18, s3  }
0x1b: {  	s19 =	sadd.s32 s19, s3;
	s26 =	sshrl.u32 s8, $0x3;
	s0 =	simm.s32 $0x80  }
0x1c: {  	v0 =	vimm.f32 $0.0e+00;
	s24 =	sshrl.u32 s5, $0x3;
	s25 =	sshrl.u32 s6, $0x3;
	s5 =	simm.s32 $0x0  }
.LBB2_1:
0x1d: {  	s6 =	rddreg [dreg:$0x4]  }
0x1e: {  	[tilespmem:s4], [sflag:$0x2] =	stream.linear.gather [hbm4b:s6+s4], $0x2780, $0x38;
	[tilespmem:$0x1CF00] =	vst v63  }
0x1f: {  	_ =	swait.ge [sflag:s29], $0x2780  }
0x20: {  	[sflag:s29] =	ssyncset.done $0x0  }
0x21: {  	s7 =	simm.s32 $0x2780;
	s9 =	rddreg [dreg:$0x5];
	[sflag:s29] =	ssyncadd.s32 $0xFFFFD880  }
0x22: {  	[tilespmem:s7], [sflag:$0x2] =	stream.linear.gather [hbm4b:s9+s4], $0x2780, $0x38;
	[tilespmem:$0x1CF00] =	vst v63  }
0x23: {  	s8 =	stileid.u32;
	_ =	swait.ge [sflag:s29], $0x2780  }
0x24: {  	s6 =	sshll.u32 s8, $0x6;
	[sflag:s29] =	ssyncset.done $0x0  }
0x25: {  	s6 =	sor.u32 $0x1C02, s6;
	s9 =	rddreg [dreg:$0x6];
	[sflag:s29] =	ssyncadd.s32 $0xFFFFD880  }
0x26: {  	[spmem:s23], [sflag:s6] =	dma.local [hbm:s9], $0x400  }
0x27: {  	_ =	swait.ge [sflag:s29], $0x400  }
0x28: {  	[sflag:s29] =	ssyncset.done $0x0  }
0x29: {  	s8 =	rddreg [dreg:$0x7];
	[sflag:s29] =	ssyncadd.s32 $0xFFFFFC00  }
0x2a: {  	[spmem:s24], [sflag:s6] =	dma.local [hbm:s8], $0x400  }
0x2b: {  	_ =	swait.ge [sflag:s29], $0x400  }
0x2c: {  	[sflag:s29] =	ssyncset.done $0x0  }
0x2d: {  	s9 =	rddreg [dreg:$0x8];
	[sflag:s29] =	ssyncadd.s32 $0xFFFFFC00  }
0x2e: {  	[spmem:s25], [sflag:s6] =	dma.local [hbm:s9], $0x400  }
0x2f: {  	_ =	swait.ge [sflag:s29], $0x400  }
0x30: {  	[sflag:s29] =	ssyncset.done $0x0  }
0x31: {  	[sflag:s29] =	ssyncadd.s32 $0xFFFFFC00  }
0x32: {  	[spmem:s26], [sflag:s6] =	dma.local [hbm:s10], $0x400  }
0x33: {  	_ =	swait.ge [sflag:s29], $0x400  }
0x34: {  	[sflag:s29] =	ssyncset.done $0x0  }
0x35: {  	[sflag:s29] =	ssyncadd.s32 $0xFFFFFC00  }
0x36: {  	[spmem:s28], [sflag:s6] =	dma.local [hbm:s11], $0x400  }
0x37: {  	_ =	swait.ge [sflag:s29], $0x400  }
0x38: {  	[sflag:s29] =	ssyncset.done $0x0  }
0x39: {  	s7 =	simm.s32 $0x100;
	s6 =	simm.s32 $0x0;
	[sflag:s29] =	ssyncadd.s32 $0xFFFFFC00  }
.LBB2_2:
0x3a: {  	p0 =	sne.s32 s7, $0x7F00;
	[tilespmem:s6+$0x6F30] =	vst v0;
	s8 =	smov.u32 s7;
	s7 =	sadd.s32 $0x100, s7  }
.Ltmp0:
0x3b: {  	[tilespmem:s6+$0x6F20] =	vst v0;
	(pc) =	sbr.rel @p0 .LBB2_2-.Ltmp0, $3  }
0x3c: {  	[tilespmem:s6+$0x6F00] =	vst v0  }
0x3d: {  	[tilespmem:s6+$0x6F10] =	vst v0;
	_ =	sdelay $0x1  }
0x3e: {  	s6 =	sshra.s32 s8, $0x2  }
0x3f: {  	[tilespmem:s6+$0x6F30] =	vst v0  }
0x40: {  	[tilespmem:s6+$0x6F20] =	vst v0  }
0x41: {  	[tilespmem:s6+$0x6F00] =	vst v0  }
0x42: {  	[tilespmem:s6+$0x6F10] =	vst v0  }
0x43: {  	[spmem:s17] =	stream.linear.scatter [tilespmem:s31], [sflag:$0x2], $0x2000, $0x38;
	[tilespmem:$0x1CF00] =	vst v63  }
0x44: {  	_ =	swait.ge [sflag:s29], $0x2000  }
0x45: {  	[sflag:s29] =	ssyncset.done $0x0  }
0x46: {  	[sflag:s29] =	ssyncadd.s32 $0xFFFFE000  }
0x47: {  	[spmem:s18] =	stream.linear.scatter [tilespmem:s31], [sflag:$0x2], $0x2000, $0x38;
	[tilespmem:$0x1CF00] =	vst v63  }
0x48: {  	_ =	swait.ge [sflag:s29], $0x2000  }
0x49: {  	[sflag:s29] =	ssyncset.done $0x0  }
0x4a: {  	[sflag:s29] =	ssyncadd.s32 $0xFFFFE000  }
0x4b: {  	[spmem:s19] =	stream.linear.scatter [tilespmem:s31], [sflag:$0x2], $0x2000, $0x38;
	[tilespmem:$0x1CF00] =	vst v63  }
0x4c: {  	_ =	swait.ge [sflag:s29], $0x2000  }
0x4d: {  	[sflag:s29] =	ssyncset.done $0x0  }
0x4e: {  	[sflag:s29] =	ssyncadd.s32 $0xFFFFE000  }
0x4f: {  	[spmem:s20] =	stream.linear.scatter [tilespmem:s31], [sflag:$0x2], $0x2000, $0x38;
	[tilespmem:$0x1CF00] =	vst v63  }
0x50: {  	_ =	swait.ge [sflag:s29], $0x2000  }
0x51: {  	[sflag:s29] =	ssyncset.done $0x0  }
0x52: {  	[sflag:s29] =	ssyncadd.s32 $0xFFFFE000  }
0x53: {  	[spmem:s21] =	stream.linear.scatter [tilespmem:s31], [sflag:$0x2], $0x2000, $0x38;
	[tilespmem:$0x1CF00] =	vst v63  }
0x54: {  	_ =	swait.ge [sflag:s29], $0x2000  }
0x55: {  	[sflag:s29] =	ssyncset.done $0x0  }
0x56: {  	[sflag:s29] =	ssyncadd.s32 $0xFFFFE000  }
0x57: {  	s8 =	simm.s32 $0x0;
	[bflag:$0x0] =	sbarrier.arrive $0xFFFF  }
0x58: {  	[tilespmem:s1], [sflag:$0x1] =	stream.indirect.gather [spmem:s2], $0x40, s8, s0, $0xb8;
	[tilespmem:$0x1CF00] =	vst v63  }
0x59: {  	_ =	swait.ge [sflag:s30], $0x2000  }
0x5a: {  	[sflag:s30] =	ssyncset.done $0x0  }
0x5b: {  	s9 =	simm.s32 $0x2780;
	[sflag:s30] =	ssyncadd.s32 $0xFFFFE000  }
0x5c: {  	[spmem:s3] =	stream.indirect.scatter.add.f32 [tilespmem:s1], [sflag:$0x1], $0x40, s9, s0, $0xb8;
	[tilespmem:$0x1CF00] =	vst v63  }
0x5d: {  	_ =	swait.ge [sflag:s30], $0x2000  }
0x5e: {  	s6 =	simm.s32 $0x200;
	s7 =	simm.s32 $0x400;
	[sflag:s30] =	ssyncset.done $0x0  }
.LBB2_4:
0x5f: {  	s8 =	sshra.s32 s6, $0x2  }
0x60: {  	[sflag:s30] =	ssyncadd.s32 $0xFFFFE000;
	s6 =	smov.u32 s7;
	s9 =	sadd.s32 $0x200, s7  }
0x61: {  	[tilespmem:s1], [sflag:$0x1] =	stream.indirect.gather [spmem:s2], $0x40, s8, s0, $0xb8;
	[tilespmem:$0x1CF00] =	vst v63  }
0x62: {  	p0 =	sne.s32 s7, $0x9C00;
	_ =	swait.ge [sflag:s30], $0x2000  }
.Ltmp1:
0x63: {  	[sflag:s30] =	ssyncset.done $0x0;
	(pc) =	sbr.rel @p0 .LBB2_4-.Ltmp1, $4  }
0x64: {  	s7 =	sadd.s32 $0x2780, s8;
	[sflag:s30] =	ssyncadd.s32 $0xFFFFE000  }
0x65: {  	[spmem:s3] =	stream.indirect.scatter.add.f32 [tilespmem:s1], [sflag:$0x1], $0x40, s7, s0, $0xb8;
	[tilespmem:$0x1CF00] =	vst v63  }
0x66: {  	_ =	swait.ge [sflag:s30], $0x2000  }
0x67: {  	s7 =	smov.u32 s9;
	[sflag:s30] =	ssyncset.done $0x0  }
0x68: {  	s6 =	sshra.s32 s6, $0x2;
	[sflag:s30] =	ssyncadd.s32 $0xFFFFE000  }
0x69: {  	[tilespmem:s1], [sflag:$0x1] =	stream.indirect.gather [spmem:s2], $0x40, s6, s0, $0xb8;
	[tilespmem:$0x1CF00] =	vst v63  }
0x6a: {  	_ =	swait.ge [sflag:s30], $0x2000  }
0x6b: {  	[sflag:s30] =	ssyncset.done $0x0  }
0x6c: {  	s6 =	sadd.s32 $0x2780, s6;
	[sflag:s30] =	ssyncadd.s32 $0xFFFFE000  }
0x6d: {  	[spmem:s3] =	stream.indirect.scatter.add.f32 [tilespmem:s1], [sflag:$0x1], $0x40, s6, s0, $0xb8;
	[tilespmem:$0x1CF00] =	vst v63  }
0x6e: {  	_ =	swait.ge [sflag:s30], $0x2000  }
0x6f: {  	[sflag:s30] =	ssyncset.done $0x0  }
0x70: {  	[sflag:s30] =	ssyncadd.s32 $0xFFFFE000  }
0x71: {  	[bflag:$0x0] =	sbarrier.arrive $0xFFFF  }
0x72: {  	[tilespmem:s31], [sflag:$0x2] =	stream.linear.gather [spmem:s17], $0x2000, $0x38;
	[tilespmem:$0x1CF00] =	vst v63  }
0x73: {  	_ =	swait.ge [sflag:s29], $0x2000  }
0x74: {  	[sflag:s29] =	ssyncset.done $0x0  }
0x75: {  	[sflag:s29] =	ssyncadd.s32 $0xFFFFE000  }
0x76: {  	[hbm4b:s12+s4] =	stream.linear.scatter [tilespmem:s31], [sflag:$0x2], $0x2000, $0x38;
	[tilespmem:$0x1CF00] =	vst v63  }
0x77: {  	_ =	swait.ge [sflag:s29], $0x2000  }
0x78: {  	[sflag:s29] =	ssyncset.done $0x0  }
0x79: {  	[sflag:s29] =	ssyncadd.s32 $0xFFFFE000  }
0x7a: {  	[tilespmem:s31], [sflag:$0x2] =	stream.linear.gather [spmem:s18], $0x2000, $0x38;
	[tilespmem:$0x1CF00] =	vst v63  }
0x7b: {  	_ =	swait.ge [sflag:s29], $0x2000  }
0x7c: {  	[sflag:s29] =	ssyncset.done $0x0  }
0x7d: {  	[sflag:s29] =	ssyncadd.s32 $0xFFFFE000  }
0x7e: {  	[hbm4b:s13+s4] =	stream.linear.scatter [tilespmem:s31], [sflag:$0x2], $0x2000, $0x38;
	[tilespmem:$0x1CF00] =	vst v63  }
0x7f: {  	_ =	swait.ge [sflag:s29], $0x2000  }
0x80: {  	[sflag:s29] =	ssyncset.done $0x0  }
0x81: {  	[sflag:s29] =	ssyncadd.s32 $0xFFFFE000  }
0x82: {  	[tilespmem:s31], [sflag:$0x2] =	stream.linear.gather [spmem:s19], $0x2000, $0x38;
	[tilespmem:$0x1CF00] =	vst v63  }
0x83: {  	_ =	swait.ge [sflag:s29], $0x2000  }
0x84: {  	[sflag:s29] =	ssyncset.done $0x0  }
0x85: {  	[sflag:s29] =	ssyncadd.s32 $0xFFFFE000  }
0x86: {  	[hbm4b:s14+s4] =	stream.linear.scatter [tilespmem:s31], [sflag:$0x2], $0x2000, $0x38;
	[tilespmem:$0x1CF00] =	vst v63  }
0x87: {  	_ =	swait.ge [sflag:s29], $0x2000  }
0x88: {  	[sflag:s29] =	ssyncset.done $0x0  }
0x89: {  	[sflag:s29] =	ssyncadd.s32 $0xFFFFE000  }
0x8a: {  	[tilespmem:s31], [sflag:$0x2] =	stream.linear.gather [spmem:s20], $0x2000, $0x38;
	[tilespmem:$0x1CF00] =	vst v63  }
0x8b: {  	_ =	swait.ge [sflag:s29], $0x2000  }
0x8c: {  	[sflag:s29] =	ssyncset.done $0x0  }
0x8d: {  	[sflag:s29] =	ssyncadd.s32 $0xFFFFE000  }
0x8e: {  	[hbm4b:s15+s4] =	stream.linear.scatter [tilespmem:s31], [sflag:$0x2], $0x2000, $0x38;
	[tilespmem:$0x1CF00] =	vst v63  }
0x8f: {  	_ =	swait.ge [sflag:s29], $0x2000  }
0x90: {  	[sflag:s29] =	ssyncset.done $0x0  }
0x91: {  	[sflag:s29] =	ssyncadd.s32 $0xFFFFE000  }
0x92: {  	[tilespmem:s31], [sflag:$0x2] =	stream.linear.gather [spmem:s21], $0x2000, $0x38;
	[tilespmem:$0x1CF00] =	vst v63  }
0x93: {  	s5 =	sadd.s32 $0x1, s5;
	_ =	swait.ge [sflag:s29], $0x2000  }
0x94: {  	p0 =	sne.s32 s5, s22;
	[sflag:s29] =	ssyncset.done $0x0  }
.Ltmp2:
0x95: {  	[sflag:s29] =	ssyncadd.s32 $0xFFFFE000;
	(pc) =	sbr.rel @p0 .LBB2_1-.Ltmp2, $4  }
0x96: {  	[hbm4b:s16+s4] =	stream.linear.scatter [tilespmem:s31], [sflag:$0x2], $0x2000, $0x38;
	[tilespmem:$0x1CF00] =	vst v63  }
0x97: {  	_ =	swait.ge [sflag:s29], $0x2000  }
0x98: {  	[sflag:s29] =	ssyncset.done $0x0  }
0x99: {  	[sflag:s29] =	ssyncadd.s32 $0xFFFFE000  }
0x9a: {  	_ =	sfence.sel $0x180000  }
0x9b: {  	[bflag:$0x0] =	sbarrier.arrive $0xFFFF  }
0x9c: {  	_ =	strace $0x9000004D  }
0x9d: {  	s0 =	stileid.u32;
	[bflag:$0x2] =	sbarrier.arrive $0xFFFF  }
0x9e: {  	p0 =	sne.s32 s0, $0x0;
	s0 =	rddreg [dreg:$0x3]  }
0x9f: {  	s0 =	sadd.s32 @!p0 $0x100000, s0  }
0xa0: {  	[sflag:s0] =	ssyncadd.tile.s32 @!p0 $0x1;
	_ =	shalt  }
.Lfunc_end2:
_tile_overlayer_lowered:
.L_overlay_start_2:
0xa1: {  	(tag) =	ssettag $0x2  }
0xa2: {  	s0 =	rddreg [dreg:$0x0];
	s2 =	stileid.u32  }
0xa3: {  	s1 =	rddreg [dreg:$0x1];
	p0 =	sne.s32 s2, $0x0  }
0xa4: {  	s3 =	rddreg [dreg:$0x2];
	[bflag:$0x3] =	sbarrier.arrive $0xFFFF;
	s2 =	simm.s32 @!p0 $0x1C02  }
0xa5: {  	[timem:s3], [sflag:s2] =	dma.local @!p0 [hbm:s0], s1  }
0xa6: {  	s0 =	simm.s32 @!p0 $0x2  }
0xa7: {  	_ =	swait.ge @!p0 [sflag:s0], s1  }
0xa8: {  	s1 =	ssub.s32 @!p0 $0x0, s1;
	[sflag:s0] =	ssyncset.done @!p0 $0x0  }
0xa9: {  	[sflag:s0] =	ssyncadd.s32 @!p0 s1  }
0xaa: {  	[bflag:$0x3] =	sbarrier.arrive $0xFFFF  }
0xab: {  	_ =	shalt  }

// kernel: kernel.19.cloned.1.call-start
scs
__scs_entry_jumppad:
0x0: {  	(pc) =	sbr.rel $0x88, $3  }
0x1: {  	(tag) =	ssettag $0x0;
	lr =	simm.s32 $0x1  }
0x2: {  	[smem:$0x3F97] =	sst lr;
	_ =	strace $0xD0000000  }
0x3: {  	_ = 	snop  }
0x4: {  	_ = 	snop  }
0x5: {  	_ = 	snop  }
0x6: {  	_ = 	snop  }
0x7: {  	_ = 	snop  }
__scs_overlays_trampoline_lowered:
0x8: {  	[smem:$0x3FA6] =	sst s0  }
0x9: {  	[smem:$0x3FA7] =	sst s1  }
0xa: {  	[smem:$0x3FA8] =	sst s2  }
0xb: {  	[smem:$0x3FA9] =	sst s3  }
0xc: {  	[smem:$0x3FAA] =	sst s4  }
0xd: {  	[smem:$0x3FAB] =	sst s5  }
0xe: {  	[smem:$0x3FAC] =	sst s6  }
0xf: {  	[smem:$0x3FAD] =	sst s7  }
0x10: {  	[smem:$0x3FAE] =	sst s8  }
0x11: {  	[smem:$0x3FAF] =	sst s9;
	s0 =	simm.s32 @!p0 $0x0  }
0x12: {  	s1 =	sld [smem:$0x3F95];
	s0 =	simm.s32 @p0 $0x1  }
0x13: {  	[smem:$0x3FB0] =	sst s0;
	s0 =	simm.s32 @!p1 $0x0  }
0x14: {  	s2 =	sld [smem:$0x3F94];
	s0 =	simm.s32 @p1 $0x1  }
0x15: {  	[smem:$0x3FB1] =	sst s0;
	s0 =	simm.s32 @!p2 $0x0  }
0x16: {  	s3 =	sld [smem:$0x3FDB];
	s0 =	simm.s32 @p2 $0x1  }
0x17: {  	s4 =	simm.s32 $0x1BF5;
	[smem:$0x3FB3] =	sst s0  }
0x18: {  	s0 =	sld [smem:$0x3F96];
	_ =	swait.ge [sflag:s4], $0x0  }
0x19: {  	s7 =	sld [smem:$0x3F97]  }
0x1a: {  	s8 =	sadd.s32 $0xFFFFE003, lr  }
0x1b: {  	s9 =	sadd.s32 $0xFFFFFEF7, lr;
	s5 =	simm.s32 $0xFFFFFFFF;
	p2 =	slt.u32 s8, $0xFFFFF086  }
0x1c: {  	p1 =	slt.u32 s9, $0xF7A;
	s5 =	simm.s32 @!p2 $0x0  }
0x1d: {  	s5 =	simm.s32 @p1 $0x1;
	p0 =	seq.s32 s7, s2  }
0x1e: {  	s7 =	smul.u32 @!p0 $0xF7A, s2;
	p2 =	seq.s32 @!p0 s5, $0x0  }
0x1f: {  	s9 =	smul.u32 $0xF7A, s1;
	s8 =	simm.s32 @!p0 $0x1BF5;
	p2 =	por !p2, p0  }
0x20: {  	[sflag:s8] =	ssyncset.s32 @!p0 $0xFFFFF086;
	s6 =	sadd.s32 @!p0 s3, s7;
	s7 =	simm.s32 @!p0 $0x108  }
0x21: {  	s3 =	sadd.s32 s3, s9;
	s6 =	sadd.s32 @!p0 $0x88, s6;
	s7 =	simm.s32 @p2 $0x1082  }
0x22: {  	[simem:s7], [sflag:s8] =	dma.local @!p0 [hbm:s6], $0xF7A  }
0x23: {  	s9 =	sor.u32 $0xD0000000, s2;
	s6 =	simm.s32 $0x108;
	_ =	swait.ge @!p0 [sflag:s8], $0x0  }
0x24: {  	s3 =	sadd.s32 $0x88, s3;
	s6 =	simm.s32 @!p1 $0x1082;
	[sflag:s4] =	ssyncset.s32 $0xFFFFF086  }
0x25: {  	[simem:s6], [sflag:s4] =	dma.local [hbm:s3], $0xF7A  }
0x26: {  	[smem:$0x3F97] =	sst s1;
	(tag) =	ssettag s2;
	_ =	strace s9  }
0x27: {  	s1 =	sld [smem:$0x3FA7]  }
0x28: {  	s2 =	sld [smem:$0x3FA8]  }
0x29: {  	s4 =	sld [smem:$0x3FAA]  }
0x2a: {  	p0 =	seq.s32 s5, $0x0;
	s5 =	sld [smem:$0x3FAB]  }
0x2b: {  	s6 =	sld [smem:$0x3FAC]  }
0x2c: {  	s7 =	sld [smem:$0x3FAD]  }
0x2d: {  	s3 =	simm.s32 $0x108;
	s8 =	sld [smem:$0x3FAE]  }
0x2e: {  	s3 =	simm.s32 @!p0 $0x1082;
	s9 =	sld [smem:$0x3FAF]  }
0x2f: {  	lr =	sadd.s32 s0, s3;
	s0 =	sld [smem:$0x3FA6]  }
0x30: {  	s3 =	sld [smem:$0x3FA9]  }
0x31: {  	[smem:$0x3FB2] =	sst s10  }
0x32: {  	s10 =	sld [smem:$0x3FB0];
	_ =	sdelay $0x3  }
0x33: {  	p0 =	seq.s32 s10, $0x1;
	s10 =	sld [smem:$0x3FB2];
	_ =	sdelay $0x3  }
0x34: {  	[smem:$0x3FB2] =	sst s10  }
0x35: {  	s10 =	sld [smem:$0x3FB1];
	_ =	sdelay $0x3  }
0x36: {  	p1 =	seq.s32 s10, $0x1;
	s10 =	sld [smem:$0x3FB2];
	_ =	sdelay $0x3  }
0x37: {  	[smem:$0x3FB2] =	sst s10  }
0x38: {  	s10 =	sld [smem:$0x3FB3]  }
0x39: {  	_ = 	snop;
	(pc) =	sbr.ind lr, $3  }
0x3a: {  	_ = 	snop  }
0x3b: {  	_ = 	snop  }
0x3c: {  	p2 =	seq.s32 s10, $0x1;
	s10 =	sld [smem:$0x3FB2]  }
0x3d: {  	_ =	shalt  }
0x3e: {  	_ =	shalt  }
0x3f: {  	_ =	shalt  }
0x40: {  	_ =	shalt  }
0x41: {  	_ =	shalt  }
0x42: {  	_ =	shalt  }
0x43: {  	_ =	shalt  }
0x44: {  	_ =	shalt  }
0x45: {  	_ =	shalt  }
0x46: {  	_ =	shalt  }
0x47: {  	_ =	shalt  }
0x48: {  	_ =	shalt  }
0x49: {  	_ =	shalt  }
0x4a: {  	_ =	shalt  }
0x4b: {  	_ =	shalt  }
0x4c: {  	_ =	shalt  }
0x4d: {  	_ =	shalt  }
0x4e: {  	_ =	shalt  }
0x4f: {  	_ =	shalt  }
0x50: {  	_ =	shalt  }
0x51: {  	_ =	shalt  }
0x52: {  	_ =	shalt  }
0x53: {  	_ =	shalt  }
0x54: {  	_ =	shalt  }
0x55: {  	_ =	shalt  }
0x56: {  	_ =	shalt  }
0x57: {  	_ =	shalt  }
0x58: {  	_ =	shalt  }
0x59: {  	_ =	shalt  }
0x5a: {  	_ =	shalt  }
0x5b: {  	_ =	shalt  }
0x5c: {  	_ =	shalt  }
0x5d: {  	_ =	shalt  }
0x5e: {  	_ =	shalt  }
0x5f: {  	_ =	shalt  }
0x60: {  	_ =	shalt  }
0x61: {  	_ =	shalt  }
0x62: {  	_ =	shalt  }
0x63: {  	_ =	shalt  }
0x64: {  	_ =	shalt  }
0x65: {  	_ =	shalt  }
0x66: {  	_ =	shalt  }
0x67: {  	_ =	shalt  }
0x68: {  	_ =	shalt  }
0x69: {  	_ =	shalt  }
0x6a: {  	_ =	shalt  }
0x6b: {  	_ =	shalt  }
0x6c: {  	_ =	shalt  }
0x6d: {  	_ =	shalt  }
0x6e: {  	_ =	shalt  }
0x6f: {  	_ =	shalt  }
0x70: {  	_ =	shalt  }
0x71: {  	_ =	shalt  }
0x72: {  	_ =	shalt  }
0x73: {  	_ =	shalt  }
0x74: {  	_ =	shalt  }
0x75: {  	_ =	shalt  }
0x76: {  	_ =	shalt  }
0x77: {  	_ =	shalt  }
0x78: {  	_ =	shalt  }
0x79: {  	_ =	shalt  }
0x7a: {  	_ =	shalt  }
0x7b: {  	_ =	shalt  }
0x7c: {  	_ =	shalt  }
0x7d: {  	_ =	shalt  }
0x7e: {  	_ =	shalt  }
0x7f: {  	_ =	shalt  }
0x80: {  	_ =	shalt  }
0x81: {  	_ =	shalt  }
0x82: {  	_ =	shalt  }
0x83: {  	_ =	shalt  }
0x84: {  	_ =	shalt  }
0x85: {  	_ =	shalt  }
0x86: {  	_ =	shalt  }
0x87: {  	_ =	shalt  }
.Lfunc_end0:
.L_simem_size_0:
called_computation.3_lowered:
.L_overlay_start_0:
0x88: {  	s2 =	sld [smem:$0x3FD9]  }
0x89: {  	s3 =	sld [smem:$0x3FFE];
	_ =	sdelay $0x1  }
0x8a: {  	s1 =	srdreg.scid  }
0x8b: {  	s0 =	sand.u32 $0x1, s1  }
0x8c: {  	s17 =	sshll.u32 s0, $0xA;
	s2 =	sadd.s32 s3, s2  }
0x8d: {  	s2 =	sadd.s32 s2, s17  }
0x8e: {  	[smem:$0x3FBE] =	sst s2  }
0x8f: {  	_ = 	snop  }
0x90: {  	s2 =	sld [smem:$0x3FD0];
	(tm) =	ssettm $0x1  }
0x91: {  	s18 =	sld [smem:$0x3FFB];
	_ =	sdelay $0x3  }
0x92: {  	_ =	strace s18  }
0x93: {  	s3 =	sld [smem:$0x3FFC];
	_ =	sdelay $0x3  }
0x94: {  	_ =	strace s3  }
0x95: {  	s3 =	sld [smem:$0x3FFD];
	_ =	sdelay $0x3  }
0x96: {  	_ =	strace s3  }
0x97: {  	_ =	strace $0x8FFFFFFF  }
0x98: {  	s19 =	sld [smem:$0x3FDB];
	_ =	sdelay $0x1  }
0x99: {  	s4 =	simm.s32 $_scs_section_size  }
0x9a: {  	s5 =	simm.s32 $_size__tile_overlayer_lowered;
	s6 =	simm.s32 $_tile_overlayer_lowered  }
0x9b: {  	s22 =	simm.s32 $0x1BFF;
	s21 =	sshll.u32 s6, $0x1;
	s3 =	sadd.s32 s4, s19  }
0x9c: {  	s7 =	simm.s32 $0x0;
	s20 =	sshll.u32 s5, $0x1;
	s5 =	sadd.s32 s21, s3  }
0x9d: {  	[timem:s7], [sflag:s22] =	dma.local [hbm:s5], s20  }
0x9e: {  	_ =	swait.ge [sflag:s22], s20  }
0x9f: {  	s4 =	ssub.s32 $0x0, s20;
	[sflag:s22] =	ssyncset.done $0x0  }
0xa0: {  	[sflag:s22] =	ssyncadd.s32 s4;
	_ =	sdelay $0x1  }
0xa1: {  	s23 =	simm.s32 $0x1B8B  }
0xa2: {  	_ =	swait.ge [sflag:s23], $0x1  }
0xa3: {  	[sflag:s23] =	ssyncset.done $0x0  }
0xa4: {  	s25 =	simm.s32 $0x1B8E;
	s24 =	sld [smem:$0x3FFE];
	[sflag:s23] =	ssyncadd.s32 $0xFFFFFFFF  }
0xa5: {  	s26 =	simm.s32 $execute0_lowered;
	[smem:$0x3FD2] =	sst s25  }
0xa6: {  	s5 =	sshll.u32 s26, $0x1;
	_ =	strace $0x8000004F;
	[dreg:$0x1] =	wrdreg $0xFFFFFFFF  }
0xa7: {  	s28 =	simm.s32 $_size_execute0_lowered;
	s3 =	sadd.s32 s3, s5;
	[dreg:$0x0] =	wrdreg $0x0  }
0xa8: {  	s5 =	sshll.u32 s28, $0x1;
	[dreg:$0x2] =	wrdreg s3  }
0xa9: {  	[dreg:$0x3] =	wrdreg s5  }
0xaa: {  	[dreg:$0x4] =	wrdreg $0xC0  }
0xab: {  	_ =	task [dreg:s7], $0x5FFFF  }
0xac: {  	[dreg:$0x1] =	wrdreg $0xFFFFFFFF  }
0xad: {  	[dreg:$0x0] =	wrdreg $0x60  }
0xae: {  	[dreg:$0x2] =	wrdreg s2  }
0xaf: {  	[dreg:$0x3] =	wrdreg s24  }
0xb0: {  	[dreg:$0x4] =	wrdreg $0xBF000  }
0xb1: {  	[dreg:$0x5] =	wrdreg $0x6F000  }
0xb2: {  	[dreg:$0x6] =	wrdreg $0x9  }
0xb3: {  	_ =	task.clear_ibuf [dreg:s7], $0x7FFFF;
	_ =	strace $0x9000004F  }
0xb4: {  	s29 =	simm.s32 $0x9;
	_ =	strace $0x80000051  }
0xb5: {  	_ =	swait.ge [sflag:s29], $0x1  }
0xb6: {  	[sflag:s29] =	ssyncadd.s32 $0xFFFFFFFF  }
0xb7: {  	_ =	strace $0x90000051  }
0xb8: {  	_ =	sfence  }
0xb9: {  	s30 =	sld [smem:$0x0];
	_ =	sdelay $0x2  }
0xba: {  	s31 =	sshll.u32 s1, $0xD;
	s1 =	sshrl.u32 s1, $0x2  }
0xbb: {  	s3 =	sand.u32 $0x4000, s31;
	s1 =	sadd.s32 s1, s30  }
0xbc: {  	s0 =	sor.u32 s3, s0;
	s1 =	sshll.u32 s1, $0x11  }
0xbd: {  	s0 =	sor.u32 s1, s0  }
0xbe: {  	s0 =	sadd.s32 $0x8F2B, s0  }
0xbf: {  	[sflag:s0] =	ssyncadd.remote.s32 $0x1  }
0xc0: {  	_ =	sfence.sel $0xFFFF  }
0xc1: {  	[dreg:$0x0] =	wrdreg $0xFFFFFFFF;
	(pc) =	sbr.abs _section_cstart, $3  }
0xc2: {  	[dreg:$0x1] =	wrdreg $0xFFFFFFFF  }
0xc3: {  	_ =	task.clear_ibuf [dreg:s7], $0x2FFFF;
	_ =	strace $0x9FFFFFFF  }
0xc4: {  	(tm) =	ssettm $0x7FFFFFFF  }
0xc5: {  	_ =	shalt  }
tec
execute0_lowered:
.L_overlay_start_1:
0x0: {  	(tag) =	ssettag $0x1  }
0x1: {  	s0 =	rddreg [dreg:$0x0]  }
0x2: {  	s1 =	rddreg [dreg:$0x1]  }
0x3: {  	s3 =	srdreg.scid;
	s2 =	rddreg [dreg:$0x2]  }
0x4: {  	s9 =	stileid.u32;
	s4 =	simm.s32 $0x0;
	s29 =	simm.s32 $0x2  }
0x5: {  	s31 =	simm.s32 $0x5F00;
	s30 =	simm.s32 $0x1;
	s7 =	smul.u32 $0x4F, s9  }
0x6: {  	s5 =	sand.u32 $0x1, s3;
	s3 =	rddreg [dreg:$0x3];
	s17 =	smul.u32 $0x5000, s9  }
0x7: {  	[smem:$0x7FF] =	sst s4;
	s6 =	smul.u32 $0x4F0, s5;
	s13 =	ssub.s32 $0x2, s5  }
0x8: {  	_ =	strace $0x80000050;
	s5 =	smul.u32 $0x50000, s5;
	s8 =	sshrl.u32 s13, $0x1  }
0x9: {  	s15 =	sshrl.u32 s17, $0x3;
	s18 =	sadd.s32 $0x1000, s17;
	s23 =	sadd.s32 s17, s2  }
0xa: {  	s19 =	sadd.s32 $0x2000, s17;
	s20 =	sadd.s32 $0x3000, s17;
	s6 =	sadd.s32 s7, s6  }
0xb: {  	s7 =	ssub.s32 s13, s8;
	s16 =	sshrl.u32 s18, $0x3;
	s21 =	sshrl.u32 s19, $0x3  }
0xc: {  	s10 =	sshrl.u32 s20, $0x3;
	s11 =	sadd.s32 s17, s5;
	s12 =	sadd.s32 s5, s18  }
0xd: {  	s24 =	sadd.s32 s5, s19;
	s25 =	sadd.s32 s5, s20;
	s23 =	sshrl.u32 s23, $0x3  }
0xe: {  	s6 =	sshll.u32 s6, $0x4;
	s8 =	sadd.s32 s0, s16;
	s22 =	sadd.s32 s0, s21  }
0xf: {  	s10 =	sadd.s32 s0, s10;
	s21 =	sadd.s32 $0x4000, s17;
	s26 =	sshrl.u32 s25, $0x3  }
0x10: {  	s17 =	sadd.s32 s17, s3;
	s6 =	sadd.s32 s6, s1;
	[dreg:$0x8] =	wrdreg s8  }
0x11: {  	s1 =	sadd.s32 $0x15E00, s1;
	[dreg:$0x9] =	wrdreg s22;
	s13 =	sshrl.u32 s21, $0x3  }
0x12: {  	s5 =	sadd.s32 s5, s21;
	s8 =	sadd.s32 s20, s2;
	s20 =	sadd.s32 s20, s3  }
0x13: {  	s9 =	sadd.s32 s21, s2;
	s21 =	sadd.s32 s21, s3;
	s14 =	sadd.s32 $0xC000, s6  }
0x14: {  	s22 =	smax.u32 s7, $0x1;
	s6 =	sadd.s32 $0x2200, s6;
	[dreg:$0x5] =	wrdreg s14  }
0x15: {  	s5 =	sshrl.u32 s5, $0x3;
	s28 =	sshrl.u32 s9, $0x3;
	[dreg:$0x6] =	wrdreg s6  }
0x16: {  	s6 =	sadd.s32 s0, s15;
	s14 =	sshrl.u32 s11, $0x3;
	s15 =	sshrl.u32 s12, $0x3  }
0x17: {  	s11 =	sadd.s32 s0, s13;
	s0 =	sshrl.u32 s24, $0x3;
	s16 =	sadd.s32 s1, s5  }
0x18: {  	s5 =	sadd.s32 s19, s2;
	s19 =	sadd.s32 s19, s3;
	[dreg:$0x7] =	wrdreg s6  }
0x19: {  	s6 =	sadd.s32 s18, s2;
	s12 =	sadd.s32 s1, s14;
	s13 =	sadd.s32 s1, s15  }
0x1a: {  	s14 =	sadd.s32 s1, s0;
	s15 =	sadd.s32 s1, s26;
	s18 =	sadd.s32 s18, s3  }
0x1b: {  	s25 =	sshrl.u32 s5, $0x3;
	s26 =	sshrl.u32 s8, $0x3;
	s1 =	simm.s32 $0x80  }
0x1c: {  	v0 =	vimm.f32 $0.0e+00;
	s0 =	simm.s32 $0x4F00;
	s5 =	simm.s32 $0x0;
	s24 =	sshrl.u32 s6, $0x3  }
.LBB2_1:
0x1d: {  	s6 =	rddreg [dreg:$0x5]  }
0x1e: {  	[tilespmem:s4], [sflag:$0x2] =	stream.linear.gather [hbm4b:s6+s4], $0x2780, $0x38;
	[tilespmem:$0x10F00] =	vst v63  }
0x1f: {  	_ =	swait.ge [sflag:s29], $0x2780  }
0x20: {  	[sflag:s29] =	ssyncset.done $0x0  }
0x21: {  	s7 =	simm.s32 $0x2780;
	s9 =	rddreg [dreg:$0x6];
	[sflag:s29] =	ssyncadd.s32 $0xFFFFD880  }
0x22: {  	[tilespmem:s7], [sflag:$0x2] =	stream.linear.gather [hbm4b:s9+s4], $0x2780, $0x38;
	[tilespmem:$0x10F00] =	vst v63  }
0x23: {  	s8 =	stileid.u32;
	_ =	swait.ge [sflag:s29], $0x2780  }
0x24: {  	s6 =	sshll.u32 s8, $0x6;
	[sflag:s29] =	ssyncset.done $0x0  }
0x25: {  	s6 =	sor.u32 $0x1C02, s6;
	s9 =	rddreg [dreg:$0x7];
	[sflag:s29] =	ssyncadd.s32 $0xFFFFD880  }
0x26: {  	[spmem:s23], [sflag:s6] =	dma.local [hbm:s9], $0x200  }
0x27: {  	_ =	swait.ge [sflag:s29], $0x200  }
0x28: {  	[sflag:s29] =	ssyncset.done $0x0  }
0x29: {  	s8 =	rddreg [dreg:$0x8];
	[sflag:s29] =	ssyncadd.s32 $0xFFFFFE00  }
0x2a: {  	[spmem:s24], [sflag:s6] =	dma.local [hbm:s8], $0x200  }
0x2b: {  	_ =	swait.ge [sflag:s29], $0x200  }
0x2c: {  	[sflag:s29] =	ssyncset.done $0x0  }
0x2d: {  	s9 =	rddreg [dreg:$0x9];
	[sflag:s29] =	ssyncadd.s32 $0xFFFFFE00  }
0x2e: {  	[spmem:s25], [sflag:s6] =	dma.local [hbm:s9], $0x200  }
0x2f: {  	_ =	swait.ge [sflag:s29], $0x200  }
0x30: {  	[sflag:s29] =	ssyncset.done $0x0  }
0x31: {  	[sflag:s29] =	ssyncadd.s32 $0xFFFFFE00  }
0x32: {  	[spmem:s26], [sflag:s6] =	dma.local [hbm:s10], $0x200  }
0x33: {  	_ =	swait.ge [sflag:s29], $0x200  }
0x34: {  	[sflag:s29] =	ssyncset.done $0x0  }
0x35: {  	[sflag:s29] =	ssyncadd.s32 $0xFFFFFE00  }
0x36: {  	[spmem:s28], [sflag:s6] =	dma.local [hbm:s11], $0x200  }
0x37: {  	_ =	swait.ge [sflag:s29], $0x200  }
0x38: {  	[sflag:s29] =	ssyncset.done $0x0  }
0x39: {  	s7 =	simm.s32 $0x0;
	s6 =	simm.s32 $0x80;
	[sflag:s29] =	ssyncadd.s32 $0xFFFFFE00  }
.LBB2_2:
0x3a: {  	p0 =	sne.s32 s6, $0x3F80;
	[tilespmem:s7+$0x5F00] =	vst v0;
	s8 =	smov.u32 s6;
	s6 =	sadd.s32 $0x80, s6  }
.Ltmp0:
0x3b: {  	[tilespmem:s7+$0x5F10] =	vst v0;
	(pc) =	sbr.rel @p0 .LBB2_2-.Ltmp0, $2  }
0x3c: {  	_ =	sdelay $0x2  }
0x3d: {  	s7 =	sshra.s32 s8, $0x2  }
0x3e: {  	[tilespmem:s7+$0x5F00] =	vst v0  }
0x3f: {  	[tilespmem:s7+$0x5F10] =	vst v0  }
0x40: {  	[spmem:s17] =	stream.linear.scatter [tilespmem:s31], [sflag:$0x2], $0x1000, $0x38;
	[tilespmem:$0x10F00] =	vst v63  }
0x41: {  	_ =	swait.ge [sflag:s29], $0x1000  }
0x42: {  	[sflag:s29] =	ssyncset.done $0x0  }
0x43: {  	[sflag:s29] =	ssyncadd.s32 $0xFFFFF000  }
0x44: {  	[spmem:s18] =	stream.linear.scatter [tilespmem:s31], [sflag:$0x2], $0x1000, $0x38;
	[tilespmem:$0x10F00] =	vst v63  }
0x45: {  	_ =	swait.ge [sflag:s29], $0x1000  }
0x46: {  	[sflag:s29] =	ssyncset.done $0x0  }
0x47: {  	[sflag:s29] =	ssyncadd.s32 $0xFFFFF000  }
0x48: {  	[spmem:s19] =	stream.linear.scatter [tilespmem:s31], [sflag:$0x2], $0x1000, $0x38;
	[tilespmem:$0x10F00] =	vst v63  }
0x49: {  	_ =	swait.ge [sflag:s29], $0x1000  }
0x4a: {  	[sflag:s29] =	ssyncset.done $0x0  }
0x4b: {  	[sflag:s29] =	ssyncadd.s32 $0xFFFFF000  }
0x4c: {  	[spmem:s20] =	stream.linear.scatter [tilespmem:s31], [sflag:$0x2], $0x1000, $0x38;
	[tilespmem:$0x10F00] =	vst v63  }
0x4d: {  	_ =	swait.ge [sflag:s29], $0x1000  }
0x4e: {  	[sflag:s29] =	ssyncset.done $0x0  }
0x4f: {  	[sflag:s29] =	ssyncadd.s32 $0xFFFFF000  }
0x50: {  	[spmem:s21] =	stream.linear.scatter [tilespmem:s31], [sflag:$0x2], $0x1000, $0x38;
	[tilespmem:$0x10F00] =	vst v63  }
0x51: {  	_ =	swait.ge [sflag:s29], $0x1000  }
0x52: {  	[sflag:s29] =	ssyncset.done $0x0  }
0x53: {  	[sflag:s29] =	ssyncadd.s32 $0xFFFFF000  }
0x54: {  	s6 =	simm.s32 $0x0;
	[bflag:$0x0] =	sbarrier.arrive $0xFFFF  }
0x55: {  	[tilespmem:s0], [sflag:$0x1] =	stream.indirect.gather [spmem:s2], $0x20, s6, s1, $0xb8;
	[tilespmem:$0x10F00] =	vst v63  }
0x56: {  	_ =	swait.ge [sflag:s30], $0x1000  }
0x57: {  	[sflag:s30] =	ssyncset.done $0x0  }
0x58: {  	s9 =	simm.s32 $0x2780;
	[sflag:s30] =	ssyncadd.s32 $0xFFFFF000  }
0x59: {  	[spmem:s3] =	stream.indirect.scatter.add.f32 [tilespmem:s0], [sflag:$0x1], $0x20, s9, s1, $0xb8;
	[tilespmem:$0x10F00] =	vst v63  }
0x5a: {  	_ =	swait.ge [sflag:s30], $0x1000  }
0x5b: {  	s7 =	simm.s32 $0x400;
	s6 =	simm.s32 $0x200;
	[sflag:s30] =	ssyncset.done $0x0  }
.LBB2_4:
0x5c: {  	s8 =	sshra.s32 s6, $0x2  }
0x5d: {  	[sflag:s30] =	ssyncadd.s32 $0xFFFFF000;
	s6 =	smov.u32 s7;
	s9 =	sadd.s32 $0x200, s7  }
0x5e: {  	[tilespmem:s0], [sflag:$0x1] =	stream.indirect.gather [spmem:s2], $0x20, s8, s1, $0xb8;
	[tilespmem:$0x10F00] =	vst v63  }
0x5f: {  	p0 =	sne.s32 s7, $0x9C00;
	_ =	swait.ge [sflag:s30], $0x1000  }
.Ltmp1:
0x60: {  	[sflag:s30] =	ssyncset.done $0x0;
	(pc) =	sbr.rel @p0 .LBB2_4-.Ltmp1, $4  }
0x61: {  	s7 =	sadd.s32 $0x2780, s8;
	[sflag:s30] =	ssyncadd.s32 $0xFFFFF000  }
0x62: {  	[spmem:s3] =	stream.indirect.scatter.add.f32 [tilespmem:s0], [sflag:$0x1], $0x20, s7, s1, $0xb8;
	[tilespmem:$0x10F00] =	vst v63  }
0x63: {  	_ =	swait.ge [sflag:s30], $0x1000  }
0x64: {  	s7 =	smov.u32 s9;
	[sflag:s30] =	ssyncset.done $0x0  }
0x65: {  	s6 =	sshra.s32 s6, $0x2;
	[sflag:s30] =	ssyncadd.s32 $0xFFFFF000  }
0x66: {  	[tilespmem:s0], [sflag:$0x1] =	stream.indirect.gather [spmem:s2], $0x20, s6, s1, $0xb8;
	[tilespmem:$0x10F00] =	vst v63  }
0x67: {  	_ =	swait.ge [sflag:s30], $0x1000  }
0x68: {  	[sflag:s30] =	ssyncset.done $0x0  }
0x69: {  	s6 =	sadd.s32 $0x2780, s6;
	[sflag:s30] =	ssyncadd.s32 $0xFFFFF000  }
0x6a: {  	[spmem:s3] =	stream.indirect.scatter.add.f32 [tilespmem:s0], [sflag:$0x1], $0x20, s6, s1, $0xb8;
	[tilespmem:$0x10F00] =	vst v63  }
0x6b: {  	_ =	swait.ge [sflag:s30], $0x1000  }
0x6c: {  	[sflag:s30] =	ssyncset.done $0x0  }
0x6d: {  	[sflag:s30] =	ssyncadd.s32 $0xFFFFF000  }
0x6e: {  	[bflag:$0x0] =	sbarrier.arrive $0xFFFF  }
0x6f: {  	[tilespmem:s31], [sflag:$0x2] =	stream.linear.gather [spmem:s17], $0x1000, $0x38;
	[tilespmem:$0x10F00] =	vst v63  }
0x70: {  	_ =	swait.ge [sflag:s29], $0x1000  }
0x71: {  	[sflag:s29] =	ssyncset.done $0x0  }
0x72: {  	[sflag:s29] =	ssyncadd.s32 $0xFFFFF000  }
0x73: {  	[hbm4b:s12+s4] =	stream.linear.scatter [tilespmem:s31], [sflag:$0x2], $0x1000, $0x38;
	[tilespmem:$0x10F00] =	vst v63  }
0x74: {  	_ =	swait.ge [sflag:s29], $0x1000  }
0x75: {  	[sflag:s29] =	ssyncset.done $0x0  }
0x76: {  	[sflag:s29] =	ssyncadd.s32 $0xFFFFF000  }
0x77: {  	[tilespmem:s31], [sflag:$0x2] =	stream.linear.gather [spmem:s18], $0x1000, $0x38;
	[tilespmem:$0x10F00] =	vst v63  }
0x78: {  	_ =	swait.ge [sflag:s29], $0x1000  }
0x79: {  	[sflag:s29] =	ssyncset.done $0x0  }
0x7a: {  	[sflag:s29] =	ssyncadd.s32 $0xFFFFF000  }
0x7b: {  	[hbm4b:s13+s4] =	stream.linear.scatter [tilespmem:s31], [sflag:$0x2], $0x1000, $0x38;
	[tilespmem:$0x10F00] =	vst v63  }
0x7c: {  	_ =	swait.ge [sflag:s29], $0x1000  }
0x7d: {  	[sflag:s29] =	ssyncset.done $0x0  }
0x7e: {  	[sflag:s29] =	ssyncadd.s32 $0xFFFFF000  }
0x7f: {  	[tilespmem:s31], [sflag:$0x2] =	stream.linear.gather [spmem:s19], $0x1000, $0x38;
	[tilespmem:$0x10F00] =	vst v63  }
0x80: {  	_ =	swait.ge [sflag:s29], $0x1000  }
0x81: {  	[sflag:s29] =	ssyncset.done $0x0  }
0x82: {  	[sflag:s29] =	ssyncadd.s32 $0xFFFFF000  }
0x83: {  	[hbm4b:s14+s4] =	stream.linear.scatter [tilespmem:s31], [sflag:$0x2], $0x1000, $0x38;
	[tilespmem:$0x10F00] =	vst v63  }
0x84: {  	_ =	swait.ge [sflag:s29], $0x1000  }
0x85: {  	[sflag:s29] =	ssyncset.done $0x0  }
0x86: {  	[sflag:s29] =	ssyncadd.s32 $0xFFFFF000  }
0x87: {  	[tilespmem:s31], [sflag:$0x2] =	stream.linear.gather [spmem:s20], $0x1000, $0x38;
	[tilespmem:$0x10F00] =	vst v63  }
0x88: {  	_ =	swait.ge [sflag:s29], $0x1000  }
0x89: {  	[sflag:s29] =	ssyncset.done $0x0  }
0x8a: {  	[sflag:s29] =	ssyncadd.s32 $0xFFFFF000  }
0x8b: {  	[hbm4b:s15+s4] =	stream.linear.scatter [tilespmem:s31], [sflag:$0x2], $0x1000, $0x38;
	[tilespmem:$0x10F00] =	vst v63  }
0x8c: {  	_ =	swait.ge [sflag:s29], $0x1000  }
0x8d: {  	[sflag:s29] =	ssyncset.done $0x0  }
0x8e: {  	[sflag:s29] =	ssyncadd.s32 $0xFFFFF000  }
0x8f: {  	[tilespmem:s31], [sflag:$0x2] =	stream.linear.gather [spmem:s21], $0x1000, $0x38;
	[tilespmem:$0x10F00] =	vst v63  }
0x90: {  	s5 =	sadd.s32 $0x1, s5;
	_ =	swait.ge [sflag:s29], $0x1000  }
0x91: {  	p0 =	sne.s32 s5, s22;
	[sflag:s29] =	ssyncset.done $0x0  }
.Ltmp2:
0x92: {  	[sflag:s29] =	ssyncadd.s32 $0xFFFFF000;
	(pc) =	sbr.rel @p0 .LBB2_1-.Ltmp2, $4  }
0x93: {  	[hbm4b:s16+s4] =	stream.linear.scatter [tilespmem:s31], [sflag:$0x2], $0x1000, $0x38;
	[tilespmem:$0x10F00] =	vst v63  }
0x94: {  	_ =	swait.ge [sflag:s29], $0x1000  }
0x95: {  	[sflag:s29] =	ssyncset.done $0x0  }
0x96: {  	[sflag:s29] =	ssyncadd.s32 $0xFFFFF000  }
0x97: {  	_ =	sfence.sel $0x180000  }
0x98: {  	[bflag:$0x0] =	sbarrier.arrive $0xFFFF  }
0x99: {  	_ =	strace $0x90000050  }
0x9a: {  	s0 =	stileid.u32;
	[bflag:$0x2] =	sbarrier.arrive $0xFFFF  }
0x9b: {  	p0 =	sne.s32 s0, $0x0;
	s0 =	rddreg [dreg:$0x4]  }
0x9c: {  	s0 =	sadd.s32 @!p0 $0x100000, s0  }
0x9d: {  	[sflag:s0] =	ssyncadd.tile.s32 @!p0 $0x1;
	_ =	shalt  }
.Lfunc_end2:
_tile_overlayer_lowered:
.L_overlay_start_2:
0x9e: {  	(tag) =	ssettag $0x2  }
0x9f: {  	s0 =	rddreg [dreg:$0x0];
	s2 =	stileid.u32  }
0xa0: {  	s1 =	rddreg [dreg:$0x1];
	p0 =	sne.s32 s2, $0x0  }
0xa1: {  	s3 =	rddreg [dreg:$0x2];
	[bflag:$0x3] =	sbarrier.arrive $0xFFFF;
	s2 =	simm.s32 @!p0 $0x1C02  }
0xa2: {  	[timem:s3], [sflag:s2] =	dma.local @!p0 [hbm:s0], s1  }
0xa3: {  	s0 =	simm.s32 @!p0 $0x2  }
0xa4: {  	_ =	swait.ge @!p0 [sflag:s0], s1  }
0xa5: {  	s1 =	ssub.s32 @!p0 $0x0, s1;
	[sflag:s0] =	ssyncset.done @!p0 $0x0  }
0xa6: {  	[sflag:s0] =	ssyncadd.s32 @!p0 s1  }
0xa7: {  	[bflag:$0x3] =	sbarrier.arrive $0xFFFF  }
0xa8: {  	_ =	shalt  }

</sc_bundles>
